<compile_context>
chip_gen: v7x
topology: tpu7x:2x2x1
jax: 0.10.2.dev20260603
libtpu: 0.0.44.dev20260713+nightly
codegen_flags: <defaults>
</compile_context>

<pallas_src>
import functools

import jax
import jax.numpy as jnp
from jax import lax
from jax.experimental import pallas as pl
from jax.experimental.pallas import tpu as pltpu
from jax.experimental.pallas import tpu_sc as plsc

N_NODES = 10000
N_EDGES = 320000
D = 128

NC = 2
NS = 16
NW = NC * NS

CHUNK = 128
CHUNKS = 80
E_PAD = NW * CHUNKS * CHUNK
N_PAD = 10240
DUMMY_DST = N_NODES
ROWS_PER_TILE = N_PAD // NS
NBUF = 2
WCH = 8
NPAIR = CHUNKS // (2 * WCH)


def _segment_sum_sc(table, src3, dst3):
    mesh = plsc.VectorSubcoreMesh(
        core_axis_name="c", subcore_axis_name="s", num_cores=NC, num_subcores=NS
    )

    @functools.partial(
        pl.kernel,
        mesh=mesh,
        out_type=jax.ShapeDtypeStruct((NC, N_PAD, D), jnp.float32),
        scratch_types=[
            pltpu.VMEM((CHUNKS, CHUNK), jnp.int32),
            pltpu.VMEM((WCH, CHUNK), jnp.int32),
            pltpu.VMEM((WCH, CHUNK), jnp.int32),
            pltpu.VMEM((CHUNK, D), jnp.float32),
            pltpu.VMEM((CHUNK, D), jnp.float32),
            pltpu.VMEM_SHARED((N_PAD, D), jnp.float32),
            pltpu.SemaphoreType.DMA,
            pltpu.SemaphoreType.DMA,
            pltpu.SemaphoreType.DMA,
        ],
    )
    def k(table_hbm, src_hbm, dst_hbm, out_hbm, sidx, dwa, dwb, r0, r1, acc,
          gs0, gs1, isem):
        rows = (r0, r1)
        gsem = (gs0, gs1)
        dw = (dwa, dwb)
        c = lax.axis_index("c")
        s = lax.axis_index("s")
        wid = s * NC + c

        def zero_body(i, carry):
            r = i // 8
            col = (i % 8) * 16
            rows[0][r, pl.ds(col, 16)] = jnp.zeros((16,), jnp.float32)
            return carry

        lax.fori_loop(0, CHUNK * 8, zero_body, 0)
        for t in range(ROWS_PER_TILE // CHUNK):
            pltpu.sync_copy(
                rows[0], acc.at[pl.ds(s * ROWS_PER_TILE + t * CHUNK, CHUNK)]
            )
        plsc.subcore_barrier()

        pltpu.sync_copy(src_hbm.at[wid], sidx)
        pltpu.sync_copy(dst_hbm.at[wid, pl.ds(0, WCH)], dw[0])
        pltpu.async_copy(dst_hbm.at[wid, pl.ds(WCH, WCH)], dw[1], isem)
        for b in range(NBUF):
            pltpu.async_copy(table_hbm.at[sidx.at[b]], rows[b], gsem[b])

        def wait_gather(j, b):
            pltpu.make_async_copy(
                table_hbm.at[sidx.at[j]], rows[b], gsem[b]
            ).wait()

        def wait_dw(h):
            pltpu.make_async_copy(dst_hbm.at[wid, pl.ds(0, WCH)], dw[h], isem).wait()

        def step(i, t, half):
            j = i * (2 * WCH) + half * WCH + t
            b = (half * WCH + t) % NBUF
            wait_gather(j, b)
            pltpu.sync_copy(rows[b], acc.at[dw[half].at[t]], add=True)
            jn = j + NBUF

            @pl.when(jn < CHUNKS)
            def _():
                pltpu.async_copy(table_hbm.at[sidx.at[jn]], rows[b], gsem[b])

        def body(i, carry):
            @pl.when(i > 0)
            def _():
                wait_dw(0)

            for t in range(WCH):
                step(i, t, 0)
            wait_dw(1)

            @pl.when(i < NPAIR - 1)
            def _():
                pltpu.async_copy(
                    dst_hbm.at[wid, pl.ds((2 * i + 2) * WCH, WCH)], dw[0], isem
                )

            for t in range(WCH):
                step(i, t, 1)

            @pl.when(i < NPAIR - 1)
            def _():
                pltpu.async_copy(
                    dst_hbm.at[wid, pl.ds((2 * i + 3) * WCH, WCH)], dw[1], isem
                )

            return carry

        lax.fori_loop(0, NPAIR, body, 0)
        plsc.subcore_barrier()

        pltpu.sync_copy(
            acc.at[pl.ds(s * ROWS_PER_TILE, ROWS_PER_TILE)],
            out_hbm.at[c, pl.ds(s * ROWS_PER_TILE, ROWS_PER_TILE)],
        )

    return k(table, src3, dst3)


_BLK = 1280


def _combine_linear_relu(p, W, brow):

    def body(p_ref, w_ref, b_ref, o_ref):
        ssum = p_ref[0] + p_ref[1]
        o_ref[...] = jnp.maximum(
            jnp.dot(ssum, w_ref[...], preferred_element_type=jnp.float32)
            + b_ref[...],
            0.0,
        )

    return pl.pallas_call(
        body,
        grid=(N_PAD // _BLK,),
        in_specs=[
            pl.BlockSpec((2, _BLK, D), lambda i: (0, i, 0)),
            pl.BlockSpec((D, D), lambda i: (0, 0)),
            pl.BlockSpec((1, D), lambda i: (0, 0)),
        ],
        out_specs=pl.BlockSpec((_BLK, D), lambda i: (i, 0)),
        out_shape=jax.ShapeDtypeStruct((N_PAD, D), jnp.float32),
    )(p, W, brow)


def _combine_linear_relu_linear(q, W2, b2row, Wab, babrow):

    def body(q_ref, w2_ref, b2_ref, wab_ref, bab_ref, o_ref):
        ssum = q_ref[0] + q_ref[1]
        h = jnp.maximum(
            jnp.dot(ssum, w2_ref[...], preferred_element_type=jnp.float32)
            + b2_ref[...],
            0.0,
        )
        o_ref[...] = (
            jnp.dot(h, wab_ref[...], preferred_element_type=jnp.float32)
            + bab_ref[...]
        )

    return pl.pallas_call(
        body,
        grid=(N_PAD // _BLK,),
        in_specs=[
            pl.BlockSpec((2, _BLK, D), lambda i: (0, i, 0)),
            pl.BlockSpec((D, D), lambda i: (0, 0)),
            pl.BlockSpec((1, D), lambda i: (0, 0)),
            pl.BlockSpec((D, D), lambda i: (0, 0)),
            pl.BlockSpec((1, D), lambda i: (0, 0)),
        ],
        out_specs=pl.BlockSpec((_BLK, D), lambda i: (i, 0)),
        out_shape=jax.ShapeDtypeStruct((N_PAD, D), jnp.float32),
    )(q, W2, b2row, Wab, babrow)


@jax.jit
def kernel(x, edge_index, W1, b1, W2, b2, Wa, ba, Wb, bb):
    src = edge_index[0].astype(jnp.int32)
    dst = edge_index[1].astype(jnp.int32)
    pad = E_PAD - N_EDGES
    src3 = jnp.concatenate([src, jnp.zeros((pad,), jnp.int32)]).reshape(
        NW, CHUNKS, CHUNK
    )
    dst3 = jnp.concatenate(
        [dst, jnp.full((pad,), DUMMY_DST, jnp.int32)]
    ).reshape(NW, CHUNKS, CHUNK)

    d_a, d_b = Wa.shape[1], Wb.shape[1]
    Wab = jnp.zeros((D, D), jnp.float32)
    Wab = Wab.at[:, :d_a].set(Wa).at[:, d_a : d_a + d_b].set(Wb)
    bab = jnp.zeros((1, D), jnp.float32)
    bab = bab.at[0, :d_a].set(ba).at[0, d_a : d_a + d_b].set(bb)

    p1 = _segment_sum_sc(x, src3, dst3)
    h1 = _combine_linear_relu(p1, W1, b1.reshape(1, D))
    p2 = _segment_sum_sc(h1, src3, dst3)
    xab = _combine_linear_relu_linear(p2, W2, b2.reshape(1, D), Wab, bab)

    xa = xab[:N_NODES, :d_a]
    xb = xab[:N_NODES, d_a : d_a + d_b]
    return (xa, xb)

# --- scband reference (transcript-rebuilt; emitter-appended) ---
"""Pipeline reference for scband-net-32023276159004 (READ-ONLY COPY).

The authoritative reference and input builder live on the scoring server;
editing this copy changes nothing except your own understanding.
"""

import jax, jax.numpy as jnp
import numpy as np

N_NODES = 10000
N_EDGES = 320000
D_IN = 128
D_H = 128
D_A = 2
D_B = 16


def setup_inputs(seed: int = 0) -> dict:
    key = jax.random.key(seed)
    ks = jax.random.split(key, 12)
    x = jax.random.normal(ks[0], (N_NODES, D_IN), dtype=jnp.float32)
    edge_index = jax.random.randint(ks[1], (2, N_EDGES), 0, N_NODES, dtype=jnp.int64 if jax.config.jax_enable_x64 else jnp.int32)
    s1 = 1.0 / np.sqrt(D_IN)
    s2 = 1.0 / np.sqrt(D_H)
    W1 = jax.random.uniform(ks[2], (D_IN, D_H), jnp.float32, -s1, s1)
    b1 = jax.random.uniform(ks[3], (D_H,), jnp.float32, -s1, s1)
    W2 = jax.random.uniform(ks[4], (D_H, D_H), jnp.float32, -s2, s2)
    b2 = jax.random.uniform(ks[5], (D_H,), jnp.float32, -s2, s2)
    Wa = jax.random.uniform(ks[6], (D_H, D_A), jnp.float32, -s2, s2)
    ba = jax.random.uniform(ks[7], (D_A,), jnp.float32, -s2, s2)
    Wb = jax.random.uniform(ks[8], (D_H, D_B), jnp.float32, -s2, s2)
    bb = jax.random.uniform(ks[9], (D_B,), jnp.float32, -s2, s2)
    return {"x": x, "edge_index": edge_index, "W1": W1, "b1": b1, "W2": W2, "b2": b2, "Wa": Wa, "ba": ba, "Wb": Wb, "bb": bb}


def reference(x, edge_index, W1, b1, W2, b2, Wa, ba, Wb, bb):
    # DGL GCN layer: update_all(copy_src, sum) then apply_nodes(Linear + relu)
    src = edge_index[0]
    dst = edge_index[1]
    n = x.shape[0]
    # layer 1: aggregate raw features by sum over in-edges, then linear+relu
    h = jax.ops.segment_sum(x[src], dst, num_segments=n)
    h = jax.nn.relu(h @ W1 + b1)
    # layer 2
    h = jax.ops.segment_sum(h[src], dst, num_segments=n)
    h = jax.nn.relu(h @ W2 + b2)
    xa = h @ Wa + ba
    xb = h @ Wb + bb
    return (xa, xb)

if __name__ == "__main__":
    import jax
    _d = setup_inputs()
    print(jax.jit(kernel)(*tuple(_d.values())))

</pallas_src>

<mosaic_0001>
#map = affine_map<(d0, d1) -> (0, 0)>
#map1 = affine_map<(d0, d1) -> (0, 0, 0)>
module attributes {stable_mosaic.version = 14 : i64} {
  func.func @k(%arg0: i32, %arg1: i32, %arg2: memref<10000x128xf32, #tpu.memory_space<hbm>>, %arg3: memref<32x80x128xi32, #tpu.memory_space<hbm>>, %arg4: memref<32x80x128xi32, #tpu.memory_space<hbm>>, %arg5: memref<2x10240x128xf32, #tpu.memory_space<hbm>>, %arg6: memref<80x128xi32, #tpu.memory_space<vmem>>, %arg7: memref<8x128xi32, #tpu.memory_space<vmem>>, %arg8: memref<8x128xi32, #tpu.memory_space<vmem>>, %arg9: memref<128x128xf32, #tpu.memory_space<vmem>>, %arg10: memref<128x128xf32, #tpu.memory_space<vmem>>, %arg11: memref<10240x128xf32, #tpu.memory_space<vmem_shared>>, %arg12: memref<!tpu.dma_semaphore, #tpu.memory_space<semaphore_mem>>, %arg13: memref<!tpu.dma_semaphore, #tpu.memory_space<semaphore_mem>>, %arg14: memref<!tpu.dma_semaphore, #tpu.memory_space<semaphore_mem>>) attributes {dimension_semantics = [#tpu.dimension_semantics<core_parallel>, #tpu.dimension_semantics<subcore_parallel>], iteration_bounds = array<i64: 2, 16>, scalar_prefetch = 0 : i64, scratch_operands = 9 : i64, tpu.core_type = #tpu.core_type<sc_vector_subcore>, window_params = [{transform_indices = #map}, {transform_indices = #map1}, {transform_indices = #map1}, {transform_indices = #map1}]} {
    %mul3A = arith.constant 2 : i32
    %mul3A_0 = arith.muli %arg1, %mul3A : i32
    %add3A = arith.addi %mul3A_0, %arg0 : i32
    %scan3A = arith.constant 0 : i32
    %scan3A_1 = arith.constant 0 : i32
    %scan3A_2 = arith.constant 1024 : i32
    %scan3A_3 = arith.addi %scan3A_1, %scan3A_2 : i32
    %scan3A_4 = arith.constant 1 : i32
    scf.for %scan3A_58 = %scan3A_1 to %scan3A_3 step %scan3A_4  : i32 {
      %jit3A = arith.constant 8 : i32
      %div3A = arith.divsi %scan3A_58, %jit3A : i32
      %sign3A = arith.constant 0 : i32
      %sign3A_59 = arith.cmpi sgt, %scan3A_58, %sign3A : i32
      %sign3A_60 = arith.extui %sign3A_59 : i1 to i32
      %sign3A_61 = arith.constant 0 : i32
      %sign3A_62 = arith.cmpi slt, %scan3A_58, %sign3A_61 : i32
      %sign3A_63 = arith.extui %sign3A_62 : i1 to i32
      %sign3A_64 = arith.subi %sign3A_60, %sign3A_63 : i32
      %sign3A_65 = arith.constant 0 : i32
      %sign3A_66 = arith.cmpi sgt, %jit3A, %sign3A_65 : i32
      %sign3A_67 = arith.extui %sign3A_66 : i1 to i32
      %sign3A_68 = arith.constant 0 : i32
      %sign3A_69 = arith.cmpi slt, %jit3A, %sign3A_68 : i32
      %sign3A_70 = arith.extui %sign3A_69 : i1 to i32
      %sign3A_71 = arith.subi %sign3A_67, %sign3A_70 : i32
      %ne3A = arith.cmpi ne, %sign3A_64, %sign3A_71 : i32
      %rem3A = arith.remsi %scan3A_58, %jit3A : i32
      %ne3A_72 = arith.constant 0 : i32
      %ne3A_73 = arith.cmpi ne, %rem3A, %ne3A_72 : i32
      %and3A = arith.andi %ne3A, %ne3A_73 : i1
      %sub3A = arith.constant 1 : i32
      %sub3A_74 = arith.subi %div3A, %sub3A : i32
      %select_n3A = arith.select %and3A, %sub3A_74, %div3A : i32
      %jit3A_75 = arith.constant 8 : i32
      %eq3A = arith.constant 0 : i32
      %eq3A_76 = arith.cmpi eq, %jit3A_75, %eq3A : i32
      %jit3A_77 = arith.constant 1 : i32
      %select_n3A_78 = arith.select %eq3A_76, %jit3A_77, %jit3A_75 : i32
      %rem3A_79 = arith.remsi %scan3A_58, %select_n3A_78 : i32
      %ne3A_80 = arith.constant 0 : i32
      %ne3A_81 = arith.cmpi ne, %rem3A_79, %ne3A_80 : i32
      %lt3A = arith.constant 0 : i32
      %lt3A_82 = arith.cmpi slt, %rem3A_79, %lt3A : i32
      %lt3A_83 = arith.constant 0 : i32
      %lt3A_84 = arith.cmpi slt, %select_n3A_78, %lt3A_83 : i32
      %ne3A_85 = arith.xori %lt3A_82, %lt3A_84 : i1
      %and3A_86 = arith.andi %ne3A_85, %ne3A_81 : i1
      %add3A_87 = arith.addi %rem3A_79, %select_n3A_78 : i32
      %select_n3A_88 = arith.select %and3A_86, %add3A_87, %rem3A_79 : i32
      %mul3A_89 = arith.constant 16 : i32
      %mul3A_90 = arith.muli %select_n3A_88, %mul3A_89 : i32
      %broadcast_in_dim3A = arith.constant 0.000000e+00 : f32
      %broadcast_in_dim3A_91 = vector.broadcast %broadcast_in_dim3A : f32 to vector<16xf32>
      %swap3A = arith.index_cast %select_n3A : i32 to index
      %swap3A_92 = arith.index_cast %mul3A_90 : i32 to index
      %swap3A_93 = tpu.vector_load %arg9[%swap3A, %swap3A_92] {strides = array<i32>} : memref<128x128xf32, #tpu.memory_space<vmem>>, vector<1x16xf32>,
      %swap3A_94 = vector.shape_cast %swap3A_93 : vector<1x16xf32> to vector<16xf32>
      %swap3A_95 = vector.shape_cast %broadcast_in_dim3A_91 : vector<16xf32> to vector<1x16xf32>
      tpu.vector_store %arg9[%swap3A, %swap3A_92], %swap3A_95 {strides = array<i32>} : memref<128x128xf32, #tpu.memory_space<vmem>>, vector<1x16xf32>,
    }
    %scan3A_5 = arith.constant 1024 : i32
    %mul3A_6 = arith.constant 640 : i32
    %mul3A_7 = arith.muli %arg1, %mul3A_6 : i32
    %add3A_8 = arith.constant 0 : i32
    %add3A_9 = arith.addi %mul3A_7, %add3A_8 : i32
    "tpu.region"() ({
      %run_scoped3A = tpu.sem_alloc : memref<!tpu.dma_semaphore, #tpu.memory_space<semaphore_mem>>
      %dma_start3A_58 = arith.constant 0 : i32
      %dma_start3A_59 = tpu.memref_slice %arg11[%add3A_9, %dma_start3A_58] : memref<10240x128xf32, #tpu.memory_space<vmem_shared>> -> memref<128x128xf32, #tpu.memory_space<vmem_shared>>
      %dma_start3A_60 = arith.constant 0 : i32
      %dma_start3A_61 = tpu.memref_slice %arg11[%add3A_9, %dma_start3A_60] : memref<10240x128xf32, #tpu.memory_space<vmem_shared>> -> memref<128x128xf32, #tpu.memory_space<vmem_shared>>
      tpu.enqueue_dma source(%arg9 : memref<128x128xf32, #tpu.memory_space<vmem>>) target(%dma_start3A_61 : memref<128x128xf32, #tpu.memory_space<vmem_shared>>) target_semaphore(%run_scoped3A : memref<!tpu.dma_semaphore, #tpu.memory_space<semaphore_mem>>)
      %dma_wait3A = arith.constant 0 : i32
      %dma_wait3A_62 = tpu.memref_slice %arg11[%add3A_9, %dma_wait3A] : memref<10240x128xf32, #tpu.memory_space<vmem_shared>> -> memref<128x128xf32, #tpu.memory_space<vmem_shared>>
      %dma_wait3A_63 = arith.constant 0 : i32
      %dma_wait3A_64 = tpu.memref_slice %arg11[%add3A_9, %dma_wait3A_63] : memref<10240x128xf32, #tpu.memory_space<vmem_shared>> -> memref<128x128xf32, #tpu.memory_space<vmem_shared>>
      tpu.wait_dma2 semaphore(%run_scoped3A : memref<!tpu.dma_semaphore, #tpu.memory_space<semaphore_mem>>) src(%arg9 : memref<128x128xf32, #tpu.memory_space<vmem>>) dst(%dma_wait3A_64 : memref<128x128xf32, #tpu.memory_space<vmem_shared>>)
      tpu.yield
    }) : () -> ()
    %mul3A_10 = arith.constant 640 : i32
    %mul3A_11 = arith.muli %arg1, %mul3A_10 : i32
    %add3A_12 = arith.constant 128 : i32
    %add3A_13 = arith.addi %mul3A_11, %add3A_12 : i32
    "tpu.region"() ({
      %run_scoped3A = tpu.sem_alloc : memref<!tpu.dma_semaphore, #tpu.memory_space<semaphore_mem>>
      %dma_start3A_58 = arith.constant 0 : i32
      %dma_start3A_59 = tpu.memref_slice %arg11[%add3A_13, %dma_start3A_58] : memref<10240x128xf32, #tpu.memory_space<vmem_shared>> -> memref<128x128xf32, #tpu.memory_space<vmem_shared>>
      %dma_start3A_60 = arith.constant 0 : i32
      %dma_start3A_61 = tpu.memref_slice %arg11[%add3A_13, %dma_start3A_60] : memref<10240x128xf32, #tpu.memory_space<vmem_shared>> -> memref<128x128xf32, #tpu.memory_space<vmem_shared>>
      tpu.enqueue_dma source(%arg9 : memref<128x128xf32, #tpu.memory_space<vmem>>) target(%dma_start3A_61 : memref<128x128xf32, #tpu.memory_space<vmem_shared>>) target_semaphore(%run_scoped3A : memref<!tpu.dma_semaphore, #tpu.memory_space<semaphore_mem>>)
      %dma_wait3A = arith.constant 0 : i32
      %dma_wait3A_62 = tpu.memref_slice %arg11[%add3A_13, %dma_wait3A] : memref<10240x128xf32, #tpu.memory_space<vmem_shared>> -> memref<128x128xf32, #tpu.memory_space<vmem_shared>>
      %dma_wait3A_63 = arith.constant 0 : i32
      %dma_wait3A_64 = tpu.memref_slice %arg11[%add3A_13, %dma_wait3A_63] : memref<10240x128xf32, #tpu.memory_space<vmem_shared>> -> memref<128x128xf32, #tpu.memory_space<vmem_shared>>
      tpu.wait_dma2 semaphore(%run_scoped3A : memref<!tpu.dma_semaphore, #tpu.memory_space<semaphore_mem>>) src(%arg9 : memref<128x128xf32, #tpu.memory_space<vmem>>) dst(%dma_wait3A_64 : memref<128x128xf32, #tpu.memory_space<vmem_shared>>)
      tpu.yield
    }) : () -> ()
    %mul3A_14 = arith.constant 640 : i32
    %mul3A_15 = arith.muli %arg1, %mul3A_14 : i32
    %add3A_16 = arith.constant 256 : i32
    %add3A_17 = arith.addi %mul3A_15, %add3A_16 : i32
    "tpu.region"() ({
      %run_scoped3A = tpu.sem_alloc : memref<!tpu.dma_semaphore, #tpu.memory_space<semaphore_mem>>
      %dma_start3A_58 = arith.constant 0 : i32
      %dma_start3A_59 = tpu.memref_slice %arg11[%add3A_17, %dma_start3A_58] : memref<10240x128xf32, #tpu.memory_space<vmem_shared>> -> memref<128x128xf32, #tpu.memory_space<vmem_shared>>
      %dma_start3A_60 = arith.constant 0 : i32
      %dma_start3A_61 = tpu.memref_slice %arg11[%add3A_17, %dma_start3A_60] : memref<10240x128xf32, #tpu.memory_space<vmem_shared>> -> memref<128x128xf32, #tpu.memory_space<vmem_shared>>
      tpu.enqueue_dma source(%arg9 : memref<128x128xf32, #tpu.memory_space<vmem>>) target(%dma_start3A_61 : memref<128x128xf32, #tpu.memory_space<vmem_shared>>) target_semaphore(%run_scoped3A : memref<!tpu.dma_semaphore, #tpu.memory_space<semaphore_mem>>)
      %dma_wait3A = arith.constant 0 : i32
      %dma_wait3A_62 = tpu.memref_slice %arg11[%add3A_17, %dma_wait3A] : memref<10240x128xf32, #tpu.memory_space<vmem_shared>> -> memref<128x128xf32, #tpu.memory_space<vmem_shared>>
      %dma_wait3A_63 = arith.constant 0 : i32
      %dma_wait3A_64 = tpu.memref_slice %arg11[%add3A_17, %dma_wait3A_63] : memref<10240x128xf32, #tpu.memory_space<vmem_shared>> -> memref<128x128xf32, #tpu.memory_space<vmem_shared>>
      tpu.wait_dma2 semaphore(%run_scoped3A : memref<!tpu.dma_semaphore, #tpu.memory_space<semaphore_mem>>) src(%arg9 : memref<128x128xf32, #tpu.memory_space<vmem>>) dst(%dma_wait3A_64 : memref<128x128xf32, #tpu.memory_space<vmem_shared>>)
      tpu.yield
    }) : () -> ()
    %mul3A_18 = arith.constant 640 : i32
    %mul3A_19 = arith.muli %arg1, %mul3A_18 : i32
    %add3A_20 = arith.constant 384 : i32
    %add3A_21 = arith.addi %mul3A_19, %add3A_20 : i32
    "tpu.region"() ({
      %run_scoped3A = tpu.sem_alloc : memref<!tpu.dma_semaphore, #tpu.memory_space<semaphore_mem>>
      %dma_start3A_58 = arith.constant 0 : i32
      %dma_start3A_59 = tpu.memref_slice %arg11[%add3A_21, %dma_start3A_58] : memref<10240x128xf32, #tpu.memory_space<vmem_shared>> -> memref<128x128xf32, #tpu.memory_space<vmem_shared>>
      %dma_start3A_60 = arith.constant 0 : i32
      %dma_start3A_61 = tpu.memref_slice %arg11[%add3A_21, %dma_start3A_60] : memref<10240x128xf32, #tpu.memory_space<vmem_shared>> -> memref<128x128xf32, #tpu.memory_space<vmem_shared>>
      tpu.enqueue_dma source(%arg9 : memref<128x128xf32, #tpu.memory_space<vmem>>) target(%dma_start3A_61 : memref<128x128xf32, #tpu.memory_space<vmem_shared>>) target_semaphore(%run_scoped3A : memref<!tpu.dma_semaphore, #tpu.memory_space<semaphore_mem>>)
      %dma_wait3A = arith.constant 0 : i32
      %dma_wait3A_62 = tpu.memref_slice %arg11[%add3A_21, %dma_wait3A] : memref<10240x128xf32, #tpu.memory_space<vmem_shared>> -> memref<128x128xf32, #tpu.memory_space<vmem_shared>>
      %dma_wait3A_63 = arith.constant 0 : i32
      %dma_wait3A_64 = tpu.memref_slice %arg11[%add3A_21, %dma_wait3A_63] : memref<10240x128xf32, #tpu.memory_space<vmem_shared>> -> memref<128x128xf32, #tpu.memory_space<vmem_shared>>
      tpu.wait_dma2 semaphore(%run_scoped3A : memref<!tpu.dma_semaphore, #tpu.memory_space<semaphore_mem>>) src(%arg9 : memref<128x128xf32, #tpu.memory_space<vmem>>) dst(%dma_wait3A_64 : memref<128x128xf32, #tpu.memory_space<vmem_shared>>)
      tpu.yield
    }) : () -> ()
    %mul3A_22 = arith.constant 640 : i32
    %mul3A_23 = arith.muli %arg1, %mul3A_22 : i32
    %add3A_24 = arith.constant 512 : i32
    %add3A_25 = arith.addi %mul3A_23, %add3A_24 : i32
    "tpu.region"() ({
      %run_scoped3A = tpu.sem_alloc : memref<!tpu.dma_semaphore, #tpu.memory_space<semaphore_mem>>
      %dma_start3A_58 = arith.constant 0 : i32
      %dma_start3A_59 = tpu.memref_slice %arg11[%add3A_25, %dma_start3A_58] : memref<10240x128xf32, #tpu.memory_space<vmem_shared>> -> memref<128x128xf32, #tpu.memory_space<vmem_shared>>
      %dma_start3A_60 = arith.constant 0 : i32
      %dma_start3A_61 = tpu.memref_slice %arg11[%add3A_25, %dma_start3A_60] : memref<10240x128xf32, #tpu.memory_space<vmem_shared>> -> memref<128x128xf32, #tpu.memory_space<vmem_shared>>
      tpu.enqueue_dma source(%arg9 : memref<128x128xf32, #tpu.memory_space<vmem>>) target(%dma_start3A_61 : memref<128x128xf32, #tpu.memory_space<vmem_shared>>) target_semaphore(%run_scoped3A : memref<!tpu.dma_semaphore, #tpu.memory_space<semaphore_mem>>)
      %dma_wait3A = arith.constant 0 : i32
      %dma_wait3A_62 = tpu.memref_slice %arg11[%add3A_25, %dma_wait3A] : memref<10240x128xf32, #tpu.memory_space<vmem_shared>> -> memref<128x128xf32, #tpu.memory_space<vmem_shared>>
      %dma_wait3A_63 = arith.constant 0 : i32
      %dma_wait3A_64 = tpu.memref_slice %arg11[%add3A_25, %dma_wait3A_63] : memref<10240x128xf32, #tpu.memory_space<vmem_shared>> -> memref<128x128xf32, #tpu.memory_space<vmem_shared>>
      tpu.wait_dma2 semaphore(%run_scoped3A : memref<!tpu.dma_semaphore, #tpu.memory_space<semaphore_mem>>) src(%arg9 : memref<128x128xf32, #tpu.memory_space<vmem>>) dst(%dma_wait3A_64 : memref<128x128xf32, #tpu.memory_space<vmem_shared>>)
      tpu.yield
    }) : () -> ()
    %barrier3A = arith.constant 0 : index
    tpu.barrier barrier_id(%barrier3A)
    "tpu.region"() ({
      %run_scoped3A = tpu.sem_alloc : memref<!tpu.dma_semaphore, #tpu.memory_space<semaphore_mem>>
      %dma_start3A_58 = arith.constant 0 : i32
      %dma_start3A_59 = arith.constant 0 : i32
      %dma_start3A_60 = tpu.memref_slice %arg3[%add3A, %dma_start3A_58, %dma_start3A_59] : memref<32x80x128xi32, #tpu.memory_space<hbm>> -> memref<1x80x128xi32, #tpu.memory_space<hbm>>
      %dma_start3A_61 = tpu.memref_squeeze %dma_start3A_60 : memref<1x80x128xi32, #tpu.memory_space<hbm>> -> memref<80x128xi32, #tpu.memory_space<hbm>>
      %dma_start3A_62 = arith.constant 0 : i32
      %dma_start3A_63 = arith.constant 0 : i32
      %dma_start3A_64 = tpu.memref_slice %arg3[%add3A, %dma_start3A_62, %dma_start3A_63] : memref<32x80x128xi32, #tpu.memory_space<hbm>> -> memref<1x80x128xi32, #tpu.memory_space<hbm>>
      %dma_start3A_65 = tpu.memref_squeeze %dma_start3A_64 : memref<1x80x128xi32, #tpu.memory_space<hbm>> -> memref<80x128xi32, #tpu.memory_space<hbm>>
      tpu.enqueue_dma source(%dma_start3A_65 : memref<80x128xi32, #tpu.memory_space<hbm>>) target(%arg6 : memref<80x128xi32, #tpu.memory_space<vmem>>) target_semaphore(%run_scoped3A : memref<!tpu.dma_semaphore, #tpu.memory_space<semaphore_mem>>)
      %dma_wait3A = arith.constant 0 : i32
      %dma_wait3A_66 = arith.constant 0 : i32
      %dma_wait3A_67 = tpu.memref_slice %arg3[%add3A, %dma_wait3A, %dma_wait3A_66] : memref<32x80x128xi32, #tpu.memory_space<hbm>> -> memref<1x80x128xi32, #tpu.memory_space<hbm>>
      %dma_wait3A_68 = tpu.memref_squeeze %dma_wait3A_67 : memref<1x80x128xi32, #tpu.memory_space<hbm>> -> memref<80x128xi32, #tpu.memory_space<hbm>>
      %dma_wait3A_69 = arith.constant 0 : i32
      %dma_wait3A_70 = arith.constant 0 : i32
      %dma_wait3A_71 = tpu.memref_slice %arg3[%add3A, %dma_wait3A_69, %dma_wait3A_70] : memref<32x80x128xi32, #tpu.memory_space<hbm>> -> memref<1x80x128xi32, #tpu.memory_space<hbm>>
      %dma_wait3A_72 = tpu.memref_squeeze %dma_wait3A_71 : memref<1x80x128xi32, #tpu.memory_space<hbm>> -> memref<80x128xi32, #tpu.memory_space<hbm>>
      tpu.wait_dma2 semaphore(%run_scoped3A : memref<!tpu.dma_semaphore, #tpu.memory_space<semaphore_mem>>) src(%dma_wait3A_72 : memref<80x128xi32, #tpu.memory_space<hbm>>) dst(%arg6 : memref<80x128xi32, #tpu.memory_space<vmem>>)
      tpu.yield
    }) : () -> ()
    "tpu.region"() ({
      %run_scoped3A = tpu.sem_alloc : memref<!tpu.dma_semaphore, #tpu.memory_space<semaphore_mem>>
      %dma_start3A_58 = arith.constant 0 : i32
      %dma_start3A_59 = arith.constant 0 : i32
      %dma_start3A_60 = tpu.memref_slice %arg4[%add3A, %dma_start3A_58, %dma_start3A_59] : memref<32x80x128xi32, #tpu.memory_space<hbm>> -> memref<1x8x128xi32, #tpu.memory_space<hbm>>
      %dma_start3A_61 = tpu.memref_squeeze %dma_start3A_60 : memref<1x8x128xi32, #tpu.memory_space<hbm>> -> memref<8x128xi32, #tpu.memory_space<hbm>>
      %dma_start3A_62 = arith.constant 0 : i32
      %dma_start3A_63 = arith.constant 0 : i32
      %dma_start3A_64 = tpu.memref_slice %arg4[%add3A, %dma_start3A_62, %dma_start3A_63] : memref<32x80x128xi32, #tpu.memory_space<hbm>> -> memref<1x8x128xi32, #tpu.memory_space<hbm>>
      %dma_start3A_65 = tpu.memref_squeeze %dma_start3A_64 : memref<1x8x128xi32, #tpu.memory_space<hbm>> -> memref<8x128xi32, #tpu.memory_space<hbm>>
      tpu.enqueue_dma source(%dma_start3A_65 : memref<8x128xi32, #tpu.memory_space<hbm>>) target(%arg7 : memref<8x128xi32, #tpu.memory_space<vmem>>) target_semaphore(%run_scoped3A : memref<!tpu.dma_semaphore, #tpu.memory_space<semaphore_mem>>)
      %dma_wait3A = arith.constant 0 : i32
      %dma_wait3A_66 = arith.constant 0 : i32
      %dma_wait3A_67 = tpu.memref_slice %arg4[%add3A, %dma_wait3A, %dma_wait3A_66] : memref<32x80x128xi32, #tpu.memory_space<hbm>> -> memref<1x8x128xi32, #tpu.memory_space<hbm>>
      %dma_wait3A_68 = tpu.memref_squeeze %dma_wait3A_67 : memref<1x8x128xi32, #tpu.memory_space<hbm>> -> memref<8x128xi32, #tpu.memory_space<hbm>>
      %dma_wait3A_69 = arith.constant 0 : i32
      %dma_wait3A_70 = arith.constant 0 : i32
      %dma_wait3A_71 = tpu.memref_slice %arg4[%add3A, %dma_wait3A_69, %dma_wait3A_70] : memref<32x80x128xi32, #tpu.memory_space<hbm>> -> memref<1x8x128xi32, #tpu.memory_space<hbm>>
      %dma_wait3A_72 = tpu.memref_squeeze %dma_wait3A_71 : memref<1x8x128xi32, #tpu.memory_space<hbm>> -> memref<8x128xi32, #tpu.memory_space<hbm>>
      tpu.wait_dma2 semaphore(%run_scoped3A : memref<!tpu.dma_semaphore, #tpu.memory_space<semaphore_mem>>) src(%dma_wait3A_72 : memref<8x128xi32, #tpu.memory_space<hbm>>) dst(%arg7 : memref<8x128xi32, #tpu.memory_space<vmem>>)
      tpu.yield
    }) : () -> ()
    %dma_start3A = arith.constant 8 : i32
    %dma_start3A_26 = arith.constant 0 : i32
    %dma_start3A_27 = tpu.memref_slice %arg4[%add3A, %dma_start3A, %dma_start3A_26] : memref<32x80x128xi32, #tpu.memory_space<hbm>> -> memref<1x8x128xi32, #tpu.memory_space<hbm>>
    %dma_start3A_28 = tpu.memref_squeeze %dma_start3A_27 : memref<1x8x128xi32, #tpu.memory_space<hbm>> -> memref<8x128xi32, #tpu.memory_space<hbm>>
    %dma_start3A_29 = arith.constant 8 : i32
    %dma_start3A_30 = arith.constant 0 : i32
    %dma_start3A_31 = tpu.memref_slice %arg4[%add3A, %dma_start3A_29, %dma_start3A_30] : memref<32x80x128xi32, #tpu.memory_space<hbm>> -> memref<1x8x128xi32, #tpu.memory_space<hbm>>
    %dma_start3A_32 = tpu.memref_squeeze %dma_start3A_31 : memref<1x8x128xi32, #tpu.memory_space<hbm>> -> memref<8x128xi32, #tpu.memory_space<hbm>>
    tpu.enqueue_dma source(%dma_start3A_32 : memref<8x128xi32, #tpu.memory_space<hbm>>) target(%arg8 : memref<8x128xi32, #tpu.memory_space<vmem>>) target_semaphore(%arg14 : memref<!tpu.dma_semaphore, #tpu.memory_space<semaphore_mem>>)
    %dma_start3A_33 = arith.constant 0 : i32
    %dma_start3A_34 = arith.constant 0 : i32
    %dma_start3A_35 = tpu.memref_slice %arg6[%dma_start3A_33, %dma_start3A_34] : memref<80x128xi32, #tpu.memory_space<vmem>> -> memref<1x128xi32, #tpu.memory_space<vmem>>
    %dma_start3A_36 = tpu.memref_squeeze %dma_start3A_35 : memref<1x128xi32, #tpu.memory_space<vmem>> -> memref<128xi32, #tpu.memory_space<vmem>>
    %dma_start3A_37 = arith.constant 0 : i32
    %dma_start3A_38 = arith.constant 0 : i32
    %dma_start3A_39 = tpu.memref_slice %arg2[%dma_start3A_37, %dma_start3A_38] : memref<10000x128xf32, #tpu.memory_space<hbm>> -> memref<10000x128xf32, #tpu.memory_space<hbm>>
    tpu.enqueue_indirect_dma source(%dma_start3A_39 : memref<10000x128xf32, #tpu.memory_space<hbm>>) target(%arg9 : memref<128x128xf32, #tpu.memory_space<vmem>>) offsets(%dma_start3A_36 : memref<128xi32, #tpu.memory_space<vmem>>) semaphore(%arg12 : memref<!tpu.dma_semaphore, #tpu.memory_space<semaphore_mem>>)
    %dma_start3A_40 = arith.constant 1 : i32
    %dma_start3A_41 = arith.constant 0 : i32
    %dma_start3A_42 = tpu.memref_slice %arg6[%dma_start3A_40, %dma_start3A_41] : memref<80x128xi32, #tpu.memory_space<vmem>> -> memref<1x128xi32, #tpu.memory_space<vmem>>
    %dma_start3A_43 = tpu.memref_squeeze %dma_start3A_42 : memref<1x128xi32, #tpu.memory_space<vmem>> -> memref<128xi32, #tpu.memory_space<vmem>>
    %dma_start3A_44 = arith.constant 0 : i32
    %dma_start3A_45 = arith.constant 0 : i32
    %dma_start3A_46 = tpu.memref_slice %arg2[%dma_start3A_44, %dma_start3A_45] : memref<10000x128xf32, #tpu.memory_space<hbm>> -> memref<10000x128xf32, #tpu.memory_space<hbm>>
    tpu.enqueue_indirect_dma source(%dma_start3A_46 : memref<10000x128xf32, #tpu.memory_space<hbm>>) target(%arg10 : memref<128x128xf32, #tpu.memory_space<vmem>>) offsets(%dma_start3A_43 : memref<128xi32, #tpu.memory_space<vmem>>) semaphore(%arg13 : memref<!tpu.dma_semaphore, #tpu.memory_space<semaphore_mem>>)
    %scan3A_47 = arith.constant 0 : i32
    %scan3A_48 = arith.constant 0 : i32
    %scan3A_49 = arith.constant 5 : i32
    %scan3A_50 = arith.addi %scan3A_48, %scan3A_49 : i32
    %scan3A_51 = arith.constant 1 : i32
    scf.for %scan3A_58 = %scan3A_48 to %scan3A_50 step %scan3A_51  : i32 {
      %gt3A = arith.constant 0 : i32
      %gt3A_59 = arith.cmpi sgt, %scan3A_58, %gt3A : i32
      %convert_element_type3A = arith.extui %gt3A_59 : i1 to i32
      %cond3A = arith.constant 0 : i32
      %cond3A_60 = arith.cmpi ne, %convert_element_type3A, %cond3A : i32
      scf.if %cond3A_60 {
        %dma_wait3A_396 = arith.constant 0 : i32
        %dma_wait3A_397 = arith.constant 0 : i32
        %dma_wait3A_398 = tpu.memref_slice %arg4[%add3A, %dma_wait3A_396, %dma_wait3A_397] : memref<32x80x128xi32, #tpu.memory_space<hbm>> -> memref<1x8x128xi32, #tpu.memory_space<hbm>>
        %dma_wait3A_399 = tpu.memref_squeeze %dma_wait3A_398 : memref<1x8x128xi32, #tpu.memory_space<hbm>> -> memref<8x128xi32, #tpu.memory_space<hbm>>
        %dma_wait3A_400 = arith.constant 0 : i32
        %dma_wait3A_401 = arith.constant 0 : i32
        %dma_wait3A_402 = tpu.memref_slice %arg4[%add3A, %dma_wait3A_400, %dma_wait3A_401] : memref<32x80x128xi32, #tpu.memory_space<hbm>> -> memref<1x8x128xi32, #tpu.memory_space<hbm>>
        %dma_wait3A_403 = tpu.memref_squeeze %dma_wait3A_402 : memref<1x8x128xi32, #tpu.memory_space<hbm>> -> memref<8x128xi32, #tpu.memory_space<hbm>>
        tpu.wait_dma2 semaphore(%arg14 : memref<!tpu.dma_semaphore, #tpu.memory_space<semaphore_mem>>) src(%dma_wait3A_403 : memref<8x128xi32, #tpu.memory_space<hbm>>) dst(%arg7 : memref<8x128xi32, #tpu.memory_space<vmem>>)
      } else {
      }
      %mul3A_61 = arith.constant 16 : i32
      %mul3A_62 = arith.muli %scan3A_58, %mul3A_61 : i32
      %add3A_63 = arith.constant 0 : i32
      %add3A_64 = arith.addi %mul3A_62, %add3A_63 : i32
      %add3A_65 = arith.constant 0 : i32
      %add3A_66 = arith.addi %add3A_64, %add3A_65 : i32
      %dma_wait3A = arith.constant 0 : i32
      %dma_wait3A_67 = tpu.memref_slice %arg6[%add3A_66, %dma_wait3A] : memref<80x128xi32, #tpu.memory_space<vmem>> -> memref<1x128xi32, #tpu.memory_space<vmem>>
      %dma_wait3A_68 = tpu.memref_squeeze %dma_wait3A_67 : memref<1x128xi32, #tpu.memory_space<vmem>> -> memref<128xi32, #tpu.memory_space<vmem>>
      %dma_wait3A_69 = arith.constant 0 : i32
      %dma_wait3A_70 = arith.constant 0 : i32
      %dma_wait3A_71 = tpu.memref_slice %arg2[%dma_wait3A_69, %dma_wait3A_70] : memref<10000x128xf32, #tpu.memory_space<hbm>> -> memref<10000x128xf32, #tpu.memory_space<hbm>>
      tpu.wait_indirect_dma semaphore(%arg12 : memref<!tpu.dma_semaphore, #tpu.memory_space<semaphore_mem>>) src(%dma_wait3A_71 : memref<10000x128xf32, #tpu.memory_space<hbm>>) dst(%arg9 : memref<128x128xf32, #tpu.memory_space<vmem>>)
      %run_scoped3A = arith.constant 0 : i32
      "tpu.region"() ({
        %run_scoped3A_396 = tpu.sem_alloc : memref<!tpu.dma_semaphore, #tpu.memory_space<semaphore_mem>>
        %dma_start3A_397 = arith.constant 0 : i32
        %dma_start3A_398 = tpu.memref_slice %arg7[%run_scoped3A, %dma_start3A_397] : memref<8x128xi32, #tpu.memory_space<vmem>> -> memref<1x128xi32, #tpu.memory_space<vmem>>
        %dma_start3A_399 = tpu.memref_squeeze %dma_start3A_398 : memref<1x128xi32, #tpu.memory_space<vmem>> -> memref<128xi32, #tpu.memory_space<vmem>>
        %dma_start3A_400 = arith.constant 0 : i32
        %dma_start3A_401 = arith.constant 0 : i32
        %dma_start3A_402 = tpu.memref_slice %arg11[%dma_start3A_400, %dma_start3A_401] : memref<10240x128xf32, #tpu.memory_space<vmem_shared>> -> memref<10240x128xf32, #tpu.memory_space<vmem_shared>>
        tpu.enqueue_indirect_dma source(%arg9 : memref<128x128xf32, #tpu.memory_space<vmem>>) target(%dma_start3A_402 : memref<10240x128xf32, #tpu.memory_space<vmem_shared>>) offsets(%dma_start3A_399 : memref<128xi32, #tpu.memory_space<vmem>>) semaphore(%run_scoped3A_396 : memref<!tpu.dma_semaphore, #tpu.memory_space<semaphore_mem>>) {add = true}
        %dma_wait3A_403 = arith.constant 0 : i32
        %dma_wait3A_404 = tpu.memref_slice %arg7[%run_scoped3A, %dma_wait3A_403] : memref<8x128xi32, #tpu.memory_space<vmem>> -> memref<1x128xi32, #tpu.memory_space<vmem>>
        %dma_wait3A_405 = tpu.memref_squeeze %dma_wait3A_404 : memref<1x128xi32, #tpu.memory_space<vmem>> -> memref<128xi32, #tpu.memory_space<vmem>>
        %dma_wait3A_406 = arith.constant 0 : i32
        %dma_wait3A_407 = arith.constant 0 : i32
        %dma_wait3A_408 = tpu.memref_slice %arg11[%dma_wait3A_406, %dma_wait3A_407] : memref<10240x128xf32, #tpu.memory_space<vmem_shared>> -> memref<10240x128xf32, #tpu.memory_space<vmem_shared>>
        tpu.wait_indirect_dma semaphore(%run_scoped3A_396 : memref<!tpu.dma_semaphore, #tpu.memory_space<semaphore_mem>>) src(%arg9 : memref<128x128xf32, #tpu.memory_space<vmem>>) dst(%dma_wait3A_408 : memref<10240x128xf32, #tpu.memory_space<vmem_shared>>)
        tpu.yield
      }) : () -> ()
      %add3A_72 = arith.constant 2 : i32
      %add3A_73 = arith.addi %add3A_66, %add3A_72 : i32
      %lt3A = arith.constant 80 : i32
      %lt3A_74 = arith.cmpi slt, %add3A_73, %lt3A : i32
      %convert_element_type3A_75 = arith.extui %lt3A_74 : i1 to i32
      %cond3A_76 = arith.constant 0 : i32
      %cond3A_77 = arith.cmpi ne, %convert_element_type3A_75, %cond3A_76 : i32
      scf.if %cond3A_77 {
        %dma_start3A_396 = arith.constant 0 : i32
        %dma_start3A_397 = tpu.memref_slice %arg6[%add3A_73, %dma_start3A_396] : memref<80x128xi32, #tpu.memory_space<vmem>> -> memref<1x128xi32, #tpu.memory_space<vmem>>
        %dma_start3A_398 = tpu.memref_squeeze %dma_start3A_397 : memref<1x128xi32, #tpu.memory_space<vmem>> -> memref<128xi32, #tpu.memory_space<vmem>>
        %dma_start3A_399 = arith.constant 0 : i32
        %dma_start3A_400 = arith.constant 0 : i32
        %dma_start3A_401 = tpu.memref_slice %arg2[%dma_start3A_399, %dma_start3A_400] : memref<10000x128xf32, #tpu.memory_space<hbm>> -> memref<10000x128xf32, #tpu.memory_space<hbm>>
        tpu.enqueue_indirect_dma source(%dma_start3A_401 : memref<10000x128xf32, #tpu.memory_space<hbm>>) target(%arg9 : memref<128x128xf32, #tpu.memory_space<vmem>>) offsets(%dma_start3A_398 : memref<128xi32, #tpu.memory_space<vmem>>) semaphore(%arg12 : memref<!tpu.dma_semaphore, #tpu.memory_space<semaphore_mem>>)
      } else {
      }
      %mul3A_78 = arith.constant 16 : i32
      %mul3A_79 = arith.muli %scan3A_58, %mul3A_78 : i32
      %add3A_80 = arith.constant 0 : i32
      %add3A_81 = arith.addi %mul3A_79, %add3A_80 : i32
      %add3A_82 = arith.constant 1 : i32
      %add3A_83 = arith.addi %add3A_81, %add3A_82 : i32
      %dma_wait3A_84 = arith.constant 0 : i32
      %dma_wait3A_85 = tpu.memref_slice %arg6[%add3A_83, %dma_wait3A_84] : memref<80x128xi32, #tpu.memory_space<vmem>> -> memref<1x128xi32, #tpu.memory_space<vmem>>
      %dma_wait3A_86 = tpu.memref_squeeze %dma_wait3A_85 : memref<1x128xi32, #tpu.memory_space<vmem>> -> memref<128xi32, #tpu.memory_space<vmem>>
      %dma_wait3A_87 = arith.constant 0 : i32
      %dma_wait3A_88 = arith.constant 0 : i32
      %dma_wait3A_89 = tpu.memref_slice %arg2[%dma_wait3A_87, %dma_wait3A_88] : memref<10000x128xf32, #tpu.memory_space<hbm>> -> memref<10000x128xf32, #tpu.memory_space<hbm>>
      tpu.wait_indirect_dma semaphore(%arg13 : memref<!tpu.dma_semaphore, #tpu.memory_space<semaphore_mem>>) src(%dma_wait3A_89 : memref<10000x128xf32, #tpu.memory_space<hbm>>) dst(%arg10 : memref<128x128xf32, #tpu.memory_space<vmem>>)
      %run_scoped3A_90 = arith.constant 1 : i32
      "tpu.region"() ({
        %run_scoped3A_396 = tpu.sem_alloc : memref<!tpu.dma_semaphore, #tpu.memory_space<semaphore_mem>>
        %dma_start3A_397 = arith.constant 0 : i32
        %dma_start3A_398 = tpu.memref_slice %arg7[%run_scoped3A_90, %dma_start3A_397] : memref<8x128xi32, #tpu.memory_space<vmem>> -> memref<1x128xi32, #tpu.memory_space<vmem>>
        %dma_start3A_399 = tpu.memref_squeeze %dma_start3A_398 : memref<1x128xi32, #tpu.memory_space<vmem>> -> memref<128xi32, #tpu.memory_space<vmem>>
        %dma_start3A_400 = arith.constant 0 : i32
        %dma_start3A_401 = arith.constant 0 : i32
        %dma_start3A_402 = tpu.memref_slice %arg11[%dma_start3A_400, %dma_start3A_401] : memref<10240x128xf32, #tpu.memory_space<vmem_shared>> -> memref<10240x128xf32, #tpu.memory_space<vmem_shared>>
        tpu.enqueue_indirect_dma source(%arg10 : memref<128x128xf32, #tpu.memory_space<vmem>>) target(%dma_start3A_402 : memref<10240x128xf32, #tpu.memory_space<vmem_shared>>) offsets(%dma_start3A_399 : memref<128xi32, #tpu.memory_space<vmem>>) semaphore(%run_scoped3A_396 : memref<!tpu.dma_semaphore, #tpu.memory_space<semaphore_mem>>) {add = true}
        %dma_wait3A_403 = arith.constant 0 : i32
        %dma_wait3A_404 = tpu.memref_slice %arg7[%run_scoped3A_90, %dma_wait3A_403] : memref<8x128xi32, #tpu.memory_space<vmem>> -> memref<1x128xi32, #tpu.memory_space<vmem>>
        %dma_wait3A_405 = tpu.memref_squeeze %dma_wait3A_404 : memref<1x128xi32, #tpu.memory_space<vmem>> -> memref<128xi32, #tpu.memory_space<vmem>>
        %dma_wait3A_406 = arith.constant 0 : i32
        %dma_wait3A_407 = arith.constant 0 : i32
        %dma_wait3A_408 = tpu.memref_slice %arg11[%dma_wait3A_406, %dma_wait3A_407] : memref<10240x128xf32, #tpu.memory_space<vmem_shared>> -> memref<10240x128xf32, #tpu.memory_space<vmem_shared>>
        tpu.wait_indirect_dma semaphore(%run_scoped3A_396 : memref<!tpu.dma_semaphore, #tpu.memory_space<semaphore_mem>>) src(%arg10 : memref<128x128xf32, #tpu.memory_space<vmem>>) dst(%dma_wait3A_408 : memref<10240x128xf32, #tpu.memory_space<vmem_shared>>)
        tpu.yield
      }) : () -> ()
      %add3A_91 = arith.constant 2 : i32
      %add3A_92 = arith.addi %add3A_83, %add3A_91 : i32
      %lt3A_93 = arith.constant 80 : i32
      %lt3A_94 = arith.cmpi slt, %add3A_92, %lt3A_93 : i32
      %convert_element_type3A_95 = arith.extui %lt3A_94 : i1 to i32
      %cond3A_96 = arith.constant 0 : i32
      %cond3A_97 = arith.cmpi ne, %convert_element_type3A_95, %cond3A_96 : i32
      scf.if %cond3A_97 {
        %dma_start3A_396 = arith.constant 0 : i32
        %dma_start3A_397 = tpu.memref_slice %arg6[%add3A_92, %dma_start3A_396] : memref<80x128xi32, #tpu.memory_space<vmem>> -> memref<1x128xi32, #tpu.memory_space<vmem>>
        %dma_start3A_398 = tpu.memref_squeeze %dma_start3A_397 : memref<1x128xi32, #tpu.memory_space<vmem>> -> memref<128xi32, #tpu.memory_space<vmem>>
        %dma_start3A_399 = arith.constant 0 : i32
        %dma_start3A_400 = arith.constant 0 : i32
        %dma_start3A_401 = tpu.memref_slice %arg2[%dma_start3A_399, %dma_start3A_400] : memref<10000x128xf32, #tpu.memory_space<hbm>> -> memref<10000x128xf32, #tpu.memory_space<hbm>>
        tpu.enqueue_indirect_dma source(%dma_start3A_401 : memref<10000x128xf32, #tpu.memory_space<hbm>>) target(%arg10 : memref<128x128xf32, #tpu.memory_space<vmem>>) offsets(%dma_start3A_398 : memref<128xi32, #tpu.memory_space<vmem>>) semaphore(%arg13 : memref<!tpu.dma_semaphore, #tpu.memory_space<semaphore_mem>>)
      } else {
      }
      %mul3A_98 = arith.constant 16 : i32
      %mul3A_99 = arith.muli %scan3A_58, %mul3A_98 : i32
      %add3A_100 = arith.constant 0 : i32
      %add3A_101 = arith.addi %mul3A_99, %add3A_100 : i32
      %add3A_102 = arith.constant 2 : i32
      %add3A_103 = arith.addi %add3A_101, %add3A_102 : i32
      %dma_wait3A_104 = arith.constant 0 : i32
      %dma_wait3A_105 = tpu.memref_slice %arg6[%add3A_103, %dma_wait3A_104] : memref<80x128xi32, #tpu.memory_space<vmem>> -> memref<1x128xi32, #tpu.memory_space<vmem>>
      %dma_wait3A_106 = tpu.memref_squeeze %dma_wait3A_105 : memref<1x128xi32, #tpu.memory_space<vmem>> -> memref<128xi32, #tpu.memory_space<vmem>>
      %dma_wait3A_107 = arith.constant 0 : i32
      %dma_wait3A_108 = arith.constant 0 : i32
      %dma_wait3A_109 = tpu.memref_slice %arg2[%dma_wait3A_107, %dma_wait3A_108] : memref<10000x128xf32, #tpu.memory_space<hbm>> -> memref<10000x128xf32, #tpu.memory_space<hbm>>
      tpu.wait_indirect_dma semaphore(%arg12 : memref<!tpu.dma_semaphore, #tpu.memory_space<semaphore_mem>>) src(%dma_wait3A_109 : memref<10000x128xf32, #tpu.memory_space<hbm>>) dst(%arg9 : memref<128x128xf32, #tpu.memory_space<vmem>>)
      %run_scoped3A_110 = arith.constant 2 : i32
      "tpu.region"() ({
        %run_scoped3A_396 = tpu.sem_alloc : memref<!tpu.dma_semaphore, #tpu.memory_space<semaphore_mem>>
        %dma_start3A_397 = arith.constant 0 : i32
        %dma_start3A_398 = tpu.memref_slice %arg7[%run_scoped3A_110, %dma_start3A_397] : memref<8x128xi32, #tpu.memory_space<vmem>> -> memref<1x128xi32, #tpu.memory_space<vmem>>
        %dma_start3A_399 = tpu.memref_squeeze %dma_start3A_398 : memref<1x128xi32, #tpu.memory_space<vmem>> -> memref<128xi32, #tpu.memory_space<vmem>>
        %dma_start3A_400 = arith.constant 0 : i32
        %dma_start3A_401 = arith.constant 0 : i32
        %dma_start3A_402 = tpu.memref_slice %arg11[%dma_start3A_400, %dma_start3A_401] : memref<10240x128xf32, #tpu.memory_space<vmem_shared>> -> memref<10240x128xf32, #tpu.memory_space<vmem_shared>>
        tpu.enqueue_indirect_dma source(%arg9 : memref<128x128xf32, #tpu.memory_space<vmem>>) target(%dma_start3A_402 : memref<10240x128xf32, #tpu.memory_space<vmem_shared>>) offsets(%dma_start3A_399 : memref<128xi32, #tpu.memory_space<vmem>>) semaphore(%run_scoped3A_396 : memref<!tpu.dma_semaphore, #tpu.memory_space<semaphore_mem>>) {add = true}
        %dma_wait3A_403 = arith.constant 0 : i32
        %dma_wait3A_404 = tpu.memref_slice %arg7[%run_scoped3A_110, %dma_wait3A_403] : memref<8x128xi32, #tpu.memory_space<vmem>> -> memref<1x128xi32, #tpu.memory_space<vmem>>
        %dma_wait3A_405 = tpu.memref_squeeze %dma_wait3A_404 : memref<1x128xi32, #tpu.memory_space<vmem>> -> memref<128xi32, #tpu.memory_space<vmem>>
        %dma_wait3A_406 = arith.constant 0 : i32
        %dma_wait3A_407 = arith.constant 0 : i32
        %dma_wait3A_408 = tpu.memref_slice %arg11[%dma_wait3A_406, %dma_wait3A_407] : memref<10240x128xf32, #tpu.memory_space<vmem_shared>> -> memref<10240x128xf32, #tpu.memory_space<vmem_shared>>
        tpu.wait_indirect_dma semaphore(%run_scoped3A_396 : memref<!tpu.dma_semaphore, #tpu.memory_space<semaphore_mem>>) src(%arg9 : memref<128x128xf32, #tpu.memory_space<vmem>>) dst(%dma_wait3A_408 : memref<10240x128xf32, #tpu.memory_space<vmem_shared>>)
        tpu.yield
      }) : () -> ()
      %add3A_111 = arith.constant 2 : i32
      %add3A_112 = arith.addi %add3A_103, %add3A_111 : i32
      %lt3A_113 = arith.constant 80 : i32
      %lt3A_114 = arith.cmpi slt, %add3A_112, %lt3A_113 : i32
      %convert_element_type3A_115 = arith.extui %lt3A_114 : i1 to i32
      %cond3A_116 = arith.constant 0 : i32
      %cond3A_117 = arith.cmpi ne, %convert_element_type3A_115, %cond3A_116 : i32
      scf.if %cond3A_117 {
        %dma_start3A_396 = arith.constant 0 : i32
        %dma_start3A_397 = tpu.memref_slice %arg6[%add3A_112, %dma_start3A_396] : memref<80x128xi32, #tpu.memory_space<vmem>> -> memref<1x128xi32, #tpu.memory_space<vmem>>
        %dma_start3A_398 = tpu.memref_squeeze %dma_start3A_397 : memref<1x128xi32, #tpu.memory_space<vmem>> -> memref<128xi32, #tpu.memory_space<vmem>>
        %dma_start3A_399 = arith.constant 0 : i32
        %dma_start3A_400 = arith.constant 0 : i32
        %dma_start3A_401 = tpu.memref_slice %arg2[%dma_start3A_399, %dma_start3A_400] : memref<10000x128xf32, #tpu.memory_space<hbm>> -> memref<10000x128xf32, #tpu.memory_space<hbm>>
        tpu.enqueue_indirect_dma source(%dma_start3A_401 : memref<10000x128xf32, #tpu.memory_space<hbm>>) target(%arg9 : memref<128x128xf32, #tpu.memory_space<vmem>>) offsets(%dma_start3A_398 : memref<128xi32, #tpu.memory_space<vmem>>) semaphore(%arg12 : memref<!tpu.dma_semaphore, #tpu.memory_space<semaphore_mem>>)
      } else {
      }
      %mul3A_118 = arith.constant 16 : i32
      %mul3A_119 = arith.muli %scan3A_58, %mul3A_118 : i32
      %add3A_120 = arith.constant 0 : i32
      %add3A_121 = arith.addi %mul3A_119, %add3A_120 : i32
      %add3A_122 = arith.constant 3 : i32
      %add3A_123 = arith.addi %add3A_121, %add3A_122 : i32
      %dma_wait3A_124 = arith.constant 0 : i32
      %dma_wait3A_125 = tpu.memref_slice %arg6[%add3A_123, %dma_wait3A_124] : memref<80x128xi32, #tpu.memory_space<vmem>> -> memref<1x128xi32, #tpu.memory_space<vmem>>
      %dma_wait3A_126 = tpu.memref_squeeze %dma_wait3A_125 : memref<1x128xi32, #tpu.memory_space<vmem>> -> memref<128xi32, #tpu.memory_space<vmem>>
      %dma_wait3A_127 = arith.constant 0 : i32
      %dma_wait3A_128 = arith.constant 0 : i32
      %dma_wait3A_129 = tpu.memref_slice %arg2[%dma_wait3A_127, %dma_wait3A_128] : memref<10000x128xf32, #tpu.memory_space<hbm>> -> memref<10000x128xf32, #tpu.memory_space<hbm>>
      tpu.wait_indirect_dma semaphore(%arg13 : memref<!tpu.dma_semaphore, #tpu.memory_space<semaphore_mem>>) src(%dma_wait3A_129 : memref<10000x128xf32, #tpu.memory_space<hbm>>) dst(%arg10 : memref<128x128xf32, #tpu.memory_space<vmem>>)
      %run_scoped3A_130 = arith.constant 3 : i32
      "tpu.region"() ({
        %run_scoped3A_396 = tpu.sem_alloc : memref<!tpu.dma_semaphore, #tpu.memory_space<semaphore_mem>>
        %dma_start3A_397 = arith.constant 0 : i32
        %dma_start3A_398 = tpu.memref_slice %arg7[%run_scoped3A_130, %dma_start3A_397] : memref<8x128xi32, #tpu.memory_space<vmem>> -> memref<1x128xi32, #tpu.memory_space<vmem>>
        %dma_start3A_399 = tpu.memref_squeeze %dma_start3A_398 : memref<1x128xi32, #tpu.memory_space<vmem>> -> memref<128xi32, #tpu.memory_space<vmem>>
        %dma_start3A_400 = arith.constant 0 : i32
        %dma_start3A_401 = arith.constant 0 : i32
        %dma_start3A_402 = tpu.memref_slice %arg11[%dma_start3A_400, %dma_start3A_401] : memref<10240x128xf32, #tpu.memory_space<vmem_shared>> -> memref<10240x128xf32, #tpu.memory_space<vmem_shared>>
        tpu.enqueue_indirect_dma source(%arg10 : memref<128x128xf32, #tpu.memory_space<vmem>>) target(%dma_start3A_402 : memref<10240x128xf32, #tpu.memory_space<vmem_shared>>) offsets(%dma_start3A_399 : memref<128xi32, #tpu.memory_space<vmem>>) semaphore(%run_scoped3A_396 : memref<!tpu.dma_semaphore, #tpu.memory_space<semaphore_mem>>) {add = true}
        %dma_wait3A_403 = arith.constant 0 : i32
        %dma_wait3A_404 = tpu.memref_slice %arg7[%run_scoped3A_130, %dma_wait3A_403] : memref<8x128xi32, #tpu.memory_space<vmem>> -> memref<1x128xi32, #tpu.memory_space<vmem>>
        %dma_wait3A_405 = tpu.memref_squeeze %dma_wait3A_404 : memref<1x128xi32, #tpu.memory_space<vmem>> -> memref<128xi32, #tpu.memory_space<vmem>>
        %dma_wait3A_406 = arith.constant 0 : i32
        %dma_wait3A_407 = arith.constant 0 : i32
        %dma_wait3A_408 = tpu.memref_slice %arg11[%dma_wait3A_406, %dma_wait3A_407] : memref<10240x128xf32, #tpu.memory_space<vmem_shared>> -> memref<10240x128xf32, #tpu.memory_space<vmem_shared>>
        tpu.wait_indirect_dma semaphore(%run_scoped3A_396 : memref<!tpu.dma_semaphore, #tpu.memory_space<semaphore_mem>>) src(%arg10 : memref<128x128xf32, #tpu.memory_space<vmem>>) dst(%dma_wait3A_408 : memref<10240x128xf32, #tpu.memory_space<vmem_shared>>)
        tpu.yield
      }) : () -> ()
      %add3A_131 = arith.constant 2 : i32
      %add3A_132 = arith.addi %add3A_123, %add3A_131 : i32
      %lt3A_133 = arith.constant 80 : i32
      %lt3A_134 = arith.cmpi slt, %add3A_132, %lt3A_133 : i32
      %convert_element_type3A_135 = arith.extui %lt3A_134 : i1 to i32
      %cond3A_136 = arith.constant 0 : i32
      %cond3A_137 = arith.cmpi ne, %convert_element_type3A_135, %cond3A_136 : i32
      scf.if %cond3A_137 {
        %dma_start3A_396 = arith.constant 0 : i32
        %dma_start3A_397 = tpu.memref_slice %arg6[%add3A_132, %dma_start3A_396] : memref<80x128xi32, #tpu.memory_space<vmem>> -> memref<1x128xi32, #tpu.memory_space<vmem>>
        %dma_start3A_398 = tpu.memref_squeeze %dma_start3A_397 : memref<1x128xi32, #tpu.memory_space<vmem>> -> memref<128xi32, #tpu.memory_space<vmem>>
        %dma_start3A_399 = arith.constant 0 : i32
        %dma_start3A_400 = arith.constant 0 : i32
        %dma_start3A_401 = tpu.memref_slice %arg2[%dma_start3A_399, %dma_start3A_400] : memref<10000x128xf32, #tpu.memory_space<hbm>> -> memref<10000x128xf32, #tpu.memory_space<hbm>>
        tpu.enqueue_indirect_dma source(%dma_start3A_401 : memref<10000x128xf32, #tpu.memory_space<hbm>>) target(%arg10 : memref<128x128xf32, #tpu.memory_space<vmem>>) offsets(%dma_start3A_398 : memref<128xi32, #tpu.memory_space<vmem>>) semaphore(%arg13 : memref<!tpu.dma_semaphore, #tpu.memory_space<semaphore_mem>>)
      } else {
      }
      %mul3A_138 = arith.constant 16 : i32
      %mul3A_139 = arith.muli %scan3A_58, %mul3A_138 : i32
      %add3A_140 = arith.constant 0 : i32
      %add3A_141 = arith.addi %mul3A_139, %add3A_140 : i32
      %add3A_142 = arith.constant 4 : i32
      %add3A_143 = arith.addi %add3A_141, %add3A_142 : i32
      %dma_wait3A_144 = arith.constant 0 : i32
      %dma_wait3A_145 = tpu.memref_slice %arg6[%add3A_143, %dma_wait3A_144] : memref<80x128xi32, #tpu.memory_space<vmem>> -> memref<1x128xi32, #tpu.memory_space<vmem>>
      %dma_wait3A_146 = tpu.memref_squeeze %dma_wait3A_145 : memref<1x128xi32, #tpu.memory_space<vmem>> -> memref<128xi32, #tpu.memory_space<vmem>>
      %dma_wait3A_147 = arith.constant 0 : i32
      %dma_wait3A_148 = arith.constant 0 : i32
      %dma_wait3A_149 = tpu.memref_slice %arg2[%dma_wait3A_147, %dma_wait3A_148] : memref<10000x128xf32, #tpu.memory_space<hbm>> -> memref<10000x128xf32, #tpu.memory_space<hbm>>
      tpu.wait_indirect_dma semaphore(%arg12 : memref<!tpu.dma_semaphore, #tpu.memory_space<semaphore_mem>>) src(%dma_wait3A_149 : memref<10000x128xf32, #tpu.memory_space<hbm>>) dst(%arg9 : memref<128x128xf32, #tpu.memory_space<vmem>>)
      %run_scoped3A_150 = arith.constant 4 : i32
      "tpu.region"() ({
        %run_scoped3A_396 = tpu.sem_alloc : memref<!tpu.dma_semaphore, #tpu.memory_space<semaphore_mem>>
        %dma_start3A_397 = arith.constant 0 : i32
        %dma_start3A_398 = tpu.memref_slice %arg7[%run_scoped3A_150, %dma_start3A_397] : memref<8x128xi32, #tpu.memory_space<vmem>> -> memref<1x128xi32, #tpu.memory_space<vmem>>
        %dma_start3A_399 = tpu.memref_squeeze %dma_start3A_398 : memref<1x128xi32, #tpu.memory_space<vmem>> -> memref<128xi32, #tpu.memory_space<vmem>>
        %dma_start3A_400 = arith.constant 0 : i32
        %dma_start3A_401 = arith.constant 0 : i32
        %dma_start3A_402 = tpu.memref_slice %arg11[%dma_start3A_400, %dma_start3A_401] : memref<10240x128xf32, #tpu.memory_space<vmem_shared>> -> memref<10240x128xf32, #tpu.memory_space<vmem_shared>>
        tpu.enqueue_indirect_dma source(%arg9 : memref<128x128xf32, #tpu.memory_space<vmem>>) target(%dma_start3A_402 : memref<10240x128xf32, #tpu.memory_space<vmem_shared>>) offsets(%dma_start3A_399 : memref<128xi32, #tpu.memory_space<vmem>>) semaphore(%run_scoped3A_396 : memref<!tpu.dma_semaphore, #tpu.memory_space<semaphore_mem>>) {add = true}
        %dma_wait3A_403 = arith.constant 0 : i32
        %dma_wait3A_404 = tpu.memref_slice %arg7[%run_scoped3A_150, %dma_wait3A_403] : memref<8x128xi32, #tpu.memory_space<vmem>> -> memref<1x128xi32, #tpu.memory_space<vmem>>
        %dma_wait3A_405 = tpu.memref_squeeze %dma_wait3A_404 : memref<1x128xi32, #tpu.memory_space<vmem>> -> memref<128xi32, #tpu.memory_space<vmem>>
        %dma_wait3A_406 = arith.constant 0 : i32
        %dma_wait3A_407 = arith.constant 0 : i32
        %dma_wait3A_408 = tpu.memref_slice %arg11[%dma_wait3A_406, %dma_wait3A_407] : memref<10240x128xf32, #tpu.memory_space<vmem_shared>> -> memref<10240x128xf32, #tpu.memory_space<vmem_shared>>
        tpu.wait_indirect_dma semaphore(%run_scoped3A_396 : memref<!tpu.dma_semaphore, #tpu.memory_space<semaphore_mem>>) src(%arg9 : memref<128x128xf32, #tpu.memory_space<vmem>>) dst(%dma_wait3A_408 : memref<10240x128xf32, #tpu.memory_space<vmem_shared>>)
        tpu.yield
      }) : () -> ()
      %add3A_151 = arith.constant 2 : i32
      %add3A_152 = arith.addi %add3A_143, %add3A_151 : i32
      %lt3A_153 = arith.constant 80 : i32
      %lt3A_154 = arith.cmpi slt, %add3A_152, %lt3A_153 : i32
      %convert_element_type3A_155 = arith.extui %lt3A_154 : i1 to i32
      %cond3A_156 = arith.constant 0 : i32
      %cond3A_157 = arith.cmpi ne, %convert_element_type3A_155, %cond3A_156 : i32
      scf.if %cond3A_157 {
        %dma_start3A_396 = arith.constant 0 : i32
        %dma_start3A_397 = tpu.memref_slice %arg6[%add3A_152, %dma_start3A_396] : memref<80x128xi32, #tpu.memory_space<vmem>> -> memref<1x128xi32, #tpu.memory_space<vmem>>
        %dma_start3A_398 = tpu.memref_squeeze %dma_start3A_397 : memref<1x128xi32, #tpu.memory_space<vmem>> -> memref<128xi32, #tpu.memory_space<vmem>>
        %dma_start3A_399 = arith.constant 0 : i32
        %dma_start3A_400 = arith.constant 0 : i32
        %dma_start3A_401 = tpu.memref_slice %arg2[%dma_start3A_399, %dma_start3A_400] : memref<10000x128xf32, #tpu.memory_space<hbm>> -> memref<10000x128xf32, #tpu.memory_space<hbm>>
        tpu.enqueue_indirect_dma source(%dma_start3A_401 : memref<10000x128xf32, #tpu.memory_space<hbm>>) target(%arg9 : memref<128x128xf32, #tpu.memory_space<vmem>>) offsets(%dma_start3A_398 : memref<128xi32, #tpu.memory_space<vmem>>) semaphore(%arg12 : memref<!tpu.dma_semaphore, #tpu.memory_space<semaphore_mem>>)
      } else {
      }
      %mul3A_158 = arith.constant 16 : i32
      %mul3A_159 = arith.muli %scan3A_58, %mul3A_158 : i32
      %add3A_160 = arith.constant 0 : i32
      %add3A_161 = arith.addi %mul3A_159, %add3A_160 : i32
      %add3A_162 = arith.constant 5 : i32
      %add3A_163 = arith.addi %add3A_161, %add3A_162 : i32
      %dma_wait3A_164 = arith.constant 0 : i32
      %dma_wait3A_165 = tpu.memref_slice %arg6[%add3A_163, %dma_wait3A_164] : memref<80x128xi32, #tpu.memory_space<vmem>> -> memref<1x128xi32, #tpu.memory_space<vmem>>
      %dma_wait3A_166 = tpu.memref_squeeze %dma_wait3A_165 : memref<1x128xi32, #tpu.memory_space<vmem>> -> memref<128xi32, #tpu.memory_space<vmem>>
      %dma_wait3A_167 = arith.constant 0 : i32
      %dma_wait3A_168 = arith.constant 0 : i32
      %dma_wait3A_169 = tpu.memref_slice %arg2[%dma_wait3A_167, %dma_wait3A_168] : memref<10000x128xf32, #tpu.memory_space<hbm>> -> memref<10000x128xf32, #tpu.memory_space<hbm>>
      tpu.wait_indirect_dma semaphore(%arg13 : memref<!tpu.dma_semaphore, #tpu.memory_space<semaphore_mem>>) src(%dma_wait3A_169 : memref<10000x128xf32, #tpu.memory_space<hbm>>) dst(%arg10 : memref<128x128xf32, #tpu.memory_space<vmem>>)
      %run_scoped3A_170 = arith.constant 5 : i32
      "tpu.region"() ({
        %run_scoped3A_396 = tpu.sem_alloc : memref<!tpu.dma_semaphore, #tpu.memory_space<semaphore_mem>>
        %dma_start3A_397 = arith.constant 0 : i32
        %dma_start3A_398 = tpu.memref_slice %arg7[%run_scoped3A_170, %dma_start3A_397] : memref<8x128xi32, #tpu.memory_space<vmem>> -> memref<1x128xi32, #tpu.memory_space<vmem>>
        %dma_start3A_399 = tpu.memref_squeeze %dma_start3A_398 : memref<1x128xi32, #tpu.memory_space<vmem>> -> memref<128xi32, #tpu.memory_space<vmem>>
        %dma_start3A_400 = arith.constant 0 : i32
        %dma_start3A_401 = arith.constant 0 : i32
        %dma_start3A_402 = tpu.memref_slice %arg11[%dma_start3A_400, %dma_start3A_401] : memref<10240x128xf32, #tpu.memory_space<vmem_shared>> -> memref<10240x128xf32, #tpu.memory_space<vmem_shared>>
        tpu.enqueue_indirect_dma source(%arg10 : memref<128x128xf32, #tpu.memory_space<vmem>>) target(%dma_start3A_402 : memref<10240x128xf32, #tpu.memory_space<vmem_shared>>) offsets(%dma_start3A_399 : memref<128xi32, #tpu.memory_space<vmem>>) semaphore(%run_scoped3A_396 : memref<!tpu.dma_semaphore, #tpu.memory_space<semaphore_mem>>) {add = true}
        %dma_wait3A_403 = arith.constant 0 : i32
        %dma_wait3A_404 = tpu.memref_slice %arg7[%run_scoped3A_170, %dma_wait3A_403] : memref<8x128xi32, #tpu.memory_space<vmem>> -> memref<1x128xi32, #tpu.memory_space<vmem>>
        %dma_wait3A_405 = tpu.memref_squeeze %dma_wait3A_404 : memref<1x128xi32, #tpu.memory_space<vmem>> -> memref<128xi32, #tpu.memory_space<vmem>>
        %dma_wait3A_406 = arith.constant 0 : i32
        %dma_wait3A_407 = arith.constant 0 : i32
        %dma_wait3A_408 = tpu.memref_slice %arg11[%dma_wait3A_406, %dma_wait3A_407] : memref<10240x128xf32, #tpu.memory_space<vmem_shared>> -> memref<10240x128xf32, #tpu.memory_space<vmem_shared>>
        tpu.wait_indirect_dma semaphore(%run_scoped3A_396 : memref<!tpu.dma_semaphore, #tpu.memory_space<semaphore_mem>>) src(%arg10 : memref<128x128xf32, #tpu.memory_space<vmem>>) dst(%dma_wait3A_408 : memref<10240x128xf32, #tpu.memory_space<vmem_shared>>)
        tpu.yield
      }) : () -> ()
      %add3A_171 = arith.constant 2 : i32
      %add3A_172 = arith.addi %add3A_163, %add3A_171 : i32
      %lt3A_173 = arith.constant 80 : i32
      %lt3A_174 = arith.cmpi slt, %add3A_172, %lt3A_173 : i32
      %convert_element_type3A_175 = arith.extui %lt3A_174 : i1 to i32
      %cond3A_176 = arith.constant 0 : i32
      %cond3A_177 = arith.cmpi ne, %convert_element_type3A_175, %cond3A_176 : i32
      scf.if %cond3A_177 {
        %dma_start3A_396 = arith.constant 0 : i32
        %dma_start3A_397 = tpu.memref_slice %arg6[%add3A_172, %dma_start3A_396] : memref<80x128xi32, #tpu.memory_space<vmem>> -> memref<1x128xi32, #tpu.memory_space<vmem>>
        %dma_start3A_398 = tpu.memref_squeeze %dma_start3A_397 : memref<1x128xi32, #tpu.memory_space<vmem>> -> memref<128xi32, #tpu.memory_space<vmem>>
        %dma_start3A_399 = arith.constant 0 : i32
        %dma_start3A_400 = arith.constant 0 : i32
        %dma_start3A_401 = tpu.memref_slice %arg2[%dma_start3A_399, %dma_start3A_400] : memref<10000x128xf32, #tpu.memory_space<hbm>> -> memref<10000x128xf32, #tpu.memory_space<hbm>>
        tpu.enqueue_indirect_dma source(%dma_start3A_401 : memref<10000x128xf32, #tpu.memory_space<hbm>>) target(%arg10 : memref<128x128xf32, #tpu.memory_space<vmem>>) offsets(%dma_start3A_398 : memref<128xi32, #tpu.memory_space<vmem>>) semaphore(%arg13 : memref<!tpu.dma_semaphore, #tpu.memory_space<semaphore_mem>>)
      } else {
      }
      %mul3A_178 = arith.constant 16 : i32
      %mul3A_179 = arith.muli %scan3A_58, %mul3A_178 : i32
      %add3A_180 = arith.constant 0 : i32
      %add3A_181 = arith.addi %mul3A_179, %add3A_180 : i32
      %add3A_182 = arith.constant 6 : i32
      %add3A_183 = arith.addi %add3A_181, %add3A_182 : i32
      %dma_wait3A_184 = arith.constant 0 : i32
      %dma_wait3A_185 = tpu.memref_slice %arg6[%add3A_183, %dma_wait3A_184] : memref<80x128xi32, #tpu.memory_space<vmem>> -> memref<1x128xi32, #tpu.memory_space<vmem>>
      %dma_wait3A_186 = tpu.memref_squeeze %dma_wait3A_185 : memref<1x128xi32, #tpu.memory_space<vmem>> -> memref<128xi32, #tpu.memory_space<vmem>>
      %dma_wait3A_187 = arith.constant 0 : i32
      %dma_wait3A_188 = arith.constant 0 : i32
      %dma_wait3A_189 = tpu.memref_slice %arg2[%dma_wait3A_187, %dma_wait3A_188] : memref<10000x128xf32, #tpu.memory_space<hbm>> -> memref<10000x128xf32, #tpu.memory_space<hbm>>
      tpu.wait_indirect_dma semaphore(%arg12 : memref<!tpu.dma_semaphore, #tpu.memory_space<semaphore_mem>>) src(%dma_wait3A_189 : memref<10000x128xf32, #tpu.memory_space<hbm>>) dst(%arg9 : memref<128x128xf32, #tpu.memory_space<vmem>>)
      %run_scoped3A_190 = arith.constant 6 : i32
      "tpu.region"() ({
        %run_scoped3A_396 = tpu.sem_alloc : memref<!tpu.dma_semaphore, #tpu.memory_space<semaphore_mem>>
        %dma_start3A_397 = arith.constant 0 : i32
        %dma_start3A_398 = tpu.memref_slice %arg7[%run_scoped3A_190, %dma_start3A_397] : memref<8x128xi32, #tpu.memory_space<vmem>> -> memref<1x128xi32, #tpu.memory_space<vmem>>
        %dma_start3A_399 = tpu.memref_squeeze %dma_start3A_398 : memref<1x128xi32, #tpu.memory_space<vmem>> -> memref<128xi32, #tpu.memory_space<vmem>>
        %dma_start3A_400 = arith.constant 0 : i32
        %dma_start3A_401 = arith.constant 0 : i32
        %dma_start3A_402 = tpu.memref_slice %arg11[%dma_start3A_400, %dma_start3A_401] : memref<10240x128xf32, #tpu.memory_space<vmem_shared>> -> memref<10240x128xf32, #tpu.memory_space<vmem_shared>>
        tpu.enqueue_indirect_dma source(%arg9 : memref<128x128xf32, #tpu.memory_space<vmem>>) target(%dma_start3A_402 : memref<10240x128xf32, #tpu.memory_space<vmem_shared>>) offsets(%dma_start3A_399 : memref<128xi32, #tpu.memory_space<vmem>>) semaphore(%run_scoped3A_396 : memref<!tpu.dma_semaphore, #tpu.memory_space<semaphore_mem>>) {add = true}
        %dma_wait3A_403 = arith.constant 0 : i32
        %dma_wait3A_404 = tpu.memref_slice %arg7[%run_scoped3A_190, %dma_wait3A_403] : memref<8x128xi32, #tpu.memory_space<vmem>> -> memref<1x128xi32, #tpu.memory_space<vmem>>
        %dma_wait3A_405 = tpu.memref_squeeze %dma_wait3A_404 : memref<1x128xi32, #tpu.memory_space<vmem>> -> memref<128xi32, #tpu.memory_space<vmem>>
        %dma_wait3A_406 = arith.constant 0 : i32
        %dma_wait3A_407 = arith.constant 0 : i32
        %dma_wait3A_408 = tpu.memref_slice %arg11[%dma_wait3A_406, %dma_wait3A_407] : memref<10240x128xf32, #tpu.memory_space<vmem_shared>> -> memref<10240x128xf32, #tpu.memory_space<vmem_shared>>
        tpu.wait_indirect_dma semaphore(%run_scoped3A_396 : memref<!tpu.dma_semaphore, #tpu.memory_space<semaphore_mem>>) src(%arg9 : memref<128x128xf32, #tpu.memory_space<vmem>>) dst(%dma_wait3A_408 : memref<10240x128xf32, #tpu.memory_space<vmem_shared>>)
        tpu.yield
      }) : () -> ()
      %add3A_191 = arith.constant 2 : i32
      %add3A_192 = arith.addi %add3A_183, %add3A_191 : i32
      %lt3A_193 = arith.constant 80 : i32
      %lt3A_194 = arith.cmpi slt, %add3A_192, %lt3A_193 : i32
      %convert_element_type3A_195 = arith.extui %lt3A_194 : i1 to i32
      %cond3A_196 = arith.constant 0 : i32
      %cond3A_197 = arith.cmpi ne, %convert_element_type3A_195, %cond3A_196 : i32
      scf.if %cond3A_197 {
        %dma_start3A_396 = arith.constant 0 : i32
        %dma_start3A_397 = tpu.memref_slice %arg6[%add3A_192, %dma_start3A_396] : memref<80x128xi32, #tpu.memory_space<vmem>> -> memref<1x128xi32, #tpu.memory_space<vmem>>
        %dma_start3A_398 = tpu.memref_squeeze %dma_start3A_397 : memref<1x128xi32, #tpu.memory_space<vmem>> -> memref<128xi32, #tpu.memory_space<vmem>>
        %dma_start3A_399 = arith.constant 0 : i32
        %dma_start3A_400 = arith.constant 0 : i32
        %dma_start3A_401 = tpu.memref_slice %arg2[%dma_start3A_399, %dma_start3A_400] : memref<10000x128xf32, #tpu.memory_space<hbm>> -> memref<10000x128xf32, #tpu.memory_space<hbm>>
        tpu.enqueue_indirect_dma source(%dma_start3A_401 : memref<10000x128xf32, #tpu.memory_space<hbm>>) target(%arg9 : memref<128x128xf32, #tpu.memory_space<vmem>>) offsets(%dma_start3A_398 : memref<128xi32, #tpu.memory_space<vmem>>) semaphore(%arg12 : memref<!tpu.dma_semaphore, #tpu.memory_space<semaphore_mem>>)
      } else {
      }
      %mul3A_198 = arith.constant 16 : i32
      %mul3A_199 = arith.muli %scan3A_58, %mul3A_198 : i32
      %add3A_200 = arith.constant 0 : i32
      %add3A_201 = arith.addi %mul3A_199, %add3A_200 : i32
      %add3A_202 = arith.constant 7 : i32
      %add3A_203 = arith.addi %add3A_201, %add3A_202 : i32
      %dma_wait3A_204 = arith.constant 0 : i32
      %dma_wait3A_205 = tpu.memref_slice %arg6[%add3A_203, %dma_wait3A_204] : memref<80x128xi32, #tpu.memory_space<vmem>> -> memref<1x128xi32, #tpu.memory_space<vmem>>
      %dma_wait3A_206 = tpu.memref_squeeze %dma_wait3A_205 : memref<1x128xi32, #tpu.memory_space<vmem>> -> memref<128xi32, #tpu.memory_space<vmem>>
      %dma_wait3A_207 = arith.constant 0 : i32
      %dma_wait3A_208 = arith.constant 0 : i32
      %dma_wait3A_209 = tpu.memref_slice %arg2[%dma_wait3A_207, %dma_wait3A_208] : memref<10000x128xf32, #tpu.memory_space<hbm>> -> memref<10000x128xf32, #tpu.memory_space<hbm>>
      tpu.wait_indirect_dma semaphore(%arg13 : memref<!tpu.dma_semaphore, #tpu.memory_space<semaphore_mem>>) src(%dma_wait3A_209 : memref<10000x128xf32, #tpu.memory_space<hbm>>) dst(%arg10 : memref<128x128xf32, #tpu.memory_space<vmem>>)
      %run_scoped3A_210 = arith.constant 7 : i32
      "tpu.region"() ({
        %run_scoped3A_396 = tpu.sem_alloc : memref<!tpu.dma_semaphore, #tpu.memory_space<semaphore_mem>>
        %dma_start3A_397 = arith.constant 0 : i32
        %dma_start3A_398 = tpu.memref_slice %arg7[%run_scoped3A_210, %dma_start3A_397] : memref<8x128xi32, #tpu.memory_space<vmem>> -> memref<1x128xi32, #tpu.memory_space<vmem>>
        %dma_start3A_399 = tpu.memref_squeeze %dma_start3A_398 : memref<1x128xi32, #tpu.memory_space<vmem>> -> memref<128xi32, #tpu.memory_space<vmem>>
        %dma_start3A_400 = arith.constant 0 : i32
        %dma_start3A_401 = arith.constant 0 : i32
        %dma_start3A_402 = tpu.memref_slice %arg11[%dma_start3A_400, %dma_start3A_401] : memref<10240x128xf32, #tpu.memory_space<vmem_shared>> -> memref<10240x128xf32, #tpu.memory_space<vmem_shared>>
        tpu.enqueue_indirect_dma source(%arg10 : memref<128x128xf32, #tpu.memory_space<vmem>>) target(%dma_start3A_402 : memref<10240x128xf32, #tpu.memory_space<vmem_shared>>) offsets(%dma_start3A_399 : memref<128xi32, #tpu.memory_space<vmem>>) semaphore(%run_scoped3A_396 : memref<!tpu.dma_semaphore, #tpu.memory_space<semaphore_mem>>) {add = true}
        %dma_wait3A_403 = arith.constant 0 : i32
        %dma_wait3A_404 = tpu.memref_slice %arg7[%run_scoped3A_210, %dma_wait3A_403] : memref<8x128xi32, #tpu.memory_space<vmem>> -> memref<1x128xi32, #tpu.memory_space<vmem>>
        %dma_wait3A_405 = tpu.memref_squeeze %dma_wait3A_404 : memref<1x128xi32, #tpu.memory_space<vmem>> -> memref<128xi32, #tpu.memory_space<vmem>>
        %dma_wait3A_406 = arith.constant 0 : i32
        %dma_wait3A_407 = arith.constant 0 : i32
        %dma_wait3A_408 = tpu.memref_slice %arg11[%dma_wait3A_406, %dma_wait3A_407] : memref<10240x128xf32, #tpu.memory_space<vmem_shared>> -> memref<10240x128xf32, #tpu.memory_space<vmem_shared>>
        tpu.wait_indirect_dma semaphore(%run_scoped3A_396 : memref<!tpu.dma_semaphore, #tpu.memory_space<semaphore_mem>>) src(%arg10 : memref<128x128xf32, #tpu.memory_space<vmem>>) dst(%dma_wait3A_408 : memref<10240x128xf32, #tpu.memory_space<vmem_shared>>)
        tpu.yield
      }) : () -> ()
      %add3A_211 = arith.constant 2 : i32
      %add3A_212 = arith.addi %add3A_203, %add3A_211 : i32
      %lt3A_213 = arith.constant 80 : i32
      %lt3A_214 = arith.cmpi slt, %add3A_212, %lt3A_213 : i32
      %convert_element_type3A_215 = arith.extui %lt3A_214 : i1 to i32
      %cond3A_216 = arith.constant 0 : i32
      %cond3A_217 = arith.cmpi ne, %convert_element_type3A_215, %cond3A_216 : i32
      scf.if %cond3A_217 {
        %dma_start3A_396 = arith.constant 0 : i32
        %dma_start3A_397 = tpu.memref_slice %arg6[%add3A_212, %dma_start3A_396] : memref<80x128xi32, #tpu.memory_space<vmem>> -> memref<1x128xi32, #tpu.memory_space<vmem>>
        %dma_start3A_398 = tpu.memref_squeeze %dma_start3A_397 : memref<1x128xi32, #tpu.memory_space<vmem>> -> memref<128xi32, #tpu.memory_space<vmem>>
        %dma_start3A_399 = arith.constant 0 : i32
        %dma_start3A_400 = arith.constant 0 : i32
        %dma_start3A_401 = tpu.memref_slice %arg2[%dma_start3A_399, %dma_start3A_400] : memref<10000x128xf32, #tpu.memory_space<hbm>> -> memref<10000x128xf32, #tpu.memory_space<hbm>>
        tpu.enqueue_indirect_dma source(%dma_start3A_401 : memref<10000x128xf32, #tpu.memory_space<hbm>>) target(%arg10 : memref<128x128xf32, #tpu.memory_space<vmem>>) offsets(%dma_start3A_398 : memref<128xi32, #tpu.memory_space<vmem>>) semaphore(%arg13 : memref<!tpu.dma_semaphore, #tpu.memory_space<semaphore_mem>>)
      } else {
      }
      %dma_wait3A_218 = arith.constant 0 : i32
      %dma_wait3A_219 = arith.constant 0 : i32
      %dma_wait3A_220 = tpu.memref_slice %arg4[%add3A, %dma_wait3A_218, %dma_wait3A_219] : memref<32x80x128xi32, #tpu.memory_space<hbm>> -> memref<1x8x128xi32, #tpu.memory_space<hbm>>
      %dma_wait3A_221 = tpu.memref_squeeze %dma_wait3A_220 : memref<1x8x128xi32, #tpu.memory_space<hbm>> -> memref<8x128xi32, #tpu.memory_space<hbm>>
      %dma_wait3A_222 = arith.constant 0 : i32
      %dma_wait3A_223 = arith.constant 0 : i32
      %dma_wait3A_224 = tpu.memref_slice %arg4[%add3A, %dma_wait3A_222, %dma_wait3A_223] : memref<32x80x128xi32, #tpu.memory_space<hbm>> -> memref<1x8x128xi32, #tpu.memory_space<hbm>>
      %dma_wait3A_225 = tpu.memref_squeeze %dma_wait3A_224 : memref<1x8x128xi32, #tpu.memory_space<hbm>> -> memref<8x128xi32, #tpu.memory_space<hbm>>
      tpu.wait_dma2 semaphore(%arg14 : memref<!tpu.dma_semaphore, #tpu.memory_space<semaphore_mem>>) src(%dma_wait3A_225 : memref<8x128xi32, #tpu.memory_space<hbm>>) dst(%arg8 : memref<8x128xi32, #tpu.memory_space<vmem>>)
      %lt3A_226 = arith.constant 4 : i32
      %lt3A_227 = arith.cmpi slt, %scan3A_58, %lt3A_226 : i32
      %convert_element_type3A_228 = arith.extui %lt3A_227 : i1 to i32
      %cond3A_229 = arith.constant 0 : i32
      %cond3A_230 = arith.cmpi ne, %convert_element_type3A_228, %cond3A_229 : i32
      scf.if %cond3A_230 {
        %mul3A_396 = arith.constant 2 : i32
        %mul3A_397 = arith.muli %mul3A_396, %scan3A_58 : i32
        %add3A_398 = arith.constant 2 : i32
        %add3A_399 = arith.addi %mul3A_397, %add3A_398 : i32
        %mul3A_400 = arith.constant 8 : i32
        %mul3A_401 = arith.muli %add3A_399, %mul3A_400 : i32
        %dma_start3A_402 = arith.constant 0 : i32
        %dma_start3A_403 = tpu.memref_slice %arg4[%add3A, %mul3A_401, %dma_start3A_402] : memref<32x80x128xi32, #tpu.memory_space<hbm>> -> memref<1x8x128xi32, #tpu.memory_space<hbm>>
        %dma_start3A_404 = tpu.memref_squeeze %dma_start3A_403 : memref<1x8x128xi32, #tpu.memory_space<hbm>> -> memref<8x128xi32, #tpu.memory_space<hbm>>
        %dma_start3A_405 = arith.constant 0 : i32
        %dma_start3A_406 = tpu.memref_slice %arg4[%add3A, %mul3A_401, %dma_start3A_405] : memref<32x80x128xi32, #tpu.memory_space<hbm>> -> memref<1x8x128xi32, #tpu.memory_space<hbm>>
        %dma_start3A_407 = tpu.memref_squeeze %dma_start3A_406 : memref<1x8x128xi32, #tpu.memory_space<hbm>> -> memref<8x128xi32, #tpu.memory_space<hbm>>
        tpu.enqueue_dma source(%dma_start3A_407 : memref<8x128xi32, #tpu.memory_space<hbm>>) target(%arg7 : memref<8x128xi32, #tpu.memory_space<vmem>>) target_semaphore(%arg14 : memref<!tpu.dma_semaphore, #tpu.memory_space<semaphore_mem>>)
      } else {
      }
      %mul3A_231 = arith.constant 16 : i32
      %mul3A_232 = arith.muli %scan3A_58, %mul3A_231 : i32
      %add3A_233 = arith.constant 8 : i32
      %add3A_234 = arith.addi %mul3A_232, %add3A_233 : i32
      %add3A_235 = arith.constant 0 : i32
      %add3A_236 = arith.addi %add3A_234, %add3A_235 : i32
      %dma_wait3A_237 = arith.constant 0 : i32
      %dma_wait3A_238 = tpu.memref_slice %arg6[%add3A_236, %dma_wait3A_237] : memref<80x128xi32, #tpu.memory_space<vmem>> -> memref<1x128xi32, #tpu.memory_space<vmem>>
      %dma_wait3A_239 = tpu.memref_squeeze %dma_wait3A_238 : memref<1x128xi32, #tpu.memory_space<vmem>> -> memref<128xi32, #tpu.memory_space<vmem>>
      %dma_wait3A_240 = arith.constant 0 : i32
      %dma_wait3A_241 = arith.constant 0 : i32
      %dma_wait3A_242 = tpu.memref_slice %arg2[%dma_wait3A_240, %dma_wait3A_241] : memref<10000x128xf32, #tpu.memory_space<hbm>> -> memref<10000x128xf32, #tpu.memory_space<hbm>>
      tpu.wait_indirect_dma semaphore(%arg12 : memref<!tpu.dma_semaphore, #tpu.memory_space<semaphore_mem>>) src(%dma_wait3A_242 : memref<10000x128xf32, #tpu.memory_space<hbm>>) dst(%arg9 : memref<128x128xf32, #tpu.memory_space<vmem>>)
      %run_scoped3A_243 = arith.constant 0 : i32
      "tpu.region"() ({
        %run_scoped3A_396 = tpu.sem_alloc : memref<!tpu.dma_semaphore, #tpu.memory_space<semaphore_mem>>
        %dma_start3A_397 = arith.constant 0 : i32
        %dma_start3A_398 = tpu.memref_slice %arg8[%run_scoped3A_243, %dma_start3A_397] : memref<8x128xi32, #tpu.memory_space<vmem>> -> memref<1x128xi32, #tpu.memory_space<vmem>>
        %dma_start3A_399 = tpu.memref_squeeze %dma_start3A_398 : memref<1x128xi32, #tpu.memory_space<vmem>> -> memref<128xi32, #tpu.memory_space<vmem>>
        %dma_start3A_400 = arith.constant 0 : i32
        %dma_start3A_401 = arith.constant 0 : i32
        %dma_start3A_402 = tpu.memref_slice %arg11[%dma_start3A_400, %dma_start3A_401] : memref<10240x128xf32, #tpu.memory_space<vmem_shared>> -> memref<10240x128xf32, #tpu.memory_space<vmem_shared>>
        tpu.enqueue_indirect_dma source(%arg9 : memref<128x128xf32, #tpu.memory_space<vmem>>) target(%dma_start3A_402 : memref<10240x128xf32, #tpu.memory_space<vmem_shared>>) offsets(%dma_start3A_399 : memref<128xi32, #tpu.memory_space<vmem>>) semaphore(%run_scoped3A_396 : memref<!tpu.dma_semaphore, #tpu.memory_space<semaphore_mem>>) {add = true}
        %dma_wait3A_403 = arith.constant 0 : i32
        %dma_wait3A_404 = tpu.memref_slice %arg8[%run_scoped3A_243, %dma_wait3A_403] : memref<8x128xi32, #tpu.memory_space<vmem>> -> memref<1x128xi32, #tpu.memory_space<vmem>>
        %dma_wait3A_405 = tpu.memref_squeeze %dma_wait3A_404 : memref<1x128xi32, #tpu.memory_space<vmem>> -> memref<128xi32, #tpu.memory_space<vmem>>
        %dma_wait3A_406 = arith.constant 0 : i32
        %dma_wait3A_407 = arith.constant 0 : i32
        %dma_wait3A_408 = tpu.memref_slice %arg11[%dma_wait3A_406, %dma_wait3A_407] : memref<10240x128xf32, #tpu.memory_space<vmem_shared>> -> memref<10240x128xf32, #tpu.memory_space<vmem_shared>>
        tpu.wait_indirect_dma semaphore(%run_scoped3A_396 : memref<!tpu.dma_semaphore, #tpu.memory_space<semaphore_mem>>) src(%arg9 : memref<128x128xf32, #tpu.memory_space<vmem>>) dst(%dma_wait3A_408 : memref<10240x128xf32, #tpu.memory_space<vmem_shared>>)
        tpu.yield
      }) : () -> ()
      %add3A_244 = arith.constant 2 : i32
      %add3A_245 = arith.addi %add3A_236, %add3A_244 : i32
      %lt3A_246 = arith.constant 80 : i32
      %lt3A_247 = arith.cmpi slt, %add3A_245, %lt3A_246 : i32
      %convert_element_type3A_248 = arith.extui %lt3A_247 : i1 to i32
      %cond3A_249 = arith.constant 0 : i32
      %cond3A_250 = arith.cmpi ne, %convert_element_type3A_248, %cond3A_249 : i32
      scf.if %cond3A_250 {
        %dma_start3A_396 = arith.constant 0 : i32
        %dma_start3A_397 = tpu.memref_slice %arg6[%add3A_245, %dma_start3A_396] : memref<80x128xi32, #tpu.memory_space<vmem>> -> memref<1x128xi32, #tpu.memory_space<vmem>>
        %dma_start3A_398 = tpu.memref_squeeze %dma_start3A_397 : memref<1x128xi32, #tpu.memory_space<vmem>> -> memref<128xi32, #tpu.memory_space<vmem>>
        %dma_start3A_399 = arith.constant 0 : i32
        %dma_start3A_400 = arith.constant 0 : i32
        %dma_start3A_401 = tpu.memref_slice %arg2[%dma_start3A_399, %dma_start3A_400] : memref<10000x128xf32, #tpu.memory_space<hbm>> -> memref<10000x128xf32, #tpu.memory_space<hbm>>
        tpu.enqueue_indirect_dma source(%dma_start3A_401 : memref<10000x128xf32, #tpu.memory_space<hbm>>) target(%arg9 : memref<128x128xf32, #tpu.memory_space<vmem>>) offsets(%dma_start3A_398 : memref<128xi32, #tpu.memory_space<vmem>>) semaphore(%arg12 : memref<!tpu.dma_semaphore, #tpu.memory_space<semaphore_mem>>)
      } else {
      }
      %mul3A_251 = arith.constant 16 : i32
      %mul3A_252 = arith.muli %scan3A_58, %mul3A_251 : i32
      %add3A_253 = arith.constant 8 : i32
      %add3A_254 = arith.addi %mul3A_252, %add3A_253 : i32
      %add3A_255 = arith.constant 1 : i32
      %add3A_256 = arith.addi %add3A_254, %add3A_255 : i32
      %dma_wait3A_257 = arith.constant 0 : i32
      %dma_wait3A_258 = tpu.memref_slice %arg6[%add3A_256, %dma_wait3A_257] : memref<80x128xi32, #tpu.memory_space<vmem>> -> memref<1x128xi32, #tpu.memory_space<vmem>>
      %dma_wait3A_259 = tpu.memref_squeeze %dma_wait3A_258 : memref<1x128xi32, #tpu.memory_space<vmem>> -> memref<128xi32, #tpu.memory_space<vmem>>
      %dma_wait3A_260 = arith.constant 0 : i32
      %dma_wait3A_261 = arith.constant 0 : i32
      %dma_wait3A_262 = tpu.memref_slice %arg2[%dma_wait3A_260, %dma_wait3A_261] : memref<10000x128xf32, #tpu.memory_space<hbm>> -> memref<10000x128xf32, #tpu.memory_space<hbm>>
      tpu.wait_indirect_dma semaphore(%arg13 : memref<!tpu.dma_semaphore, #tpu.memory_space<semaphore_mem>>) src(%dma_wait3A_262 : memref<10000x128xf32, #tpu.memory_space<hbm>>) dst(%arg10 : memref<128x128xf32, #tpu.memory_space<vmem>>)
      %run_scoped3A_263 = arith.constant 1 : i32
      "tpu.region"() ({
        %run_scoped3A_396 = tpu.sem_alloc : memref<!tpu.dma_semaphore, #tpu.memory_space<semaphore_mem>>
        %dma_start3A_397 = arith.constant 0 : i32
        %dma_start3A_398 = tpu.memref_slice %arg8[%run_scoped3A_263, %dma_start3A_397] : memref<8x128xi32, #tpu.memory_space<vmem>> -> memref<1x128xi32, #tpu.memory_space<vmem>>
        %dma_start3A_399 = tpu.memref_squeeze %dma_start3A_398 : memref<1x128xi32, #tpu.memory_space<vmem>> -> memref<128xi32, #tpu.memory_space<vmem>>
        %dma_start3A_400 = arith.constant 0 : i32
        %dma_start3A_401 = arith.constant 0 : i32
        %dma_start3A_402 = tpu.memref_slice %arg11[%dma_start3A_400, %dma_start3A_401] : memref<10240x128xf32, #tpu.memory_space<vmem_shared>> -> memref<10240x128xf32, #tpu.memory_space<vmem_shared>>
        tpu.enqueue_indirect_dma source(%arg10 : memref<128x128xf32, #tpu.memory_space<vmem>>) target(%dma_start3A_402 : memref<10240x128xf32, #tpu.memory_space<vmem_shared>>) offsets(%dma_start3A_399 : memref<128xi32, #tpu.memory_space<vmem>>) semaphore(%run_scoped3A_396 : memref<!tpu.dma_semaphore, #tpu.memory_space<semaphore_mem>>) {add = true}
        %dma_wait3A_403 = arith.constant 0 : i32
        %dma_wait3A_404 = tpu.memref_slice %arg8[%run_scoped3A_263, %dma_wait3A_403] : memref<8x128xi32, #tpu.memory_space<vmem>> -> memref<1x128xi32, #tpu.memory_space<vmem>>
        %dma_wait3A_405 = tpu.memref_squeeze %dma_wait3A_404 : memref<1x128xi32, #tpu.memory_space<vmem>> -> memref<128xi32, #tpu.memory_space<vmem>>
        %dma_wait3A_406 = arith.constant 0 : i32
        %dma_wait3A_407 = arith.constant 0 : i32
        %dma_wait3A_408 = tpu.memref_slice %arg11[%dma_wait3A_406, %dma_wait3A_407] : memref<10240x128xf32, #tpu.memory_space<vmem_shared>> -> memref<10240x128xf32, #tpu.memory_space<vmem_shared>>
        tpu.wait_indirect_dma semaphore(%run_scoped3A_396 : memref<!tpu.dma_semaphore, #tpu.memory_space<semaphore_mem>>) src(%arg10 : memref<128x128xf32, #tpu.memory_space<vmem>>) dst(%dma_wait3A_408 : memref<10240x128xf32, #tpu.memory_space<vmem_shared>>)
        tpu.yield
      }) : () -> ()
      %add3A_264 = arith.constant 2 : i32
      %add3A_265 = arith.addi %add3A_256, %add3A_264 : i32
      %lt3A_266 = arith.constant 80 : i32
      %lt3A_267 = arith.cmpi slt, %add3A_265, %lt3A_266 : i32
      %convert_element_type3A_268 = arith.extui %lt3A_267 : i1 to i32
      %cond3A_269 = arith.constant 0 : i32
      %cond3A_270 = arith.cmpi ne, %convert_element_type3A_268, %cond3A_269 : i32
      scf.if %cond3A_270 {
        %dma_start3A_396 = arith.constant 0 : i32
        %dma_start3A_397 = tpu.memref_slice %arg6[%add3A_265, %dma_start3A_396] : memref<80x128xi32, #tpu.memory_space<vmem>> -> memref<1x128xi32, #tpu.memory_space<vmem>>
        %dma_start3A_398 = tpu.memref_squeeze %dma_start3A_397 : memref<1x128xi32, #tpu.memory_space<vmem>> -> memref<128xi32, #tpu.memory_space<vmem>>
        %dma_start3A_399 = arith.constant 0 : i32
        %dma_start3A_400 = arith.constant 0 : i32
        %dma_start3A_401 = tpu.memref_slice %arg2[%dma_start3A_399, %dma_start3A_400] : memref<10000x128xf32, #tpu.memory_space<hbm>> -> memref<10000x128xf32, #tpu.memory_space<hbm>>
        tpu.enqueue_indirect_dma source(%dma_start3A_401 : memref<10000x128xf32, #tpu.memory_space<hbm>>) target(%arg10 : memref<128x128xf32, #tpu.memory_space<vmem>>) offsets(%dma_start3A_398 : memref<128xi32, #tpu.memory_space<vmem>>) semaphore(%arg13 : memref<!tpu.dma_semaphore, #tpu.memory_space<semaphore_mem>>)
      } else {
      }
      %mul3A_271 = arith.constant 16 : i32
      %mul3A_272 = arith.muli %scan3A_58, %mul3A_271 : i32
      %add3A_273 = arith.constant 8 : i32
      %add3A_274 = arith.addi %mul3A_272, %add3A_273 : i32
      %add3A_275 = arith.constant 2 : i32
      %add3A_276 = arith.addi %add3A_274, %add3A_275 : i32
      %dma_wait3A_277 = arith.constant 0 : i32
      %dma_wait3A_278 = tpu.memref_slice %arg6[%add3A_276, %dma_wait3A_277] : memref<80x128xi32, #tpu.memory_space<vmem>> -> memref<1x128xi32, #tpu.memory_space<vmem>>
      %dma_wait3A_279 = tpu.memref_squeeze %dma_wait3A_278 : memref<1x128xi32, #tpu.memory_space<vmem>> -> memref<128xi32, #tpu.memory_space<vmem>>
      %dma_wait3A_280 = arith.constant 0 : i32
      %dma_wait3A_281 = arith.constant 0 : i32
      %dma_wait3A_282 = tpu.memref_slice %arg2[%dma_wait3A_280, %dma_wait3A_281] : memref<10000x128xf32, #tpu.memory_space<hbm>> -> memref<10000x128xf32, #tpu.memory_space<hbm>>
      tpu.wait_indirect_dma semaphore(%arg12 : memref<!tpu.dma_semaphore, #tpu.memory_space<semaphore_mem>>) src(%dma_wait3A_282 : memref<10000x128xf32, #tpu.memory_space<hbm>>) dst(%arg9 : memref<128x128xf32, #tpu.memory_space<vmem>>)
      %run_scoped3A_283 = arith.constant 2 : i32
      "tpu.region"() ({
        %run_scoped3A_396 = tpu.sem_alloc : memref<!tpu.dma_semaphore, #tpu.memory_space<semaphore_mem>>
        %dma_start3A_397 = arith.constant 0 : i32
        %dma_start3A_398 = tpu.memref_slice %arg8[%run_scoped3A_283, %dma_start3A_397] : memref<8x128xi32, #tpu.memory_space<vmem>> -> memref<1x128xi32, #tpu.memory_space<vmem>>
        %dma_start3A_399 = tpu.memref_squeeze %dma_start3A_398 : memref<1x128xi32, #tpu.memory_space<vmem>> -> memref<128xi32, #tpu.memory_space<vmem>>
        %dma_start3A_400 = arith.constant 0 : i32
        %dma_start3A_401 = arith.constant 0 : i32
        %dma_start3A_402 = tpu.memref_slice %arg11[%dma_start3A_400, %dma_start3A_401] : memref<10240x128xf32, #tpu.memory_space<vmem_shared>> -> memref<10240x128xf32, #tpu.memory_space<vmem_shared>>
        tpu.enqueue_indirect_dma source(%arg9 : memref<128x128xf32, #tpu.memory_space<vmem>>) target(%dma_start3A_402 : memref<10240x128xf32, #tpu.memory_space<vmem_shared>>) offsets(%dma_start3A_399 : memref<128xi32, #tpu.memory_space<vmem>>) semaphore(%run_scoped3A_396 : memref<!tpu.dma_semaphore, #tpu.memory_space<semaphore_mem>>) {add = true}
        %dma_wait3A_403 = arith.constant 0 : i32
        %dma_wait3A_404 = tpu.memref_slice %arg8[%run_scoped3A_283, %dma_wait3A_403] : memref<8x128xi32, #tpu.memory_space<vmem>> -> memref<1x128xi32, #tpu.memory_space<vmem>>
        %dma_wait3A_405 = tpu.memref_squeeze %dma_wait3A_404 : memref<1x128xi32, #tpu.memory_space<vmem>> -> memref<128xi32, #tpu.memory_space<vmem>>
        %dma_wait3A_406 = arith.constant 0 : i32
        %dma_wait3A_407 = arith.constant 0 : i32
        %dma_wait3A_408 = tpu.memref_slice %arg11[%dma_wait3A_406, %dma_wait3A_407] : memref<10240x128xf32, #tpu.memory_space<vmem_shared>> -> memref<10240x128xf32, #tpu.memory_space<vmem_shared>>
        tpu.wait_indirect_dma semaphore(%run_scoped3A_396 : memref<!tpu.dma_semaphore, #tpu.memory_space<semaphore_mem>>) src(%arg9 : memref<128x128xf32, #tpu.memory_space<vmem>>) dst(%dma_wait3A_408 : memref<10240x128xf32, #tpu.memory_space<vmem_shared>>)
        tpu.yield
      }) : () -> ()
      %add3A_284 = arith.constant 2 : i32
      %add3A_285 = arith.addi %add3A_276, %add3A_284 : i32
      %lt3A_286 = arith.constant 80 : i32
      %lt3A_287 = arith.cmpi slt, %add3A_285, %lt3A_286 : i32
      %convert_element_type3A_288 = arith.extui %lt3A_287 : i1 to i32
      %cond3A_289 = arith.constant 0 : i32
      %cond3A_290 = arith.cmpi ne, %convert_element_type3A_288, %cond3A_289 : i32
      scf.if %cond3A_290 {
        %dma_start3A_396 = arith.constant 0 : i32
        %dma_start3A_397 = tpu.memref_slice %arg6[%add3A_285, %dma_start3A_396] : memref<80x128xi32, #tpu.memory_space<vmem>> -> memref<1x128xi32, #tpu.memory_space<vmem>>
        %dma_start3A_398 = tpu.memref_squeeze %dma_start3A_397 : memref<1x128xi32, #tpu.memory_space<vmem>> -> memref<128xi32, #tpu.memory_space<vmem>>
        %dma_start3A_399 = arith.constant 0 : i32
        %dma_start3A_400 = arith.constant 0 : i32
        %dma_start3A_401 = tpu.memref_slice %arg2[%dma_start3A_399, %dma_start3A_400] : memref<10000x128xf32, #tpu.memory_space<hbm>> -> memref<10000x128xf32, #tpu.memory_space<hbm>>
        tpu.enqueue_indirect_dma source(%dma_start3A_401 : memref<10000x128xf32, #tpu.memory_space<hbm>>) target(%arg9 : memref<128x128xf32, #tpu.memory_space<vmem>>) offsets(%dma_start3A_398 : memref<128xi32, #tpu.memory_space<vmem>>) semaphore(%arg12 : memref<!tpu.dma_semaphore, #tpu.memory_space<semaphore_mem>>)
      } else {
      }
      %mul3A_291 = arith.constant 16 : i32
      %mul3A_292 = arith.muli %scan3A_58, %mul3A_291 : i32
      %add3A_293 = arith.constant 8 : i32
      %add3A_294 = arith.addi %mul3A_292, %add3A_293 : i32
      %add3A_295 = arith.constant 3 : i32
      %add3A_296 = arith.addi %add3A_294, %add3A_295 : i32
      %dma_wait3A_297 = arith.constant 0 : i32
      %dma_wait3A_298 = tpu.memref_slice %arg6[%add3A_296, %dma_wait3A_297] : memref<80x128xi32, #tpu.memory_space<vmem>> -> memref<1x128xi32, #tpu.memory_space<vmem>>
      %dma_wait3A_299 = tpu.memref_squeeze %dma_wait3A_298 : memref<1x128xi32, #tpu.memory_space<vmem>> -> memref<128xi32, #tpu.memory_space<vmem>>
      %dma_wait3A_300 = arith.constant 0 : i32
      %dma_wait3A_301 = arith.constant 0 : i32
      %dma_wait3A_302 = tpu.memref_slice %arg2[%dma_wait3A_300, %dma_wait3A_301] : memref<10000x128xf32, #tpu.memory_space<hbm>> -> memref<10000x128xf32, #tpu.memory_space<hbm>>
      tpu.wait_indirect_dma semaphore(%arg13 : memref<!tpu.dma_semaphore, #tpu.memory_space<semaphore_mem>>) src(%dma_wait3A_302 : memref<10000x128xf32, #tpu.memory_space<hbm>>) dst(%arg10 : memref<128x128xf32, #tpu.memory_space<vmem>>)
      %run_scoped3A_303 = arith.constant 3 : i32
      "tpu.region"() ({
        %run_scoped3A_396 = tpu.sem_alloc : memref<!tpu.dma_semaphore, #tpu.memory_space<semaphore_mem>>
        %dma_start3A_397 = arith.constant 0 : i32
        %dma_start3A_398 = tpu.memref_slice %arg8[%run_scoped3A_303, %dma_start3A_397] : memref<8x128xi32, #tpu.memory_space<vmem>> -> memref<1x128xi32, #tpu.memory_space<vmem>>
        %dma_start3A_399 = tpu.memref_squeeze %dma_start3A_398 : memref<1x128xi32, #tpu.memory_space<vmem>> -> memref<128xi32, #tpu.memory_space<vmem>>
        %dma_start3A_400 = arith.constant 0 : i32
        %dma_start3A_401 = arith.constant 0 : i32
        %dma_start3A_402 = tpu.memref_slice %arg11[%dma_start3A_400, %dma_start3A_401] : memref<10240x128xf32, #tpu.memory_space<vmem_shared>> -> memref<10240x128xf32, #tpu.memory_space<vmem_shared>>
        tpu.enqueue_indirect_dma source(%arg10 : memref<128x128xf32, #tpu.memory_space<vmem>>) target(%dma_start3A_402 : memref<10240x128xf32, #tpu.memory_space<vmem_shared>>) offsets(%dma_start3A_399 : memref<128xi32, #tpu.memory_space<vmem>>) semaphore(%run_scoped3A_396 : memref<!tpu.dma_semaphore, #tpu.memory_space<semaphore_mem>>) {add = true}
        %dma_wait3A_403 = arith.constant 0 : i32
        %dma_wait3A_404 = tpu.memref_slice %arg8[%run_scoped3A_303, %dma_wait3A_403] : memref<8x128xi32, #tpu.memory_space<vmem>> -> memref<1x128xi32, #tpu.memory_space<vmem>>
        %dma_wait3A_405 = tpu.memref_squeeze %dma_wait3A_404 : memref<1x128xi32, #tpu.memory_space<vmem>> -> memref<128xi32, #tpu.memory_space<vmem>>
        %dma_wait3A_406 = arith.constant 0 : i32
        %dma_wait3A_407 = arith.constant 0 : i32
        %dma_wait3A_408 = tpu.memref_slice %arg11[%dma_wait3A_406, %dma_wait3A_407] : memref<10240x128xf32, #tpu.memory_space<vmem_shared>> -> memref<10240x128xf32, #tpu.memory_space<vmem_shared>>
        tpu.wait_indirect_dma semaphore(%run_scoped3A_396 : memref<!tpu.dma_semaphore, #tpu.memory_space<semaphore_mem>>) src(%arg10 : memref<128x128xf32, #tpu.memory_space<vmem>>) dst(%dma_wait3A_408 : memref<10240x128xf32, #tpu.memory_space<vmem_shared>>)
        tpu.yield
      }) : () -> ()
      %add3A_304 = arith.constant 2 : i32
      %add3A_305 = arith.addi %add3A_296, %add3A_304 : i32
      %lt3A_306 = arith.constant 80 : i32
      %lt3A_307 = arith.cmpi slt, %add3A_305, %lt3A_306 : i32
      %convert_element_type3A_308 = arith.extui %lt3A_307 : i1 to i32
      %cond3A_309 = arith.constant 0 : i32
      %cond3A_310 = arith.cmpi ne, %convert_element_type3A_308, %cond3A_309 : i32
      scf.if %cond3A_310 {
        %dma_start3A_396 = arith.constant 0 : i32
        %dma_start3A_397 = tpu.memref_slice %arg6[%add3A_305, %dma_start3A_396] : memref<80x128xi32, #tpu.memory_space<vmem>> -> memref<1x128xi32, #tpu.memory_space<vmem>>
        %dma_start3A_398 = tpu.memref_squeeze %dma_start3A_397 : memref<1x128xi32, #tpu.memory_space<vmem>> -> memref<128xi32, #tpu.memory_space<vmem>>
        %dma_start3A_399 = arith.constant 0 : i32
        %dma_start3A_400 = arith.constant 0 : i32
        %dma_start3A_401 = tpu.memref_slice %arg2[%dma_start3A_399, %dma_start3A_400] : memref<10000x128xf32, #tpu.memory_space<hbm>> -> memref<10000x128xf32, #tpu.memory_space<hbm>>
        tpu.enqueue_indirect_dma source(%dma_start3A_401 : memref<10000x128xf32, #tpu.memory_space<hbm>>) target(%arg10 : memref<128x128xf32, #tpu.memory_space<vmem>>) offsets(%dma_start3A_398 : memref<128xi32, #tpu.memory_space<vmem>>) semaphore(%arg13 : memref<!tpu.dma_semaphore, #tpu.memory_space<semaphore_mem>>)
      } else {
      }
      %mul3A_311 = arith.constant 16 : i32
      %mul3A_312 = arith.muli %scan3A_58, %mul3A_311 : i32
      %add3A_313 = arith.constant 8 : i32
      %add3A_314 = arith.addi %mul3A_312, %add3A_313 : i32
      %add3A_315 = arith.constant 4 : i32
      %add3A_316 = arith.addi %add3A_314, %add3A_315 : i32
      %dma_wait3A_317 = arith.constant 0 : i32
      %dma_wait3A_318 = tpu.memref_slice %arg6[%add3A_316, %dma_wait3A_317] : memref<80x128xi32, #tpu.memory_space<vmem>> -> memref<1x128xi32, #tpu.memory_space<vmem>>
      %dma_wait3A_319 = tpu.memref_squeeze %dma_wait3A_318 : memref<1x128xi32, #tpu.memory_space<vmem>> -> memref<128xi32, #tpu.memory_space<vmem>>
      %dma_wait3A_320 = arith.constant 0 : i32
      %dma_wait3A_321 = arith.constant 0 : i32
      %dma_wait3A_322 = tpu.memref_slice %arg2[%dma_wait3A_320, %dma_wait3A_321] : memref<10000x128xf32, #tpu.memory_space<hbm>> -> memref<10000x128xf32, #tpu.memory_space<hbm>>
      tpu.wait_indirect_dma semaphore(%arg12 : memref<!tpu.dma_semaphore, #tpu.memory_space<semaphore_mem>>) src(%dma_wait3A_322 : memref<10000x128xf32, #tpu.memory_space<hbm>>) dst(%arg9 : memref<128x128xf32, #tpu.memory_space<vmem>>)
      %run_scoped3A_323 = arith.constant 4 : i32
      "tpu.region"() ({
        %run_scoped3A_396 = tpu.sem_alloc : memref<!tpu.dma_semaphore, #tpu.memory_space<semaphore_mem>>
        %dma_start3A_397 = arith.constant 0 : i32
        %dma_start3A_398 = tpu.memref_slice %arg8[%run_scoped3A_323, %dma_start3A_397] : memref<8x128xi32, #tpu.memory_space<vmem>> -> memref<1x128xi32, #tpu.memory_space<vmem>>
        %dma_start3A_399 = tpu.memref_squeeze %dma_start3A_398 : memref<1x128xi32, #tpu.memory_space<vmem>> -> memref<128xi32, #tpu.memory_space<vmem>>
        %dma_start3A_400 = arith.constant 0 : i32
        %dma_start3A_401 = arith.constant 0 : i32
        %dma_start3A_402 = tpu.memref_slice %arg11[%dma_start3A_400, %dma_start3A_401] : memref<10240x128xf32, #tpu.memory_space<vmem_shared>> -> memref<10240x128xf32, #tpu.memory_space<vmem_shared>>
        tpu.enqueue_indirect_dma source(%arg9 : memref<128x128xf32, #tpu.memory_space<vmem>>) target(%dma_start3A_402 : memref<10240x128xf32, #tpu.memory_space<vmem_shared>>) offsets(%dma_start3A_399 : memref<128xi32, #tpu.memory_space<vmem>>) semaphore(%run_scoped3A_396 : memref<!tpu.dma_semaphore, #tpu.memory_space<semaphore_mem>>) {add = true}
        %dma_wait3A_403 = arith.constant 0 : i32
        %dma_wait3A_404 = tpu.memref_slice %arg8[%run_scoped3A_323, %dma_wait3A_403] : memref<8x128xi32, #tpu.memory_space<vmem>> -> memref<1x128xi32, #tpu.memory_space<vmem>>
        %dma_wait3A_405 = tpu.memref_squeeze %dma_wait3A_404 : memref<1x128xi32, #tpu.memory_space<vmem>> -> memref<128xi32, #tpu.memory_space<vmem>>
        %dma_wait3A_406 = arith.constant 0 : i32
        %dma_wait3A_407 = arith.constant 0 : i32
        %dma_wait3A_408 = tpu.memref_slice %arg11[%dma_wait3A_406, %dma_wait3A_407] : memref<10240x128xf32, #tpu.memory_space<vmem_shared>> -> memref<10240x128xf32, #tpu.memory_space<vmem_shared>>
        tpu.wait_indirect_dma semaphore(%run_scoped3A_396 : memref<!tpu.dma_semaphore, #tpu.memory_space<semaphore_mem>>) src(%arg9 : memref<128x128xf32, #tpu.memory_space<vmem>>) dst(%dma_wait3A_408 : memref<10240x128xf32, #tpu.memory_space<vmem_shared>>)
        tpu.yield
      }) : () -> ()
      %add3A_324 = arith.constant 2 : i32
      %add3A_325 = arith.addi %add3A_316, %add3A_324 : i32
      %lt3A_326 = arith.constant 80 : i32
      %lt3A_327 = arith.cmpi slt, %add3A_325, %lt3A_326 : i32
      %convert_element_type3A_328 = arith.extui %lt3A_327 : i1 to i32
      %cond3A_329 = arith.constant 0 : i32
      %cond3A_330 = arith.cmpi ne, %convert_element_type3A_328, %cond3A_329 : i32
      scf.if %cond3A_330 {
        %dma_start3A_396 = arith.constant 0 : i32
        %dma_start3A_397 = tpu.memref_slice %arg6[%add3A_325, %dma_start3A_396] : memref<80x128xi32, #tpu.memory_space<vmem>> -> memref<1x128xi32, #tpu.memory_space<vmem>>
        %dma_start3A_398 = tpu.memref_squeeze %dma_start3A_397 : memref<1x128xi32, #tpu.memory_space<vmem>> -> memref<128xi32, #tpu.memory_space<vmem>>
        %dma_start3A_399 = arith.constant 0 : i32
        %dma_start3A_400 = arith.constant 0 : i32
        %dma_start3A_401 = tpu.memref_slice %arg2[%dma_start3A_399, %dma_start3A_400] : memref<10000x128xf32, #tpu.memory_space<hbm>> -> memref<10000x128xf32, #tpu.memory_space<hbm>>
        tpu.enqueue_indirect_dma source(%dma_start3A_401 : memref<10000x128xf32, #tpu.memory_space<hbm>>) target(%arg9 : memref<128x128xf32, #tpu.memory_space<vmem>>) offsets(%dma_start3A_398 : memref<128xi32, #tpu.memory_space<vmem>>) semaphore(%arg12 : memref<!tpu.dma_semaphore, #tpu.memory_space<semaphore_mem>>)
      } else {
      }
      %mul3A_331 = arith.constant 16 : i32
      %mul3A_332 = arith.muli %scan3A_58, %mul3A_331 : i32
      %add3A_333 = arith.constant 8 : i32
      %add3A_334 = arith.addi %mul3A_332, %add3A_333 : i32
      %add3A_335 = arith.constant 5 : i32
      %add3A_336 = arith.addi %add3A_334, %add3A_335 : i32
      %dma_wait3A_337 = arith.constant 0 : i32
      %dma_wait3A_338 = tpu.memref_slice %arg6[%add3A_336, %dma_wait3A_337] : memref<80x128xi32, #tpu.memory_space<vmem>> -> memref<1x128xi32, #tpu.memory_space<vmem>>
      %dma_wait3A_339 = tpu.memref_squeeze %dma_wait3A_338 : memref<1x128xi32, #tpu.memory_space<vmem>> -> memref<128xi32, #tpu.memory_space<vmem>>
      %dma_wait3A_340 = arith.constant 0 : i32
      %dma_wait3A_341 = arith.constant 0 : i32
      %dma_wait3A_342 = tpu.memref_slice %arg2[%dma_wait3A_340, %dma_wait3A_341] : memref<10000x128xf32, #tpu.memory_space<hbm>> -> memref<10000x128xf32, #tpu.memory_space<hbm>>
      tpu.wait_indirect_dma semaphore(%arg13 : memref<!tpu.dma_semaphore, #tpu.memory_space<semaphore_mem>>) src(%dma_wait3A_342 : memref<10000x128xf32, #tpu.memory_space<hbm>>) dst(%arg10 : memref<128x128xf32, #tpu.memory_space<vmem>>)
      %run_scoped3A_343 = arith.constant 5 : i32
      "tpu.region"() ({
        %run_scoped3A_396 = tpu.sem_alloc : memref<!tpu.dma_semaphore, #tpu.memory_space<semaphore_mem>>
        %dma_start3A_397 = arith.constant 0 : i32
        %dma_start3A_398 = tpu.memref_slice %arg8[%run_scoped3A_343, %dma_start3A_397] : memref<8x128xi32, #tpu.memory_space<vmem>> -> memref<1x128xi32, #tpu.memory_space<vmem>>
        %dma_start3A_399 = tpu.memref_squeeze %dma_start3A_398 : memref<1x128xi32, #tpu.memory_space<vmem>> -> memref<128xi32, #tpu.memory_space<vmem>>
        %dma_start3A_400 = arith.constant 0 : i32
        %dma_start3A_401 = arith.constant 0 : i32
        %dma_start3A_402 = tpu.memref_slice %arg11[%dma_start3A_400, %dma_start3A_401] : memref<10240x128xf32, #tpu.memory_space<vmem_shared>> -> memref<10240x128xf32, #tpu.memory_space<vmem_shared>>
        tpu.enqueue_indirect_dma source(%arg10 : memref<128x128xf32, #tpu.memory_space<vmem>>) target(%dma_start3A_402 : memref<10240x128xf32, #tpu.memory_space<vmem_shared>>) offsets(%dma_start3A_399 : memref<128xi32, #tpu.memory_space<vmem>>) semaphore(%run_scoped3A_396 : memref<!tpu.dma_semaphore, #tpu.memory_space<semaphore_mem>>) {add = true}
        %dma_wait3A_403 = arith.constant 0 : i32
        %dma_wait3A_404 = tpu.memref_slice %arg8[%run_scoped3A_343, %dma_wait3A_403] : memref<8x128xi32, #tpu.memory_space<vmem>> -> memref<1x128xi32, #tpu.memory_space<vmem>>
        %dma_wait3A_405 = tpu.memref_squeeze %dma_wait3A_404 : memref<1x128xi32, #tpu.memory_space<vmem>> -> memref<128xi32, #tpu.memory_space<vmem>>
        %dma_wait3A_406 = arith.constant 0 : i32
        %dma_wait3A_407 = arith.constant 0 : i32
        %dma_wait3A_408 = tpu.memref_slice %arg11[%dma_wait3A_406, %dma_wait3A_407] : memref<10240x128xf32, #tpu.memory_space<vmem_shared>> -> memref<10240x128xf32, #tpu.memory_space<vmem_shared>>
        tpu.wait_indirect_dma semaphore(%run_scoped3A_396 : memref<!tpu.dma_semaphore, #tpu.memory_space<semaphore_mem>>) src(%arg10 : memref<128x128xf32, #tpu.memory_space<vmem>>) dst(%dma_wait3A_408 : memref<10240x128xf32, #tpu.memory_space<vmem_shared>>)
        tpu.yield
      }) : () -> ()
      %add3A_344 = arith.constant 2 : i32
      %add3A_345 = arith.addi %add3A_336, %add3A_344 : i32
      %lt3A_346 = arith.constant 80 : i32
      %lt3A_347 = arith.cmpi slt, %add3A_345, %lt3A_346 : i32
      %convert_element_type3A_348 = arith.extui %lt3A_347 : i1 to i32
      %cond3A_349 = arith.constant 0 : i32
      %cond3A_350 = arith.cmpi ne, %convert_element_type3A_348, %cond3A_349 : i32
      scf.if %cond3A_350 {
        %dma_start3A_396 = arith.constant 0 : i32
        %dma_start3A_397 = tpu.memref_slice %arg6[%add3A_345, %dma_start3A_396] : memref<80x128xi32, #tpu.memory_space<vmem>> -> memref<1x128xi32, #tpu.memory_space<vmem>>
        %dma_start3A_398 = tpu.memref_squeeze %dma_start3A_397 : memref<1x128xi32, #tpu.memory_space<vmem>> -> memref<128xi32, #tpu.memory_space<vmem>>
        %dma_start3A_399 = arith.constant 0 : i32
        %dma_start3A_400 = arith.constant 0 : i32
        %dma_start3A_401 = tpu.memref_slice %arg2[%dma_start3A_399, %dma_start3A_400] : memref<10000x128xf32, #tpu.memory_space<hbm>> -> memref<10000x128xf32, #tpu.memory_space<hbm>>
        tpu.enqueue_indirect_dma source(%dma_start3A_401 : memref<10000x128xf32, #tpu.memory_space<hbm>>) target(%arg10 : memref<128x128xf32, #tpu.memory_space<vmem>>) offsets(%dma_start3A_398 : memref<128xi32, #tpu.memory_space<vmem>>) semaphore(%arg13 : memref<!tpu.dma_semaphore, #tpu.memory_space<semaphore_mem>>)
      } else {
      }
      %mul3A_351 = arith.constant 16 : i32
      %mul3A_352 = arith.muli %scan3A_58, %mul3A_351 : i32
      %add3A_353 = arith.constant 8 : i32
      %add3A_354 = arith.addi %mul3A_352, %add3A_353 : i32
      %add3A_355 = arith.constant 6 : i32
      %add3A_356 = arith.addi %add3A_354, %add3A_355 : i32
      %dma_wait3A_357 = arith.constant 0 : i32
      %dma_wait3A_358 = tpu.memref_slice %arg6[%add3A_356, %dma_wait3A_357] : memref<80x128xi32, #tpu.memory_space<vmem>> -> memref<1x128xi32, #tpu.memory_space<vmem>>
      %dma_wait3A_359 = tpu.memref_squeeze %dma_wait3A_358 : memref<1x128xi32, #tpu.memory_space<vmem>> -> memref<128xi32, #tpu.memory_space<vmem>>
      %dma_wait3A_360 = arith.constant 0 : i32
      %dma_wait3A_361 = arith.constant 0 : i32
      %dma_wait3A_362 = tpu.memref_slice %arg2[%dma_wait3A_360, %dma_wait3A_361] : memref<10000x128xf32, #tpu.memory_space<hbm>> -> memref<10000x128xf32, #tpu.memory_space<hbm>>
      tpu.wait_indirect_dma semaphore(%arg12 : memref<!tpu.dma_semaphore, #tpu.memory_space<semaphore_mem>>) src(%dma_wait3A_362 : memref<10000x128xf32, #tpu.memory_space<hbm>>) dst(%arg9 : memref<128x128xf32, #tpu.memory_space<vmem>>)
      %run_scoped3A_363 = arith.constant 6 : i32
      "tpu.region"() ({
        %run_scoped3A_396 = tpu.sem_alloc : memref<!tpu.dma_semaphore, #tpu.memory_space<semaphore_mem>>
        %dma_start3A_397 = arith.constant 0 : i32
        %dma_start3A_398 = tpu.memref_slice %arg8[%run_scoped3A_363, %dma_start3A_397] : memref<8x128xi32, #tpu.memory_space<vmem>> -> memref<1x128xi32, #tpu.memory_space<vmem>>
        %dma_start3A_399 = tpu.memref_squeeze %dma_start3A_398 : memref<1x128xi32, #tpu.memory_space<vmem>> -> memref<128xi32, #tpu.memory_space<vmem>>
        %dma_start3A_400 = arith.constant 0 : i32
        %dma_start3A_401 = arith.constant 0 : i32
        %dma_start3A_402 = tpu.memref_slice %arg11[%dma_start3A_400, %dma_start3A_401] : memref<10240x128xf32, #tpu.memory_space<vmem_shared>> -> memref<10240x128xf32, #tpu.memory_space<vmem_shared>>
        tpu.enqueue_indirect_dma source(%arg9 : memref<128x128xf32, #tpu.memory_space<vmem>>) target(%dma_start3A_402 : memref<10240x128xf32, #tpu.memory_space<vmem_shared>>) offsets(%dma_start3A_399 : memref<128xi32, #tpu.memory_space<vmem>>) semaphore(%run_scoped3A_396 : memref<!tpu.dma_semaphore, #tpu.memory_space<semaphore_mem>>) {add = true}
        %dma_wait3A_403 = arith.constant 0 : i32
        %dma_wait3A_404 = tpu.memref_slice %arg8[%run_scoped3A_363, %dma_wait3A_403] : memref<8x128xi32, #tpu.memory_space<vmem>> -> memref<1x128xi32, #tpu.memory_space<vmem>>
        %dma_wait3A_405 = tpu.memref_squeeze %dma_wait3A_404 : memref<1x128xi32, #tpu.memory_space<vmem>> -> memref<128xi32, #tpu.memory_space<vmem>>
        %dma_wait3A_406 = arith.constant 0 : i32
        %dma_wait3A_407 = arith.constant 0 : i32
        %dma_wait3A_408 = tpu.memref_slice %arg11[%dma_wait3A_406, %dma_wait3A_407] : memref<10240x128xf32, #tpu.memory_space<vmem_shared>> -> memref<10240x128xf32, #tpu.memory_space<vmem_shared>>
        tpu.wait_indirect_dma semaphore(%run_scoped3A_396 : memref<!tpu.dma_semaphore, #tpu.memory_space<semaphore_mem>>) src(%arg9 : memref<128x128xf32, #tpu.memory_space<vmem>>) dst(%dma_wait3A_408 : memref<10240x128xf32, #tpu.memory_space<vmem_shared>>)
        tpu.yield
      }) : () -> ()
      %add3A_364 = arith.constant 2 : i32
      %add3A_365 = arith.addi %add3A_356, %add3A_364 : i32
      %lt3A_366 = arith.constant 80 : i32
      %lt3A_367 = arith.cmpi slt, %add3A_365, %lt3A_366 : i32
      %convert_element_type3A_368 = arith.extui %lt3A_367 : i1 to i32
      %cond3A_369 = arith.constant 0 : i32
      %cond3A_370 = arith.cmpi ne, %convert_element_type3A_368, %cond3A_369 : i32
      scf.if %cond3A_370 {
        %dma_start3A_396 = arith.constant 0 : i32
        %dma_start3A_397 = tpu.memref_slice %arg6[%add3A_365, %dma_start3A_396] : memref<80x128xi32, #tpu.memory_space<vmem>> -> memref<1x128xi32, #tpu.memory_space<vmem>>
        %dma_start3A_398 = tpu.memref_squeeze %dma_start3A_397 : memref<1x128xi32, #tpu.memory_space<vmem>> -> memref<128xi32, #tpu.memory_space<vmem>>
        %dma_start3A_399 = arith.constant 0 : i32
        %dma_start3A_400 = arith.constant 0 : i32
        %dma_start3A_401 = tpu.memref_slice %arg2[%dma_start3A_399, %dma_start3A_400] : memref<10000x128xf32, #tpu.memory_space<hbm>> -> memref<10000x128xf32, #tpu.memory_space<hbm>>
        tpu.enqueue_indirect_dma source(%dma_start3A_401 : memref<10000x128xf32, #tpu.memory_space<hbm>>) target(%arg9 : memref<128x128xf32, #tpu.memory_space<vmem>>) offsets(%dma_start3A_398 : memref<128xi32, #tpu.memory_space<vmem>>) semaphore(%arg12 : memref<!tpu.dma_semaphore, #tpu.memory_space<semaphore_mem>>)
      } else {
      }
      %mul3A_371 = arith.constant 16 : i32
      %mul3A_372 = arith.muli %scan3A_58, %mul3A_371 : i32
      %add3A_373 = arith.constant 8 : i32
      %add3A_374 = arith.addi %mul3A_372, %add3A_373 : i32
      %add3A_375 = arith.constant 7 : i32
      %add3A_376 = arith.addi %add3A_374, %add3A_375 : i32
      %dma_wait3A_377 = arith.constant 0 : i32
      %dma_wait3A_378 = tpu.memref_slice %arg6[%add3A_376, %dma_wait3A_377] : memref<80x128xi32, #tpu.memory_space<vmem>> -> memref<1x128xi32, #tpu.memory_space<vmem>>
      %dma_wait3A_379 = tpu.memref_squeeze %dma_wait3A_378 : memref<1x128xi32, #tpu.memory_space<vmem>> -> memref<128xi32, #tpu.memory_space<vmem>>
      %dma_wait3A_380 = arith.constant 0 : i32
      %dma_wait3A_381 = arith.constant 0 : i32
      %dma_wait3A_382 = tpu.memref_slice %arg2[%dma_wait3A_380, %dma_wait3A_381] : memref<10000x128xf32, #tpu.memory_space<hbm>> -> memref<10000x128xf32, #tpu.memory_space<hbm>>
      tpu.wait_indirect_dma semaphore(%arg13 : memref<!tpu.dma_semaphore, #tpu.memory_space<semaphore_mem>>) src(%dma_wait3A_382 : memref<10000x128xf32, #tpu.memory_space<hbm>>) dst(%arg10 : memref<128x128xf32, #tpu.memory_space<vmem>>)
      %run_scoped3A_383 = arith.constant 7 : i32
      "tpu.region"() ({
        %run_scoped3A_396 = tpu.sem_alloc : memref<!tpu.dma_semaphore, #tpu.memory_space<semaphore_mem>>
        %dma_start3A_397 = arith.constant 0 : i32
        %dma_start3A_398 = tpu.memref_slice %arg8[%run_scoped3A_383, %dma_start3A_397] : memref<8x128xi32, #tpu.memory_space<vmem>> -> memref<1x128xi32, #tpu.memory_space<vmem>>
        %dma_start3A_399 = tpu.memref_squeeze %dma_start3A_398 : memref<1x128xi32, #tpu.memory_space<vmem>> -> memref<128xi32, #tpu.memory_space<vmem>>
        %dma_start3A_400 = arith.constant 0 : i32
        %dma_start3A_401 = arith.constant 0 : i32
        %dma_start3A_402 = tpu.memref_slice %arg11[%dma_start3A_400, %dma_start3A_401] : memref<10240x128xf32, #tpu.memory_space<vmem_shared>> -> memref<10240x128xf32, #tpu.memory_space<vmem_shared>>
        tpu.enqueue_indirect_dma source(%arg10 : memref<128x128xf32, #tpu.memory_space<vmem>>) target(%dma_start3A_402 : memref<10240x128xf32, #tpu.memory_space<vmem_shared>>) offsets(%dma_start3A_399 : memref<128xi32, #tpu.memory_space<vmem>>) semaphore(%run_scoped3A_396 : memref<!tpu.dma_semaphore, #tpu.memory_space<semaphore_mem>>) {add = true}
        %dma_wait3A_403 = arith.constant 0 : i32
        %dma_wait3A_404 = tpu.memref_slice %arg8[%run_scoped3A_383, %dma_wait3A_403] : memref<8x128xi32, #tpu.memory_space<vmem>> -> memref<1x128xi32, #tpu.memory_space<vmem>>
        %dma_wait3A_405 = tpu.memref_squeeze %dma_wait3A_404 : memref<1x128xi32, #tpu.memory_space<vmem>> -> memref<128xi32, #tpu.memory_space<vmem>>
        %dma_wait3A_406 = arith.constant 0 : i32
        %dma_wait3A_407 = arith.constant 0 : i32
        %dma_wait3A_408 = tpu.memref_slice %arg11[%dma_wait3A_406, %dma_wait3A_407] : memref<10240x128xf32, #tpu.memory_space<vmem_shared>> -> memref<10240x128xf32, #tpu.memory_space<vmem_shared>>
        tpu.wait_indirect_dma semaphore(%run_scoped3A_396 : memref<!tpu.dma_semaphore, #tpu.memory_space<semaphore_mem>>) src(%arg10 : memref<128x128xf32, #tpu.memory_space<vmem>>) dst(%dma_wait3A_408 : memref<10240x128xf32, #tpu.memory_space<vmem_shared>>)
        tpu.yield
      }) : () -> ()
      %add3A_384 = arith.constant 2 : i32
      %add3A_385 = arith.addi %add3A_376, %add3A_384 : i32
      %lt3A_386 = arith.constant 80 : i32
      %lt3A_387 = arith.cmpi slt, %add3A_385, %lt3A_386 : i32
      %convert_element_type3A_388 = arith.extui %lt3A_387 : i1 to i32
      %cond3A_389 = arith.constant 0 : i32
      %cond3A_390 = arith.cmpi ne, %convert_element_type3A_388, %cond3A_389 : i32
      scf.if %cond3A_390 {
        %dma_start3A_396 = arith.constant 0 : i32
        %dma_start3A_397 = tpu.memref_slice %arg6[%add3A_385, %dma_start3A_396] : memref<80x128xi32, #tpu.memory_space<vmem>> -> memref<1x128xi32, #tpu.memory_space<vmem>>
        %dma_start3A_398 = tpu.memref_squeeze %dma_start3A_397 : memref<1x128xi32, #tpu.memory_space<vmem>> -> memref<128xi32, #tpu.memory_space<vmem>>
        %dma_start3A_399 = arith.constant 0 : i32
        %dma_start3A_400 = arith.constant 0 : i32
        %dma_start3A_401 = tpu.memref_slice %arg2[%dma_start3A_399, %dma_start3A_400] : memref<10000x128xf32, #tpu.memory_space<hbm>> -> memref<10000x128xf32, #tpu.memory_space<hbm>>
        tpu.enqueue_indirect_dma source(%dma_start3A_401 : memref<10000x128xf32, #tpu.memory_space<hbm>>) target(%arg10 : memref<128x128xf32, #tpu.memory_space<vmem>>) offsets(%dma_start3A_398 : memref<128xi32, #tpu.memory_space<vmem>>) semaphore(%arg13 : memref<!tpu.dma_semaphore, #tpu.memory_space<semaphore_mem>>)
      } else {
      }
      %lt3A_391 = arith.constant 4 : i32
      %lt3A_392 = arith.cmpi slt, %scan3A_58, %lt3A_391 : i32
      %convert_element_type3A_393 = arith.extui %lt3A_392 : i1 to i32
      %cond3A_394 = arith.constant 0 : i32
      %cond3A_395 = arith.cmpi ne, %convert_element_type3A_393, %cond3A_394 : i32
      scf.if %cond3A_395 {
        %mul3A_396 = arith.constant 2 : i32
        %mul3A_397 = arith.muli %mul3A_396, %scan3A_58 : i32
        %add3A_398 = arith.constant 3 : i32
        %add3A_399 = arith.addi %mul3A_397, %add3A_398 : i32
        %mul3A_400 = arith.constant 8 : i32
        %mul3A_401 = arith.muli %add3A_399, %mul3A_400 : i32
        %dma_start3A_402 = arith.constant 0 : i32
        %dma_start3A_403 = tpu.memref_slice %arg4[%add3A, %mul3A_401, %dma_start3A_402] : memref<32x80x128xi32, #tpu.memory_space<hbm>> -> memref<1x8x128xi32, #tpu.memory_space<hbm>>
        %dma_start3A_404 = tpu.memref_squeeze %dma_start3A_403 : memref<1x8x128xi32, #tpu.memory_space<hbm>> -> memref<8x128xi32, #tpu.memory_space<hbm>>
        %dma_start3A_405 = arith.constant 0 : i32
        %dma_start3A_406 = tpu.memref_slice %arg4[%add3A, %mul3A_401, %dma_start3A_405] : memref<32x80x128xi32, #tpu.memory_space<hbm>> -> memref<1x8x128xi32, #tpu.memory_space<hbm>>
        %dma_start3A_407 = tpu.memref_squeeze %dma_start3A_406 : memref<1x8x128xi32, #tpu.memory_space<hbm>> -> memref<8x128xi32, #tpu.memory_space<hbm>>
        tpu.enqueue_dma source(%dma_start3A_407 : memref<8x128xi32, #tpu.memory_space<hbm>>) target(%arg8 : memref<8x128xi32, #tpu.memory_space<vmem>>) target_semaphore(%arg14 : memref<!tpu.dma_semaphore, #tpu.memory_space<semaphore_mem>>)
      } else {
      }
    }
    %scan3A_52 = arith.constant 5 : i32
    %barrier3A_53 = arith.constant 0 : index
    tpu.barrier barrier_id(%barrier3A_53)
    %mul3A_54 = arith.constant 640 : i32
    %mul3A_55 = arith.muli %arg1, %mul3A_54 : i32
    %mul3A_56 = arith.constant 640 : i32
    %mul3A_57 = arith.muli %arg1, %mul3A_56 : i32
    "tpu.region"() ({
      %run_scoped3A = tpu.sem_alloc : memref<!tpu.dma_semaphore, #tpu.memory_space<semaphore_mem>>
      %dma_start3A_58 = arith.constant 0 : i32
      %dma_start3A_59 = tpu.memref_slice %arg5[%arg0, %mul3A_57, %dma_start3A_58] : memref<2x10240x128xf32, #tpu.memory_space<hbm>> -> memref<1x640x128xf32, #tpu.memory_space<hbm>>
      %dma_start3A_60 = tpu.memref_squeeze %dma_start3A_59 : memref<1x640x128xf32, #tpu.memory_space<hbm>> -> memref<640x128xf32, #tpu.memory_space<hbm>>
      %dma_start3A_61 = arith.constant 0 : i32
      %dma_start3A_62 = tpu.memref_slice %arg11[%mul3A_55, %dma_start3A_61] : memref<10240x128xf32, #tpu.memory_space<vmem_shared>> -> memref<640x128xf32, #tpu.memory_space<vmem_shared>>
      tpu.enqueue_dma source(%dma_start3A_62 : memref<640x128xf32, #tpu.memory_space<vmem_shared>>) target(%dma_start3A_60 : memref<640x128xf32, #tpu.memory_space<hbm>>) target_semaphore(%run_scoped3A : memref<!tpu.dma_semaphore, #tpu.memory_space<semaphore_mem>>)
      %dma_wait3A = arith.constant 0 : i32
      %dma_wait3A_63 = tpu.memref_slice %arg5[%arg0, %mul3A_57, %dma_wait3A] : memref<2x10240x128xf32, #tpu.memory_space<hbm>> -> memref<1x640x128xf32, #tpu.memory_space<hbm>>
      %dma_wait3A_64 = tpu.memref_squeeze %dma_wait3A_63 : memref<1x640x128xf32, #tpu.memory_space<hbm>> -> memref<640x128xf32, #tpu.memory_space<hbm>>
      %dma_wait3A_65 = arith.constant 0 : i32
      %dma_wait3A_66 = tpu.memref_slice %arg11[%mul3A_55, %dma_wait3A_65] : memref<10240x128xf32, #tpu.memory_space<vmem_shared>> -> memref<640x128xf32, #tpu.memory_space<vmem_shared>>
      tpu.wait_dma2 semaphore(%run_scoped3A : memref<!tpu.dma_semaphore, #tpu.memory_space<semaphore_mem>>) src(%dma_wait3A_66 : memref<640x128xf32, #tpu.memory_space<vmem_shared>>) dst(%dma_wait3A_64 : memref<640x128xf32, #tpu.memory_space<hbm>>)
      tpu.yield
    }) : () -> ()
    return
  }
}

#map = affine_map<(d0, d1) -> (0, 0)>
#map1 = affine_map<(d0, d1) -> (0, 0, 0)>
module attributes {stable_mosaic.version = 14 : i64} {
  func.func @k(%arg0: i32, %arg1: i32, %arg2: memref<10240x128xf32, #tpu.memory_space<hbm>>, %arg3: memref<32x80x128xi32, #tpu.memory_space<hbm>>, %arg4: memref<32x80x128xi32, #tpu.memory_space<hbm>>, %arg5: memref<2x10240x128xf32, #tpu.memory_space<hbm>>, %arg6: memref<80x128xi32, #tpu.memory_space<vmem>>, %arg7: memref<8x128xi32, #tpu.memory_space<vmem>>, %arg8: memref<8x128xi32, #tpu.memory_space<vmem>>, %arg9: memref<128x128xf32, #tpu.memory_space<vmem>>, %arg10: memref<128x128xf32, #tpu.memory_space<vmem>>, %arg11: memref<10240x128xf32, #tpu.memory_space<vmem_shared>>, %arg12: memref<!tpu.dma_semaphore, #tpu.memory_space<semaphore_mem>>, %arg13: memref<!tpu.dma_semaphore, #tpu.memory_space<semaphore_mem>>, %arg14: memref<!tpu.dma_semaphore, #tpu.memory_space<semaphore_mem>>) attributes {dimension_semantics = [#tpu.dimension_semantics<core_parallel>, #tpu.dimension_semantics<subcore_parallel>], iteration_bounds = array<i64: 2, 16>, scalar_prefetch = 0 : i64, scratch_operands = 9 : i64, tpu.core_type = #tpu.core_type<sc_vector_subcore>, window_params = [{transform_indices = #map}, {transform_indices = #map1}, {transform_indices = #map1}, {transform_indices = #map1}]} {
    %mul3A = arith.constant 2 : i32
    %mul3A_0 = arith.muli %arg1, %mul3A : i32
    %add3A = arith.addi %mul3A_0, %arg0 : i32
    %scan3A = arith.constant 0 : i32
    %scan3A_1 = arith.constant 0 : i32
    %scan3A_2 = arith.constant 1024 : i32
    %scan3A_3 = arith.addi %scan3A_1, %scan3A_2 : i32
    %scan3A_4 = arith.constant 1 : i32
    scf.for %scan3A_58 = %scan3A_1 to %scan3A_3 step %scan3A_4  : i32 {
      %jit3A = arith.constant 8 : i32
      %div3A = arith.divsi %scan3A_58, %jit3A : i32
      %sign3A = arith.constant 0 : i32
      %sign3A_59 = arith.cmpi sgt, %scan3A_58, %sign3A : i32
      %sign3A_60 = arith.extui %sign3A_59 : i1 to i32
      %sign3A_61 = arith.constant 0 : i32
      %sign3A_62 = arith.cmpi slt, %scan3A_58, %sign3A_61 : i32
      %sign3A_63 = arith.extui %sign3A_62 : i1 to i32
      %sign3A_64 = arith.subi %sign3A_60, %sign3A_63 : i32
      %sign3A_65 = arith.constant 0 : i32
      %sign3A_66 = arith.cmpi sgt, %jit3A, %sign3A_65 : i32
      %sign3A_67 = arith.extui %sign3A_66 : i1 to i32
      %sign3A_68 = arith.constant 0 : i32
      %sign3A_69 = arith.cmpi slt, %jit3A, %sign3A_68 : i32
      %sign3A_70 = arith.extui %sign3A_69 : i1 to i32
      %sign3A_71 = arith.subi %sign3A_67, %sign3A_70 : i32
      %ne3A = arith.cmpi ne, %sign3A_64, %sign3A_71 : i32
      %rem3A = arith.remsi %scan3A_58, %jit3A : i32
      %ne3A_72 = arith.constant 0 : i32
      %ne3A_73 = arith.cmpi ne, %rem3A, %ne3A_72 : i32
      %and3A = arith.andi %ne3A, %ne3A_73 : i1
      %sub3A = arith.constant 1 : i32
      %sub3A_74 = arith.subi %div3A, %sub3A : i32
      %select_n3A = arith.select %and3A, %sub3A_74, %div3A : i32
      %jit3A_75 = arith.constant 8 : i32
      %eq3A = arith.constant 0 : i32
      %eq3A_76 = arith.cmpi eq, %jit3A_75, %eq3A : i32
      %jit3A_77 = arith.constant 1 : i32
      %select_n3A_78 = arith.select %eq3A_76, %jit3A_77, %jit3A_75 : i32
      %rem3A_79 = arith.remsi %scan3A_58, %select_n3A_78 : i32
      %ne3A_80 = arith.constant 0 : i32
      %ne3A_81 = arith.cmpi ne, %rem3A_79, %ne3A_80 : i32
      %lt3A = arith.constant 0 : i32
      %lt3A_82 = arith.cmpi slt, %rem3A_79, %lt3A : i32
      %lt3A_83 = arith.constant 0 : i32
      %lt3A_84 = arith.cmpi slt, %select_n3A_78, %lt3A_83 : i32
      %ne3A_85 = arith.xori %lt3A_82, %lt3A_84 : i1
      %and3A_86 = arith.andi %ne3A_85, %ne3A_81 : i1
      %add3A_87 = arith.addi %rem3A_79, %select_n3A_78 : i32
      %select_n3A_88 = arith.select %and3A_86, %add3A_87, %rem3A_79 : i32
      %mul3A_89 = arith.constant 16 : i32
      %mul3A_90 = arith.muli %select_n3A_88, %mul3A_89 : i32
      %broadcast_in_dim3A = arith.constant 0.000000e+00 : f32
      %broadcast_in_dim3A_91 = vector.broadcast %broadcast_in_dim3A : f32 to vector<16xf32>
      %swap3A = arith.index_cast %select_n3A : i32 to index
      %swap3A_92 = arith.index_cast %mul3A_90 : i32 to index
      %swap3A_93 = tpu.vector_load %arg9[%swap3A, %swap3A_92] {strides = array<i32>} : memref<128x128xf32, #tpu.memory_space<vmem>>, vector<1x16xf32>,
      %swap3A_94 = vector.shape_cast %swap3A_93 : vector<1x16xf32> to vector<16xf32>
      %swap3A_95 = vector.shape_cast %broadcast_in_dim3A_91 : vector<16xf32> to vector<1x16xf32>
      tpu.vector_store %arg9[%swap3A, %swap3A_92], %swap3A_95 {strides = array<i32>} : memref<128x128xf32, #tpu.memory_space<vmem>>, vector<1x16xf32>,
    }
    %scan3A_5 = arith.constant 1024 : i32
    %mul3A_6 = arith.constant 640 : i32
    %mul3A_7 = arith.muli %arg1, %mul3A_6 : i32
    %add3A_8 = arith.constant 0 : i32
    %add3A_9 = arith.addi %mul3A_7, %add3A_8 : i32
    "tpu.region"() ({
      %run_scoped3A = tpu.sem_alloc : memref<!tpu.dma_semaphore, #tpu.memory_space<semaphore_mem>>
      %dma_start3A_58 = arith.constant 0 : i32
      %dma_start3A_59 = tpu.memref_slice %arg11[%add3A_9, %dma_start3A_58] : memref<10240x128xf32, #tpu.memory_space<vmem_shared>> -> memref<128x128xf32, #tpu.memory_space<vmem_shared>>
      %dma_start3A_60 = arith.constant 0 : i32
      %dma_start3A_61 = tpu.memref_slice %arg11[%add3A_9, %dma_start3A_60] : memref<10240x128xf32, #tpu.memory_space<vmem_shared>> -> memref<128x128xf32, #tpu.memory_space<vmem_shared>>
      tpu.enqueue_dma source(%arg9 : memref<128x128xf32, #tpu.memory_space<vmem>>) target(%dma_start3A_61 : memref<128x128xf32, #tpu.memory_space<vmem_shared>>) target_semaphore(%run_scoped3A : memref<!tpu.dma_semaphore, #tpu.memory_space<semaphore_mem>>)
      %dma_wait3A = arith.constant 0 : i32
      %dma_wait3A_62 = tpu.memref_slice %arg11[%add3A_9, %dma_wait3A] : memref<10240x128xf32, #tpu.memory_space<vmem_shared>> -> memref<128x128xf32, #tpu.memory_space<vmem_shared>>
      %dma_wait3A_63 = arith.constant 0 : i32
      %dma_wait3A_64 = tpu.memref_slice %arg11[%add3A_9, %dma_wait3A_63] : memref<10240x128xf32, #tpu.memory_space<vmem_shared>> -> memref<128x128xf32, #tpu.memory_space<vmem_shared>>
      tpu.wait_dma2 semaphore(%run_scoped3A : memref<!tpu.dma_semaphore, #tpu.memory_space<semaphore_mem>>) src(%arg9 : memref<128x128xf32, #tpu.memory_space<vmem>>) dst(%dma_wait3A_64 : memref<128x128xf32, #tpu.memory_space<vmem_shared>>)
      tpu.yield
    }) : () -> ()
    %mul3A_10 = arith.constant 640 : i32
    %mul3A_11 = arith.muli %arg1, %mul3A_10 : i32
    %add3A_12 = arith.constant 128 : i32
    %add3A_13 = arith.addi %mul3A_11, %add3A_12 : i32
    "tpu.region"() ({
      %run_scoped3A = tpu.sem_alloc : memref<!tpu.dma_semaphore, #tpu.memory_space<semaphore_mem>>
      %dma_start3A_58 = arith.constant 0 : i32
      %dma_start3A_59 = tpu.memref_slice %arg11[%add3A_13, %dma_start3A_58] : memref<10240x128xf32, #tpu.memory_space<vmem_shared>> -> memref<128x128xf32, #tpu.memory_space<vmem_shared>>
      %dma_start3A_60 = arith.constant 0 : i32
      %dma_start3A_61 = tpu.memref_slice %arg11[%add3A_13, %dma_start3A_60] : memref<10240x128xf32, #tpu.memory_space<vmem_shared>> -> memref<128x128xf32, #tpu.memory_space<vmem_shared>>
      tpu.enqueue_dma source(%arg9 : memref<128x128xf32, #tpu.memory_space<vmem>>) target(%dma_start3A_61 : memref<128x128xf32, #tpu.memory_space<vmem_shared>>) target_semaphore(%run_scoped3A : memref<!tpu.dma_semaphore, #tpu.memory_space<semaphore_mem>>)
      %dma_wait3A = arith.constant 0 : i32
      %dma_wait3A_62 = tpu.memref_slice %arg11[%add3A_13, %dma_wait3A] : memref<10240x128xf32, #tpu.memory_space<vmem_shared>> -> memref<128x128xf32, #tpu.memory_space<vmem_shared>>
      %dma_wait3A_63 = arith.constant 0 : i32
      %dma_wait3A_64 = tpu.memref_slice %arg11[%add3A_13, %dma_wait3A_63] : memref<10240x128xf32, #tpu.memory_space<vmem_shared>> -> memref<128x128xf32, #tpu.memory_space<vmem_shared>>
      tpu.wait_dma2 semaphore(%run_scoped3A : memref<!tpu.dma_semaphore, #tpu.memory_space<semaphore_mem>>) src(%arg9 : memref<128x128xf32, #tpu.memory_space<vmem>>) dst(%dma_wait3A_64 : memref<128x128xf32, #tpu.memory_space<vmem_shared>>)
      tpu.yield
    }) : () -> ()
    %mul3A_14 = arith.constant 640 : i32
    %mul3A_15 = arith.muli %arg1, %mul3A_14 : i32
    %add3A_16 = arith.constant 256 : i32
    %add3A_17 = arith.addi %mul3A_15, %add3A_16 : i32
    "tpu.region"() ({
      %run_scoped3A = tpu.sem_alloc : memref<!tpu.dma_semaphore, #tpu.memory_space<semaphore_mem>>
      %dma_start3A_58 = arith.constant 0 : i32
      %dma_start3A_59 = tpu.memref_slice %arg11[%add3A_17, %dma_start3A_58] : memref<10240x128xf32, #tpu.memory_space<vmem_shared>> -> memref<128x128xf32, #tpu.memory_space<vmem_shared>>
      %dma_start3A_60 = arith.constant 0 : i32
      %dma_start3A_61 = tpu.memref_slice %arg11[%add3A_17, %dma_start3A_60] : memref<10240x128xf32, #tpu.memory_space<vmem_shared>> -> memref<128x128xf32, #tpu.memory_space<vmem_shared>>
      tpu.enqueue_dma source(%arg9 : memref<128x128xf32, #tpu.memory_space<vmem>>) target(%dma_start3A_61 : memref<128x128xf32, #tpu.memory_space<vmem_shared>>) target_semaphore(%run_scoped3A : memref<!tpu.dma_semaphore, #tpu.memory_space<semaphore_mem>>)
      %dma_wait3A = arith.constant 0 : i32
      %dma_wait3A_62 = tpu.memref_slice %arg11[%add3A_17, %dma_wait3A] : memref<10240x128xf32, #tpu.memory_space<vmem_shared>> -> memref<128x128xf32, #tpu.memory_space<vmem_shared>>
      %dma_wait3A_63 = arith.constant 0 : i32
      %dma_wait3A_64 = tpu.memref_slice %arg11[%add3A_17, %dma_wait3A_63] : memref<10240x128xf32, #tpu.memory_space<vmem_shared>> -> memref<128x128xf32, #tpu.memory_space<vmem_shared>>
      tpu.wait_dma2 semaphore(%run_scoped3A : memref<!tpu.dma_semaphore, #tpu.memory_space<semaphore_mem>>) src(%arg9 : memref<128x128xf32, #tpu.memory_space<vmem>>) dst(%dma_wait3A_64 : memref<128x128xf32, #tpu.memory_space<vmem_shared>>)
      tpu.yield
    }) : () -> ()
    %mul3A_18 = arith.constant 640 : i32
    %mul3A_19 = arith.muli %arg1, %mul3A_18 : i32
    %add3A_20 = arith.constant 384 : i32
    %add3A_21 = arith.addi %mul3A_19, %add3A_20 : i32
    "tpu.region"() ({
      %run_scoped3A = tpu.sem_alloc : memref<!tpu.dma_semaphore, #tpu.memory_space<semaphore_mem>>
      %dma_start3A_58 = arith.constant 0 : i32
      %dma_start3A_59 = tpu.memref_slice %arg11[%add3A_21, %dma_start3A_58] : memref<10240x128xf32, #tpu.memory_space<vmem_shared>> -> memref<128x128xf32, #tpu.memory_space<vmem_shared>>
      %dma_start3A_60 = arith.constant 0 : i32
      %dma_start3A_61 = tpu.memref_slice %arg11[%add3A_21, %dma_start3A_60] : memref<10240x128xf32, #tpu.memory_space<vmem_shared>> -> memref<128x128xf32, #tpu.memory_space<vmem_shared>>
      tpu.enqueue_dma source(%arg9 : memref<128x128xf32, #tpu.memory_space<vmem>>) target(%dma_start3A_61 : memref<128x128xf32, #tpu.memory_space<vmem_shared>>) target_semaphore(%run_scoped3A : memref<!tpu.dma_semaphore, #tpu.memory_space<semaphore_mem>>)
      %dma_wait3A = arith.constant 0 : i32
      %dma_wait3A_62 = tpu.memref_slice %arg11[%add3A_21, %dma_wait3A] : memref<10240x128xf32, #tpu.memory_space<vmem_shared>> -> memref<128x128xf32, #tpu.memory_space<vmem_shared>>
      %dma_wait3A_63 = arith.constant 0 : i32
      %dma_wait3A_64 = tpu.memref_slice %arg11[%add3A_21, %dma_wait3A_63] : memref<10240x128xf32, #tpu.memory_space<vmem_shared>> -> memref<128x128xf32, #tpu.memory_space<vmem_shared>>
      tpu.wait_dma2 semaphore(%run_scoped3A : memref<!tpu.dma_semaphore, #tpu.memory_space<semaphore_mem>>) src(%arg9 : memref<128x128xf32, #tpu.memory_space<vmem>>) dst(%dma_wait3A_64 : memref<128x128xf32, #tpu.memory_space<vmem_shared>>)
      tpu.yield
    }) : () -> ()
    %mul3A_22 = arith.constant 640 : i32
    %mul3A_23 = arith.muli %arg1, %mul3A_22 : i32
    %add3A_24 = arith.constant 512 : i32
    %add3A_25 = arith.addi %mul3A_23, %add3A_24 : i32
    "tpu.region"() ({
      %run_scoped3A = tpu.sem_alloc : memref<!tpu.dma_semaphore, #tpu.memory_space<semaphore_mem>>
      %dma_start3A_58 = arith.constant 0 : i32
      %dma_start3A_59 = tpu.memref_slice %arg11[%add3A_25, %dma_start3A_58] : memref<10240x128xf32, #tpu.memory_space<vmem_shared>> -> memref<128x128xf32, #tpu.memory_space<vmem_shared>>
      %dma_start3A_60 = arith.constant 0 : i32
      %dma_start3A_61 = tpu.memref_slice %arg11[%add3A_25, %dma_start3A_60] : memref<10240x128xf32, #tpu.memory_space<vmem_shared>> -> memref<128x128xf32, #tpu.memory_space<vmem_shared>>
      tpu.enqueue_dma source(%arg9 : memref<128x128xf32, #tpu.memory_space<vmem>>) target(%dma_start3A_61 : memref<128x128xf32, #tpu.memory_space<vmem_shared>>) target_semaphore(%run_scoped3A : memref<!tpu.dma_semaphore, #tpu.memory_space<semaphore_mem>>)
      %dma_wait3A = arith.constant 0 : i32
      %dma_wait3A_62 = tpu.memref_slice %arg11[%add3A_25, %dma_wait3A] : memref<10240x128xf32, #tpu.memory_space<vmem_shared>> -> memref<128x128xf32, #tpu.memory_space<vmem_shared>>
      %dma_wait3A_63 = arith.constant 0 : i32
      %dma_wait3A_64 = tpu.memref_slice %arg11[%add3A_25, %dma_wait3A_63] : memref<10240x128xf32, #tpu.memory_space<vmem_shared>> -> memref<128x128xf32, #tpu.memory_space<vmem_shared>>
      tpu.wait_dma2 semaphore(%run_scoped3A : memref<!tpu.dma_semaphore, #tpu.memory_space<semaphore_mem>>) src(%arg9 : memref<128x128xf32, #tpu.memory_space<vmem>>) dst(%dma_wait3A_64 : memref<128x128xf32, #tpu.memory_space<vmem_shared>>)
      tpu.yield
    }) : () -> ()
    %barrier3A = arith.constant 0 : index
    tpu.barrier barrier_id(%barrier3A)
    "tpu.region"() ({
      %run_scoped3A = tpu.sem_alloc : memref<!tpu.dma_semaphore, #tpu.memory_space<semaphore_mem>>
      %dma_start3A_58 = arith.constant 0 : i32
      %dma_start3A_59 = arith.constant 0 : i32
      %dma_start3A_60 = tpu.memref_slice %arg3[%add3A, %dma_start3A_58, %dma_start3A_59] : memref<32x80x128xi32, #tpu.memory_space<hbm>> -> memref<1x80x128xi32, #tpu.memory_space<hbm>>
      %dma_start3A_61 = tpu.memref_squeeze %dma_start3A_60 : memref<1x80x128xi32, #tpu.memory_space<hbm>> -> memref<80x128xi32, #tpu.memory_space<hbm>>
      %dma_start3A_62 = arith.constant 0 : i32
      %dma_start3A_63 = arith.constant 0 : i32
      %dma_start3A_64 = tpu.memref_slice %arg3[%add3A, %dma_start3A_62, %dma_start3A_63] : memref<32x80x128xi32, #tpu.memory_space<hbm>> -> memref<1x80x128xi32, #tpu.memory_space<hbm>>
      %dma_start3A_65 = tpu.memref_squeeze %dma_start3A_64 : memref<1x80x128xi32, #tpu.memory_space<hbm>> -> memref<80x128xi32, #tpu.memory_space<hbm>>
      tpu.enqueue_dma source(%dma_start3A_65 : memref<80x128xi32, #tpu.memory_space<hbm>>) target(%arg6 : memref<80x128xi32, #tpu.memory_space<vmem>>) target_semaphore(%run_scoped3A : memref<!tpu.dma_semaphore, #tpu.memory_space<semaphore_mem>>)
      %dma_wait3A = arith.constant 0 : i32
      %dma_wait3A_66 = arith.constant 0 : i32
      %dma_wait3A_67 = tpu.memref_slice %arg3[%add3A, %dma_wait3A, %dma_wait3A_66] : memref<32x80x128xi32, #tpu.memory_space<hbm>> -> memref<1x80x128xi32, #tpu.memory_space<hbm>>
      %dma_wait3A_68 = tpu.memref_squeeze %dma_wait3A_67 : memref<1x80x128xi32, #tpu.memory_space<hbm>> -> memref<80x128xi32, #tpu.memory_space<hbm>>
      %dma_wait3A_69 = arith.constant 0 : i32
      %dma_wait3A_70 = arith.constant 0 : i32
      %dma_wait3A_71 = tpu.memref_slice %arg3[%add3A, %dma_wait3A_69, %dma_wait3A_70] : memref<32x80x128xi32, #tpu.memory_space<hbm>> -> memref<1x80x128xi32, #tpu.memory_space<hbm>>
      %dma_wait3A_72 = tpu.memref_squeeze %dma_wait3A_71 : memref<1x80x128xi32, #tpu.memory_space<hbm>> -> memref<80x128xi32, #tpu.memory_space<hbm>>
      tpu.wait_dma2 semaphore(%run_scoped3A : memref<!tpu.dma_semaphore, #tpu.memory_space<semaphore_mem>>) src(%dma_wait3A_72 : memref<80x128xi32, #tpu.memory_space<hbm>>) dst(%arg6 : memref<80x128xi32, #tpu.memory_space<vmem>>)
      tpu.yield
    }) : () -> ()
    "tpu.region"() ({
      %run_scoped3A = tpu.sem_alloc : memref<!tpu.dma_semaphore, #tpu.memory_space<semaphore_mem>>
      %dma_start3A_58 = arith.constant 0 : i32
      %dma_start3A_59 = arith.constant 0 : i32
      %dma_start3A_60 = tpu.memref_slice %arg4[%add3A, %dma_start3A_58, %dma_start3A_59] : memref<32x80x128xi32, #tpu.memory_space<hbm>> -> memref<1x8x128xi32, #tpu.memory_space<hbm>>
      %dma_start3A_61 = tpu.memref_squeeze %dma_start3A_60 : memref<1x8x128xi32, #tpu.memory_space<hbm>> -> memref<8x128xi32, #tpu.memory_space<hbm>>
      %dma_start3A_62 = arith.constant 0 : i32
      %dma_start3A_63 = arith.constant 0 : i32
      %dma_start3A_64 = tpu.memref_slice %arg4[%add3A, %dma_start3A_62, %dma_start3A_63] : memref<32x80x128xi32, #tpu.memory_space<hbm>> -> memref<1x8x128xi32, #tpu.memory_space<hbm>>
      %dma_start3A_65 = tpu.memref_squeeze %dma_start3A_64 : memref<1x8x128xi32, #tpu.memory_space<hbm>> -> memref<8x128xi32, #tpu.memory_space<hbm>>
      tpu.enqueue_dma source(%dma_start3A_65 : memref<8x128xi32, #tpu.memory_space<hbm>>) target(%arg7 : memref<8x128xi32, #tpu.memory_space<vmem>>) target_semaphore(%run_scoped3A : memref<!tpu.dma_semaphore, #tpu.memory_space<semaphore_mem>>)
      %dma_wait3A = arith.constant 0 : i32
      %dma_wait3A_66 = arith.constant 0 : i32
      %dma_wait3A_67 = tpu.memref_slice %arg4[%add3A, %dma_wait3A, %dma_wait3A_66] : memref<32x80x128xi32, #tpu.memory_space<hbm>> -> memref<1x8x128xi32, #tpu.memory_space<hbm>>
      %dma_wait3A_68 = tpu.memref_squeeze %dma_wait3A_67 : memref<1x8x128xi32, #tpu.memory_space<hbm>> -> memref<8x128xi32, #tpu.memory_space<hbm>>
      %dma_wait3A_69 = arith.constant 0 : i32
      %dma_wait3A_70 = arith.constant 0 : i32
      %dma_wait3A_71 = tpu.memref_slice %arg4[%add3A, %dma_wait3A_69, %dma_wait3A_70] : memref<32x80x128xi32, #tpu.memory_space<hbm>> -> memref<1x8x128xi32, #tpu.memory_space<hbm>>
      %dma_wait3A_72 = tpu.memref_squeeze %dma_wait3A_71 : memref<1x8x128xi32, #tpu.memory_space<hbm>> -> memref<8x128xi32, #tpu.memory_space<hbm>>
      tpu.wait_dma2 semaphore(%run_scoped3A : memref<!tpu.dma_semaphore, #tpu.memory_space<semaphore_mem>>) src(%dma_wait3A_72 : memref<8x128xi32, #tpu.memory_space<hbm>>) dst(%arg7 : memref<8x128xi32, #tpu.memory_space<vmem>>)
      tpu.yield
    }) : () -> ()
    %dma_start3A = arith.constant 8 : i32
    %dma_start3A_26 = arith.constant 0 : i32
    %dma_start3A_27 = tpu.memref_slice %arg4[%add3A, %dma_start3A, %dma_start3A_26] : memref<32x80x128xi32, #tpu.memory_space<hbm>> -> memref<1x8x128xi32, #tpu.memory_space<hbm>>
    %dma_start3A_28 = tpu.memref_squeeze %dma_start3A_27 : memref<1x8x128xi32, #tpu.memory_space<hbm>> -> memref<8x128xi32, #tpu.memory_space<hbm>>
    %dma_start3A_29 = arith.constant 8 : i32
    %dma_start3A_30 = arith.constant 0 : i32
    %dma_start3A_31 = tpu.memref_slice %arg4[%add3A, %dma_start3A_29, %dma_start3A_30] : memref<32x80x128xi32, #tpu.memory_space<hbm>> -> memref<1x8x128xi32, #tpu.memory_space<hbm>>
    %dma_start3A_32 = tpu.memref_squeeze %dma_start3A_31 : memref<1x8x128xi32, #tpu.memory_space<hbm>> -> memref<8x128xi32, #tpu.memory_space<hbm>>
    tpu.enqueue_dma source(%dma_start3A_32 : memref<8x128xi32, #tpu.memory_space<hbm>>) target(%arg8 : memref<8x128xi32, #tpu.memory_space<vmem>>) target_semaphore(%arg14 : memref<!tpu.dma_semaphore, #tpu.memory_space<semaphore_mem>>)
    %dma_start3A_33 = arith.constant 0 : i32
    %dma_start3A_34 = arith.constant 0 : i32
    %dma_start3A_35 = tpu.memref_slice %arg6[%dma_start3A_33, %dma_start3A_34] : memref<80x128xi32, #tpu.memory_space<vmem>> -> memref<1x128xi32, #tpu.memory_space<vmem>>
    %dma_start3A_36 = tpu.memref_squeeze %dma_start3A_35 : memref<1x128xi32, #tpu.memory_space<vmem>> -> memref<128xi32, #tpu.memory_space<vmem>>
    %dma_start3A_37 = arith.constant 0 : i32
    %dma_start3A_38 = arith.constant 0 : i32
    %dma_start3A_39 = tpu.memref_slice %arg2[%dma_start3A_37, %dma_start3A_38] : memref<10240x128xf32, #tpu.memory_space<hbm>> -> memref<10240x128xf32, #tpu.memory_space<hbm>>
    tpu.enqueue_indirect_dma source(%dma_start3A_39 : memref<10240x128xf32, #tpu.memory_space<hbm>>) target(%arg9 : memref<128x128xf32, #tpu.memory_space<vmem>>) offsets(%dma_start3A_36 : memref<128xi32, #tpu.memory_space<vmem>>) semaphore(%arg12 : memref<!tpu.dma_semaphore, #tpu.memory_space<semaphore_mem>>)
    %dma_start3A_40 = arith.constant 1 : i32
    %dma_start3A_41 = arith.constant 0 : i32
    %dma_start3A_42 = tpu.memref_slice %arg6[%dma_start3A_40, %dma_start3A_41] : memref<80x128xi32, #tpu.memory_space<vmem>> -> memref<1x128xi32, #tpu.memory_space<vmem>>
    %dma_start3A_43 = tpu.memref_squeeze %dma_start3A_42 : memref<1x128xi32, #tpu.memory_space<vmem>> -> memref<128xi32, #tpu.memory_space<vmem>>
    %dma_start3A_44 = arith.constant 0 : i32
    %dma_start3A_45 = arith.constant 0 : i32
    %dma_start3A_46 = tpu.memref_slice %arg2[%dma_start3A_44, %dma_start3A_45] : memref<10240x128xf32, #tpu.memory_space<hbm>> -> memref<10240x128xf32, #tpu.memory_space<hbm>>
    tpu.enqueue_indirect_dma source(%dma_start3A_46 : memref<10240x128xf32, #tpu.memory_space<hbm>>) target(%arg10 : memref<128x128xf32, #tpu.memory_space<vmem>>) offsets(%dma_start3A_43 : memref<128xi32, #tpu.memory_space<vmem>>) semaphore(%arg13 : memref<!tpu.dma_semaphore, #tpu.memory_space<semaphore_mem>>)
    %scan3A_47 = arith.constant 0 : i32
    %scan3A_48 = arith.constant 0 : i32
    %scan3A_49 = arith.constant 5 : i32
    %scan3A_50 = arith.addi %scan3A_48, %scan3A_49 : i32
    %scan3A_51 = arith.constant 1 : i32
    scf.for %scan3A_58 = %scan3A_48 to %scan3A_50 step %scan3A_51  : i32 {
      %gt3A = arith.constant 0 : i32
      %gt3A_59 = arith.cmpi sgt, %scan3A_58, %gt3A : i32
      %convert_element_type3A = arith.extui %gt3A_59 : i1 to i32
      %cond3A = arith.constant 0 : i32
      %cond3A_60 = arith.cmpi ne, %convert_element_type3A, %cond3A : i32
      scf.if %cond3A_60 {
        %dma_wait3A_396 = arith.constant 0 : i32
        %dma_wait3A_397 = arith.constant 0 : i32
        %dma_wait3A_398 = tpu.memref_slice %arg4[%add3A, %dma_wait3A_396, %dma_wait3A_397] : memref<32x80x128xi32, #tpu.memory_space<hbm>> -> memref<1x8x128xi32, #tpu.memory_space<hbm>>
        %dma_wait3A_399 = tpu.memref_squeeze %dma_wait3A_398 : memref<1x8x128xi32, #tpu.memory_space<hbm>> -> memref<8x128xi32, #tpu.memory_space<hbm>>
        %dma_wait3A_400 = arith.constant 0 : i32
        %dma_wait3A_401 = arith.constant 0 : i32
        %dma_wait3A_402 = tpu.memref_slice %arg4[%add3A, %dma_wait3A_400, %dma_wait3A_401] : memref<32x80x128xi32, #tpu.memory_space<hbm>> -> memref<1x8x128xi32, #tpu.memory_space<hbm>>
        %dma_wait3A_403 = tpu.memref_squeeze %dma_wait3A_402 : memref<1x8x128xi32, #tpu.memory_space<hbm>> -> memref<8x128xi32, #tpu.memory_space<hbm>>
        tpu.wait_dma2 semaphore(%arg14 : memref<!tpu.dma_semaphore, #tpu.memory_space<semaphore_mem>>) src(%dma_wait3A_403 : memref<8x128xi32, #tpu.memory_space<hbm>>) dst(%arg7 : memref<8x128xi32, #tpu.memory_space<vmem>>)
      } else {
      }
      %mul3A_61 = arith.constant 16 : i32
      %mul3A_62 = arith.muli %scan3A_58, %mul3A_61 : i32
      %add3A_63 = arith.constant 0 : i32
      %add3A_64 = arith.addi %mul3A_62, %add3A_63 : i32
      %add3A_65 = arith.constant 0 : i32
      %add3A_66 = arith.addi %add3A_64, %add3A_65 : i32
      %dma_wait3A = arith.constant 0 : i32
      %dma_wait3A_67 = tpu.memref_slice %arg6[%add3A_66, %dma_wait3A] : memref<80x128xi32, #tpu.memory_space<vmem>> -> memref<1x128xi32, #tpu.memory_space<vmem>>
      %dma_wait3A_68 = tpu.memref_squeeze %dma_wait3A_67 : memref<1x128xi32, #tpu.memory_space<vmem>> -> memref<128xi32, #tpu.memory_space<vmem>>
      %dma_wait3A_69 = arith.constant 0 : i32
      %dma_wait3A_70 = arith.constant 0 : i32
      %dma_wait3A_71 = tpu.memref_slice %arg2[%dma_wait3A_69, %dma_wait3A_70] : memref<10240x128xf32, #tpu.memory_space<hbm>> -> memref<10240x128xf32, #tpu.memory_space<hbm>>
      tpu.wait_indirect_dma semaphore(%arg12 : memref<!tpu.dma_semaphore, #tpu.memory_space<semaphore_mem>>) src(%dma_wait3A_71 : memref<10240x128xf32, #tpu.memory_space<hbm>>) dst(%arg9 : memref<128x128xf32, #tpu.memory_space<vmem>>)
      %run_scoped3A = arith.constant 0 : i32
      "tpu.region"() ({
        %run_scoped3A_396 = tpu.sem_alloc : memref<!tpu.dma_semaphore, #tpu.memory_space<semaphore_mem>>
        %dma_start3A_397 = arith.constant 0 : i32
        %dma_start3A_398 = tpu.memref_slice %arg7[%run_scoped3A, %dma_start3A_397] : memref<8x128xi32, #tpu.memory_space<vmem>> -> memref<1x128xi32, #tpu.memory_space<vmem>>
        %dma_start3A_399 = tpu.memref_squeeze %dma_start3A_398 : memref<1x128xi32, #tpu.memory_space<vmem>> -> memref<128xi32, #tpu.memory_space<vmem>>
        %dma_start3A_400 = arith.constant 0 : i32
        %dma_start3A_401 = arith.constant 0 : i32
        %dma_start3A_402 = tpu.memref_slice %arg11[%dma_start3A_400, %dma_start3A_401] : memref<10240x128xf32, #tpu.memory_space<vmem_shared>> -> memref<10240x128xf32, #tpu.memory_space<vmem_shared>>
        tpu.enqueue_indirect_dma source(%arg9 : memref<128x128xf32, #tpu.memory_space<vmem>>) target(%dma_start3A_402 : memref<10240x128xf32, #tpu.memory_space<vmem_shared>>) offsets(%dma_start3A_399 : memref<128xi32, #tpu.memory_space<vmem>>) semaphore(%run_scoped3A_396 : memref<!tpu.dma_semaphore, #tpu.memory_space<semaphore_mem>>) {add = true}
        %dma_wait3A_403 = arith.constant 0 : i32
        %dma_wait3A_404 = tpu.memref_slice %arg7[%run_scoped3A, %dma_wait3A_403] : memref<8x128xi32, #tpu.memory_space<vmem>> -> memref<1x128xi32, #tpu.memory_space<vmem>>
        %dma_wait3A_405 = tpu.memref_squeeze %dma_wait3A_404 : memref<1x128xi32, #tpu.memory_space<vmem>> -> memref<128xi32, #tpu.memory_space<vmem>>
        %dma_wait3A_406 = arith.constant 0 : i32
        %dma_wait3A_407 = arith.constant 0 : i32
        %dma_wait3A_408 = tpu.memref_slice %arg11[%dma_wait3A_406, %dma_wait3A_407] : memref<10240x128xf32, #tpu.memory_space<vmem_shared>> -> memref<10240x128xf32, #tpu.memory_space<vmem_shared>>
        tpu.wait_indirect_dma semaphore(%run_scoped3A_396 : memref<!tpu.dma_semaphore, #tpu.memory_space<semaphore_mem>>) src(%arg9 : memref<128x128xf32, #tpu.memory_space<vmem>>) dst(%dma_wait3A_408 : memref<10240x128xf32, #tpu.memory_space<vmem_shared>>)
        tpu.yield
      }) : () -> ()
      %add3A_72 = arith.constant 2 : i32
      %add3A_73 = arith.addi %add3A_66, %add3A_72 : i32
      %lt3A = arith.constant 80 : i32
      %lt3A_74 = arith.cmpi slt, %add3A_73, %lt3A : i32
      %convert_element_type3A_75 = arith.extui %lt3A_74 : i1 to i32
      %cond3A_76 = arith.constant 0 : i32
      %cond3A_77 = arith.cmpi ne, %convert_element_type3A_75, %cond3A_76 : i32
      scf.if %cond3A_77 {
        %dma_start3A_396 = arith.constant 0 : i32
        %dma_start3A_397 = tpu.memref_slice %arg6[%add3A_73, %dma_start3A_396] : memref<80x128xi32, #tpu.memory_space<vmem>> -> memref<1x128xi32, #tpu.memory_space<vmem>>
        %dma_start3A_398 = tpu.memref_squeeze %dma_start3A_397 : memref<1x128xi32, #tpu.memory_space<vmem>> -> memref<128xi32, #tpu.memory_space<vmem>>
        %dma_start3A_399 = arith.constant 0 : i32
        %dma_start3A_400 = arith.constant 0 : i32
        %dma_start3A_401 = tpu.memref_slice %arg2[%dma_start3A_399, %dma_start3A_400] : memref<10240x128xf32, #tpu.memory_space<hbm>> -> memref<10240x128xf32, #tpu.memory_space<hbm>>
        tpu.enqueue_indirect_dma source(%dma_start3A_401 : memref<10240x128xf32, #tpu.memory_space<hbm>>) target(%arg9 : memref<128x128xf32, #tpu.memory_space<vmem>>) offsets(%dma_start3A_398 : memref<128xi32, #tpu.memory_space<vmem>>) semaphore(%arg12 : memref<!tpu.dma_semaphore, #tpu.memory_space<semaphore_mem>>)
      } else {
      }
      %mul3A_78 = arith.constant 16 : i32
      %mul3A_79 = arith.muli %scan3A_58, %mul3A_78 : i32
      %add3A_80 = arith.constant 0 : i32
      %add3A_81 = arith.addi %mul3A_79, %add3A_80 : i32
      %add3A_82 = arith.constant 1 : i32
      %add3A_83 = arith.addi %add3A_81, %add3A_82 : i32
      %dma_wait3A_84 = arith.constant 0 : i32
      %dma_wait3A_85 = tpu.memref_slice %arg6[%add3A_83, %dma_wait3A_84] : memref<80x128xi32, #tpu.memory_space<vmem>> -> memref<1x128xi32, #tpu.memory_space<vmem>>
      %dma_wait3A_86 = tpu.memref_squeeze %dma_wait3A_85 : memref<1x128xi32, #tpu.memory_space<vmem>> -> memref<128xi32, #tpu.memory_space<vmem>>
      %dma_wait3A_87 = arith.constant 0 : i32
      %dma_wait3A_88 = arith.constant 0 : i32
      %dma_wait3A_89 = tpu.memref_slice %arg2[%dma_wait3A_87, %dma_wait3A_88] : memref<10240x128xf32, #tpu.memory_space<hbm>> -> memref<10240x128xf32, #tpu.memory_space<hbm>>
      tpu.wait_indirect_dma semaphore(%arg13 : memref<!tpu.dma_semaphore, #tpu.memory_space<semaphore_mem>>) src(%dma_wait3A_89 : memref<10240x128xf32, #tpu.memory_space<hbm>>) dst(%arg10 : memref<128x128xf32, #tpu.memory_space<vmem>>)
      %run_scoped3A_90 = arith.constant 1 : i32
      "tpu.region"() ({
        %run_scoped3A_396 = tpu.sem_alloc : memref<!tpu.dma_semaphore, #tpu.memory_space<semaphore_mem>>
        %dma_start3A_397 = arith.constant 0 : i32
        %dma_start3A_398 = tpu.memref_slice %arg7[%run_scoped3A_90, %dma_start3A_397] : memref<8x128xi32, #tpu.memory_space<vmem>> -> memref<1x128xi32, #tpu.memory_space<vmem>>
        %dma_start3A_399 = tpu.memref_squeeze %dma_start3A_398 : memref<1x128xi32, #tpu.memory_space<vmem>> -> memref<128xi32, #tpu.memory_space<vmem>>
        %dma_start3A_400 = arith.constant 0 : i32
        %dma_start3A_401 = arith.constant 0 : i32
        %dma_start3A_402 = tpu.memref_slice %arg11[%dma_start3A_400, %dma_start3A_401] : memref<10240x128xf32, #tpu.memory_space<vmem_shared>> -> memref<10240x128xf32, #tpu.memory_space<vmem_shared>>
        tpu.enqueue_indirect_dma source(%arg10 : memref<128x128xf32, #tpu.memory_space<vmem>>) target(%dma_start3A_402 : memref<10240x128xf32, #tpu.memory_space<vmem_shared>>) offsets(%dma_start3A_399 : memref<128xi32, #tpu.memory_space<vmem>>) semaphore(%run_scoped3A_396 : memref<!tpu.dma_semaphore, #tpu.memory_space<semaphore_mem>>) {add = true}
        %dma_wait3A_403 = arith.constant 0 : i32
        %dma_wait3A_404 = tpu.memref_slice %arg7[%run_scoped3A_90, %dma_wait3A_403] : memref<8x128xi32, #tpu.memory_space<vmem>> -> memref<1x128xi32, #tpu.memory_space<vmem>>
        %dma_wait3A_405 = tpu.memref_squeeze %dma_wait3A_404 : memref<1x128xi32, #tpu.memory_space<vmem>> -> memref<128xi32, #tpu.memory_space<vmem>>
        %dma_wait3A_406 = arith.constant 0 : i32
        %dma_wait3A_407 = arith.constant 0 : i32
        %dma_wait3A_408 = tpu.memref_slice %arg11[%dma_wait3A_406, %dma_wait3A_407] : memref<10240x128xf32, #tpu.memory_space<vmem_shared>> -> memref<10240x128xf32, #tpu.memory_space<vmem_shared>>
        tpu.wait_indirect_dma semaphore(%run_scoped3A_396 : memref<!tpu.dma_semaphore, #tpu.memory_space<semaphore_mem>>) src(%arg10 : memref<128x128xf32, #tpu.memory_space<vmem>>) dst(%dma_wait3A_408 : memref<10240x128xf32, #tpu.memory_space<vmem_shared>>)
        tpu.yield
      }) : () -> ()
      %add3A_91 = arith.constant 2 : i32
      %add3A_92 = arith.addi %add3A_83, %add3A_91 : i32
      %lt3A_93 = arith.constant 80 : i32
      %lt3A_94 = arith.cmpi slt, %add3A_92, %lt3A_93 : i32
      %convert_element_type3A_95 = arith.extui %lt3A_94 : i1 to i32
      %cond3A_96 = arith.constant 0 : i32
      %cond3A_97 = arith.cmpi ne, %convert_element_type3A_95, %cond3A_96 : i32
      scf.if %cond3A_97 {
        %dma_start3A_396 = arith.constant 0 : i32
        %dma_start3A_397 = tpu.memref_slice %arg6[%add3A_92, %dma_start3A_396] : memref<80x128xi32, #tpu.memory_space<vmem>> -> memref<1x128xi32, #tpu.memory_space<vmem>>
        %dma_start3A_398 = tpu.memref_squeeze %dma_start3A_397 : memref<1x128xi32, #tpu.memory_space<vmem>> -> memref<128xi32, #tpu.memory_space<vmem>>
        %dma_start3A_399 = arith.constant 0 : i32
        %dma_start3A_400 = arith.constant 0 : i32
        %dma_start3A_401 = tpu.memref_slice %arg2[%dma_start3A_399, %dma_start3A_400] : memref<10240x128xf32, #tpu.memory_space<hbm>> -> memref<10240x128xf32, #tpu.memory_space<hbm>>
        tpu.enqueue_indirect_dma source(%dma_start3A_401 : memref<10240x128xf32, #tpu.memory_space<hbm>>) target(%arg10 : memref<128x128xf32, #tpu.memory_space<vmem>>) offsets(%dma_start3A_398 : memref<128xi32, #tpu.memory_space<vmem>>) semaphore(%arg13 : memref<!tpu.dma_semaphore, #tpu.memory_space<semaphore_mem>>)
      } else {
      }
      %mul3A_98 = arith.constant 16 : i32
      %mul3A_99 = arith.muli %scan3A_58, %mul3A_98 : i32
      %add3A_100 = arith.constant 0 : i32
      %add3A_101 = arith.addi %mul3A_99, %add3A_100 : i32
      %add3A_102 = arith.constant 2 : i32
      %add3A_103 = arith.addi %add3A_101, %add3A_102 : i32
      %dma_wait3A_104 = arith.constant 0 : i32
      %dma_wait3A_105 = tpu.memref_slice %arg6[%add3A_103, %dma_wait3A_104] : memref<80x128xi32, #tpu.memory_space<vmem>> -> memref<1x128xi32, #tpu.memory_space<vmem>>
      %dma_wait3A_106 = tpu.memref_squeeze %dma_wait3A_105 : memref<1x128xi32, #tpu.memory_space<vmem>> -> memref<128xi32, #tpu.memory_space<vmem>>
      %dma_wait3A_107 = arith.constant 0 : i32
      %dma_wait3A_108 = arith.constant 0 : i32
      %dma_wait3A_109 = tpu.memref_slice %arg2[%dma_wait3A_107, %dma_wait3A_108] : memref<10240x128xf32, #tpu.memory_space<hbm>> -> memref<10240x128xf32, #tpu.memory_space<hbm>>
      tpu.wait_indirect_dma semaphore(%arg12 : memref<!tpu.dma_semaphore, #tpu.memory_space<semaphore_mem>>) src(%dma_wait3A_109 : memref<10240x128xf32, #tpu.memory_space<hbm>>) dst(%arg9 : memref<128x128xf32, #tpu.memory_space<vmem>>)
      %run_scoped3A_110 = arith.constant 2 : i32
      "tpu.region"() ({
        %run_scoped3A_396 = tpu.sem_alloc : memref<!tpu.dma_semaphore, #tpu.memory_space<semaphore_mem>>
        %dma_start3A_397 = arith.constant 0 : i32
        %dma_start3A_398 = tpu.memref_slice %arg7[%run_scoped3A_110, %dma_start3A_397] : memref<8x128xi32, #tpu.memory_space<vmem>> -> memref<1x128xi32, #tpu.memory_space<vmem>>
        %dma_start3A_399 = tpu.memref_squeeze %dma_start3A_398 : memref<1x128xi32, #tpu.memory_space<vmem>> -> memref<128xi32, #tpu.memory_space<vmem>>
        %dma_start3A_400 = arith.constant 0 : i32
        %dma_start3A_401 = arith.constant 0 : i32
        %dma_start3A_402 = tpu.memref_slice %arg11[%dma_start3A_400, %dma_start3A_401] : memref<10240x128xf32, #tpu.memory_space<vmem_shared>> -> memref<10240x128xf32, #tpu.memory_space<vmem_shared>>
        tpu.enqueue_indirect_dma source(%arg9 : memref<128x128xf32, #tpu.memory_space<vmem>>) target(%dma_start3A_402 : memref<10240x128xf32, #tpu.memory_space<vmem_shared>>) offsets(%dma_start3A_399 : memref<128xi32, #tpu.memory_space<vmem>>) semaphore(%run_scoped3A_396 : memref<!tpu.dma_semaphore, #tpu.memory_space<semaphore_mem>>) {add = true}
        %dma_wait3A_403 = arith.constant 0 : i32
        %dma_wait3A_404 = tpu.memref_slice %arg7[%run_scoped3A_110, %dma_wait3A_403] : memref<8x128xi32, #tpu.memory_space<vmem>> -> memref<1x128xi32, #tpu.memory_space<vmem>>
        %dma_wait3A_405 = tpu.memref_squeeze %dma_wait3A_404 : memref<1x128xi32, #tpu.memory_space<vmem>> -> memref<128xi32, #tpu.memory_space<vmem>>
        %dma_wait3A_406 = arith.constant 0 : i32
        %dma_wait3A_407 = arith.constant 0 : i32
        %dma_wait3A_408 = tpu.memref_slice %arg11[%dma_wait3A_406, %dma_wait3A_407] : memref<10240x128xf32, #tpu.memory_space<vmem_shared>> -> memref<10240x128xf32, #tpu.memory_space<vmem_shared>>
        tpu.wait_indirect_dma semaphore(%run_scoped3A_396 : memref<!tpu.dma_semaphore, #tpu.memory_space<semaphore_mem>>) src(%arg9 : memref<128x128xf32, #tpu.memory_space<vmem>>) dst(%dma_wait3A_408 : memref<10240x128xf32, #tpu.memory_space<vmem_shared>>)
        tpu.yield
      }) : () -> ()
      %add3A_111 = arith.constant 2 : i32
      %add3A_112 = arith.addi %add3A_103, %add3A_111 : i32
      %lt3A_113 = arith.constant 80 : i32
      %lt3A_114 = arith.cmpi slt, %add3A_112, %lt3A_113 : i32
      %convert_element_type3A_115 = arith.extui %lt3A_114 : i1 to i32
      %cond3A_116 = arith.constant 0 : i32
      %cond3A_117 = arith.cmpi ne, %convert_element_type3A_115, %cond3A_116 : i32
      scf.if %cond3A_117 {
        %dma_start3A_396 = arith.constant 0 : i32
        %dma_start3A_397 = tpu.memref_slice %arg6[%add3A_112, %dma_start3A_396] : memref<80x128xi32, #tpu.memory_space<vmem>> -> memref<1x128xi32, #tpu.memory_space<vmem>>
        %dma_start3A_398 = tpu.memref_squeeze %dma_start3A_397 : memref<1x128xi32, #tpu.memory_space<vmem>> -> memref<128xi32, #tpu.memory_space<vmem>>
        %dma_start3A_399 = arith.constant 0 : i32
        %dma_start3A_400 = arith.constant 0 : i32
        %dma_start3A_401 = tpu.memref_slice %arg2[%dma_start3A_399, %dma_start3A_400] : memref<10240x128xf32, #tpu.memory_space<hbm>> -> memref<10240x128xf32, #tpu.memory_space<hbm>>
        tpu.enqueue_indirect_dma source(%dma_start3A_401 : memref<10240x128xf32, #tpu.memory_space<hbm>>) target(%arg9 : memref<128x128xf32, #tpu.memory_space<vmem>>) offsets(%dma_start3A_398 : memref<128xi32, #tpu.memory_space<vmem>>) semaphore(%arg12 : memref<!tpu.dma_semaphore, #tpu.memory_space<semaphore_mem>>)
      } else {
      }
      %mul3A_118 = arith.constant 16 : i32
      %mul3A_119 = arith.muli %scan3A_58, %mul3A_118 : i32
      %add3A_120 = arith.constant 0 : i32
      %add3A_121 = arith.addi %mul3A_119, %add3A_120 : i32
      %add3A_122 = arith.constant 3 : i32
      %add3A_123 = arith.addi %add3A_121, %add3A_122 : i32
      %dma_wait3A_124 = arith.constant 0 : i32
      %dma_wait3A_125 = tpu.memref_slice %arg6[%add3A_123, %dma_wait3A_124] : memref<80x128xi32, #tpu.memory_space<vmem>> -> memref<1x128xi32, #tpu.memory_space<vmem>>
      %dma_wait3A_126 = tpu.memref_squeeze %dma_wait3A_125 : memref<1x128xi32, #tpu.memory_space<vmem>> -> memref<128xi32, #tpu.memory_space<vmem>>
      %dma_wait3A_127 = arith.constant 0 : i32
      %dma_wait3A_128 = arith.constant 0 : i32
      %dma_wait3A_129 = tpu.memref_slice %arg2[%dma_wait3A_127, %dma_wait3A_128] : memref<10240x128xf32, #tpu.memory_space<hbm>> -> memref<10240x128xf32, #tpu.memory_space<hbm>>
      tpu.wait_indirect_dma semaphore(%arg13 : memref<!tpu.dma_semaphore, #tpu.memory_space<semaphore_mem>>) src(%dma_wait3A_129 : memref<10240x128xf32, #tpu.memory_space<hbm>>) dst(%arg10 : memref<128x128xf32, #tpu.memory_space<vmem>>)
      %run_scoped3A_130 = arith.constant 3 : i32
      "tpu.region"() ({
        %run_scoped3A_396 = tpu.sem_alloc : memref<!tpu.dma_semaphore, #tpu.memory_space<semaphore_mem>>
        %dma_start3A_397 = arith.constant 0 : i32
        %dma_start3A_398 = tpu.memref_slice %arg7[%run_scoped3A_130, %dma_start3A_397] : memref<8x128xi32, #tpu.memory_space<vmem>> -> memref<1x128xi32, #tpu.memory_space<vmem>>
        %dma_start3A_399 = tpu.memref_squeeze %dma_start3A_398 : memref<1x128xi32, #tpu.memory_space<vmem>> -> memref<128xi32, #tpu.memory_space<vmem>>
        %dma_start3A_400 = arith.constant 0 : i32
        %dma_start3A_401 = arith.constant 0 : i32
        %dma_start3A_402 = tpu.memref_slice %arg11[%dma_start3A_400, %dma_start3A_401] : memref<10240x128xf32, #tpu.memory_space<vmem_shared>> -> memref<10240x128xf32, #tpu.memory_space<vmem_shared>>
        tpu.enqueue_indirect_dma source(%arg10 : memref<128x128xf32, #tpu.memory_space<vmem>>) target(%dma_start3A_402 : memref<10240x128xf32, #tpu.memory_space<vmem_shared>>) offsets(%dma_start3A_399 : memref<128xi32, #tpu.memory_space<vmem>>) semaphore(%run_scoped3A_396 : memref<!tpu.dma_semaphore, #tpu.memory_space<semaphore_mem>>) {add = true}
        %dma_wait3A_403 = arith.constant 0 : i32
        %dma_wait3A_404 = tpu.memref_slice %arg7[%run_scoped3A_130, %dma_wait3A_403] : memref<8x128xi32, #tpu.memory_space<vmem>> -> memref<1x128xi32, #tpu.memory_space<vmem>>
        %dma_wait3A_405 = tpu.memref_squeeze %dma_wait3A_404 : memref<1x128xi32, #tpu.memory_space<vmem>> -> memref<128xi32, #tpu.memory_space<vmem>>
        %dma_wait3A_406 = arith.constant 0 : i32
        %dma_wait3A_407 = arith.constant 0 : i32
        %dma_wait3A_408 = tpu.memref_slice %arg11[%dma_wait3A_406, %dma_wait3A_407] : memref<10240x128xf32, #tpu.memory_space<vmem_shared>> -> memref<10240x128xf32, #tpu.memory_space<vmem_shared>>
        tpu.wait_indirect_dma semaphore(%run_scoped3A_396 : memref<!tpu.dma_semaphore, #tpu.memory_space<semaphore_mem>>) src(%arg10 : memref<128x128xf32, #tpu.memory_space<vmem>>) dst(%dma_wait3A_408 : memref<10240x128xf32, #tpu.memory_space<vmem_shared>>)
        tpu.yield
      }) : () -> ()
      %add3A_131 = arith.constant 2 : i32
      %add3A_132 = arith.addi %add3A_123, %add3A_131 : i32
      %lt3A_133 = arith.constant 80 : i32
      %lt3A_134 = arith.cmpi slt, %add3A_132, %lt3A_133 : i32
      %convert_element_type3A_135 = arith.extui %lt3A_134 : i1 to i32
      %cond3A_136 = arith.constant 0 : i32
      %cond3A_137 = arith.cmpi ne, %convert_element_type3A_135, %cond3A_136 : i32
      scf.if %cond3A_137 {
        %dma_start3A_396 = arith.constant 0 : i32
        %dma_start3A_397 = tpu.memref_slice %arg6[%add3A_132, %dma_start3A_396] : memref<80x128xi32, #tpu.memory_space<vmem>> -> memref<1x128xi32, #tpu.memory_space<vmem>>
        %dma_start3A_398 = tpu.memref_squeeze %dma_start3A_397 : memref<1x128xi32, #tpu.memory_space<vmem>> -> memref<128xi32, #tpu.memory_space<vmem>>
        %dma_start3A_399 = arith.constant 0 : i32
        %dma_start3A_400 = arith.constant 0 : i32
        %dma_start3A_401 = tpu.memref_slice %arg2[%dma_start3A_399, %dma_start3A_400] : memref<10240x128xf32, #tpu.memory_space<hbm>> -> memref<10240x128xf32, #tpu.memory_space<hbm>>
        tpu.enqueue_indirect_dma source(%dma_start3A_401 : memref<10240x128xf32, #tpu.memory_space<hbm>>) target(%arg10 : memref<128x128xf32, #tpu.memory_space<vmem>>) offsets(%dma_start3A_398 : memref<128xi32, #tpu.memory_space<vmem>>) semaphore(%arg13 : memref<!tpu.dma_semaphore, #tpu.memory_space<semaphore_mem>>)
      } else {
      }
      %mul3A_138 = arith.constant 16 : i32
      %mul3A_139 = arith.muli %scan3A_58, %mul3A_138 : i32
      %add3A_140 = arith.constant 0 : i32
      %add3A_141 = arith.addi %mul3A_139, %add3A_140 : i32
      %add3A_142 = arith.constant 4 : i32
      %add3A_143 = arith.addi %add3A_141, %add3A_142 : i32
      %dma_wait3A_144 = arith.constant 0 : i32
      %dma_wait3A_145 = tpu.memref_slice %arg6[%add3A_143, %dma_wait3A_144] : memref<80x128xi32, #tpu.memory_space<vmem>> -> memref<1x128xi32, #tpu.memory_space<vmem>>
      %dma_wait3A_146 = tpu.memref_squeeze %dma_wait3A_145 : memref<1x128xi32, #tpu.memory_space<vmem>> -> memref<128xi32, #tpu.memory_space<vmem>>
      %dma_wait3A_147 = arith.constant 0 : i32
      %dma_wait3A_148 = arith.constant 0 : i32
      %dma_wait3A_149 = tpu.memref_slice %arg2[%dma_wait3A_147, %dma_wait3A_148] : memref<10240x128xf32, #tpu.memory_space<hbm>> -> memref<10240x128xf32, #tpu.memory_space<hbm>>
      tpu.wait_indirect_dma semaphore(%arg12 : memref<!tpu.dma_semaphore, #tpu.memory_space<semaphore_mem>>) src(%dma_wait3A_149 : memref<10240x128xf32, #tpu.memory_space<hbm>>) dst(%arg9 : memref<128x128xf32, #tpu.memory_space<vmem>>)
      %run_scoped3A_150 = arith.constant 4 : i32
      "tpu.region"() ({
        %run_scoped3A_396 = tpu.sem_alloc : memref<!tpu.dma_semaphore, #tpu.memory_space<semaphore_mem>>
        %dma_start3A_397 = arith.constant 0 : i32
        %dma_start3A_398 = tpu.memref_slice %arg7[%run_scoped3A_150, %dma_start3A_397] : memref<8x128xi32, #tpu.memory_space<vmem>> -> memref<1x128xi32, #tpu.memory_space<vmem>>
        %dma_start3A_399 = tpu.memref_squeeze %dma_start3A_398 : memref<1x128xi32, #tpu.memory_space<vmem>> -> memref<128xi32, #tpu.memory_space<vmem>>
        %dma_start3A_400 = arith.constant 0 : i32
        %dma_start3A_401 = arith.constant 0 : i32
        %dma_start3A_402 = tpu.memref_slice %arg11[%dma_start3A_400, %dma_start3A_401] : memref<10240x128xf32, #tpu.memory_space<vmem_shared>> -> memref<10240x128xf32, #tpu.memory_space<vmem_shared>>
        tpu.enqueue_indirect_dma source(%arg9 : memref<128x128xf32, #tpu.memory_space<vmem>>) target(%dma_start3A_402 : memref<10240x128xf32, #tpu.memory_space<vmem_shared>>) offsets(%dma_start3A_399 : memref<128xi32, #tpu.memory_space<vmem>>) semaphore(%run_scoped3A_396 : memref<!tpu.dma_semaphore, #tpu.memory_space<semaphore_mem>>) {add = true}
        %dma_wait3A_403 = arith.constant 0 : i32
        %dma_wait3A_404 = tpu.memref_slice %arg7[%run_scoped3A_150, %dma_wait3A_403] : memref<8x128xi32, #tpu.memory_space<vmem>> -> memref<1x128xi32, #tpu.memory_space<vmem>>
        %dma_wait3A_405 = tpu.memref_squeeze %dma_wait3A_404 : memref<1x128xi32, #tpu.memory_space<vmem>> -> memref<128xi32, #tpu.memory_space<vmem>>
        %dma_wait3A_406 = arith.constant 0 : i32
        %dma_wait3A_407 = arith.constant 0 : i32
        %dma_wait3A_408 = tpu.memref_slice %arg11[%dma_wait3A_406, %dma_wait3A_407] : memref<10240x128xf32, #tpu.memory_space<vmem_shared>> -> memref<10240x128xf32, #tpu.memory_space<vmem_shared>>
        tpu.wait_indirect_dma semaphore(%run_scoped3A_396 : memref<!tpu.dma_semaphore, #tpu.memory_space<semaphore_mem>>) src(%arg9 : memref<128x128xf32, #tpu.memory_space<vmem>>) dst(%dma_wait3A_408 : memref<10240x128xf32, #tpu.memory_space<vmem_shared>>)
        tpu.yield
      }) : () -> ()
      %add3A_151 = arith.constant 2 : i32
      %add3A_152 = arith.addi %add3A_143, %add3A_151 : i32
      %lt3A_153 = arith.constant 80 : i32
      %lt3A_154 = arith.cmpi slt, %add3A_152, %lt3A_153 : i32
      %convert_element_type3A_155 = arith.extui %lt3A_154 : i1 to i32
      %cond3A_156 = arith.constant 0 : i32
      %cond3A_157 = arith.cmpi ne, %convert_element_type3A_155, %cond3A_156 : i32
      scf.if %cond3A_157 {
        %dma_start3A_396 = arith.constant 0 : i32
        %dma_start3A_397 = tpu.memref_slice %arg6[%add3A_152, %dma_start3A_396] : memref<80x128xi32, #tpu.memory_space<vmem>> -> memref<1x128xi32, #tpu.memory_space<vmem>>
        %dma_start3A_398 = tpu.memref_squeeze %dma_start3A_397 : memref<1x128xi32, #tpu.memory_space<vmem>> -> memref<128xi32, #tpu.memory_space<vmem>>
        %dma_start3A_399 = arith.constant 0 : i32
        %dma_start3A_400 = arith.constant 0 : i32
        %dma_start3A_401 = tpu.memref_slice %arg2[%dma_start3A_399, %dma_start3A_400] : memref<10240x128xf32, #tpu.memory_space<hbm>> -> memref<10240x128xf32, #tpu.memory_space<hbm>>
        tpu.enqueue_indirect_dma source(%dma_start3A_401 : memref<10240x128xf32, #tpu.memory_space<hbm>>) target(%arg9 : memref<128x128xf32, #tpu.memory_space<vmem>>) offsets(%dma_start3A_398 : memref<128xi32, #tpu.memory_space<vmem>>) semaphore(%arg12 : memref<!tpu.dma_semaphore, #tpu.memory_space<semaphore_mem>>)
      } else {
      }
      %mul3A_158 = arith.constant 16 : i32
      %mul3A_159 = arith.muli %scan3A_58, %mul3A_158 : i32
      %add3A_160 = arith.constant 0 : i32
      %add3A_161 = arith.addi %mul3A_159, %add3A_160 : i32
      %add3A_162 = arith.constant 5 : i32
      %add3A_163 = arith.addi %add3A_161, %add3A_162 : i32
      %dma_wait3A_164 = arith.constant 0 : i32
      %dma_wait3A_165 = tpu.memref_slice %arg6[%add3A_163, %dma_wait3A_164] : memref<80x128xi32, #tpu.memory_space<vmem>> -> memref<1x128xi32, #tpu.memory_space<vmem>>
      %dma_wait3A_166 = tpu.memref_squeeze %dma_wait3A_165 : memref<1x128xi32, #tpu.memory_space<vmem>> -> memref<128xi32, #tpu.memory_space<vmem>>
      %dma_wait3A_167 = arith.constant 0 : i32
      %dma_wait3A_168 = arith.constant 0 : i32
      %dma_wait3A_169 = tpu.memref_slice %arg2[%dma_wait3A_167, %dma_wait3A_168] : memref<10240x128xf32, #tpu.memory_space<hbm>> -> memref<10240x128xf32, #tpu.memory_space<hbm>>
      tpu.wait_indirect_dma semaphore(%arg13 : memref<!tpu.dma_semaphore, #tpu.memory_space<semaphore_mem>>) src(%dma_wait3A_169 : memref<10240x128xf32, #tpu.memory_space<hbm>>) dst(%arg10 : memref<128x128xf32, #tpu.memory_space<vmem>>)
      %run_scoped3A_170 = arith.constant 5 : i32
      "tpu.region"() ({
        %run_scoped3A_396 = tpu.sem_alloc : memref<!tpu.dma_semaphore, #tpu.memory_space<semaphore_mem>>
        %dma_start3A_397 = arith.constant 0 : i32
        %dma_start3A_398 = tpu.memref_slice %arg7[%run_scoped3A_170, %dma_start3A_397] : memref<8x128xi32, #tpu.memory_space<vmem>> -> memref<1x128xi32, #tpu.memory_space<vmem>>
        %dma_start3A_399 = tpu.memref_squeeze %dma_start3A_398 : memref<1x128xi32, #tpu.memory_space<vmem>> -> memref<128xi32, #tpu.memory_space<vmem>>
        %dma_start3A_400 = arith.constant 0 : i32
        %dma_start3A_401 = arith.constant 0 : i32
        %dma_start3A_402 = tpu.memref_slice %arg11[%dma_start3A_400, %dma_start3A_401] : memref<10240x128xf32, #tpu.memory_space<vmem_shared>> -> memref<10240x128xf32, #tpu.memory_space<vmem_shared>>
        tpu.enqueue_indirect_dma source(%arg10 : memref<128x128xf32, #tpu.memory_space<vmem>>) target(%dma_start3A_402 : memref<10240x128xf32, #tpu.memory_space<vmem_shared>>) offsets(%dma_start3A_399 : memref<128xi32, #tpu.memory_space<vmem>>) semaphore(%run_scoped3A_396 : memref<!tpu.dma_semaphore, #tpu.memory_space<semaphore_mem>>) {add = true}
        %dma_wait3A_403 = arith.constant 0 : i32
        %dma_wait3A_404 = tpu.memref_slice %arg7[%run_scoped3A_170, %dma_wait3A_403] : memref<8x128xi32, #tpu.memory_space<vmem>> -> memref<1x128xi32, #tpu.memory_space<vmem>>
        %dma_wait3A_405 = tpu.memref_squeeze %dma_wait3A_404 : memref<1x128xi32, #tpu.memory_space<vmem>> -> memref<128xi32, #tpu.memory_space<vmem>>
        %dma_wait3A_406 = arith.constant 0 : i32
        %dma_wait3A_407 = arith.constant 0 : i32
        %dma_wait3A_408 = tpu.memref_slice %arg11[%dma_wait3A_406, %dma_wait3A_407] : memref<10240x128xf32, #tpu.memory_space<vmem_shared>> -> memref<10240x128xf32, #tpu.memory_space<vmem_shared>>
        tpu.wait_indirect_dma semaphore(%run_scoped3A_396 : memref<!tpu.dma_semaphore, #tpu.memory_space<semaphore_mem>>) src(%arg10 : memref<128x128xf32, #tpu.memory_space<vmem>>) dst(%dma_wait3A_408 : memref<10240x128xf32, #tpu.memory_space<vmem_shared>>)
        tpu.yield
      }) : () -> ()
      %add3A_171 = arith.constant 2 : i32
      %add3A_172 = arith.addi %add3A_163, %add3A_171 : i32
      %lt3A_173 = arith.constant 80 : i32
      %lt3A_174 = arith.cmpi slt, %add3A_172, %lt3A_173 : i32
      %convert_element_type3A_175 = arith.extui %lt3A_174 : i1 to i32
      %cond3A_176 = arith.constant 0 : i32
      %cond3A_177 = arith.cmpi ne, %convert_element_type3A_175, %cond3A_176 : i32
      scf.if %cond3A_177 {
        %dma_start3A_396 = arith.constant 0 : i32
        %dma_start3A_397 = tpu.memref_slice %arg6[%add3A_172, %dma_start3A_396] : memref<80x128xi32, #tpu.memory_space<vmem>> -> memref<1x128xi32, #tpu.memory_space<vmem>>
        %dma_start3A_398 = tpu.memref_squeeze %dma_start3A_397 : memref<1x128xi32, #tpu.memory_space<vmem>> -> memref<128xi32, #tpu.memory_space<vmem>>
        %dma_start3A_399 = arith.constant 0 : i32
        %dma_start3A_400 = arith.constant 0 : i32
        %dma_start3A_401 = tpu.memref_slice %arg2[%dma_start3A_399, %dma_start3A_400] : memref<10240x128xf32, #tpu.memory_space<hbm>> -> memref<10240x128xf32, #tpu.memory_space<hbm>>
        tpu.enqueue_indirect_dma source(%dma_start3A_401 : memref<10240x128xf32, #tpu.memory_space<hbm>>) target(%arg10 : memref<128x128xf32, #tpu.memory_space<vmem>>) offsets(%dma_start3A_398 : memref<128xi32, #tpu.memory_space<vmem>>) semaphore(%arg13 : memref<!tpu.dma_semaphore, #tpu.memory_space<semaphore_mem>>)
      } else {
      }
      %mul3A_178 = arith.constant 16 : i32
      %mul3A_179 = arith.muli %scan3A_58, %mul3A_178 : i32
      %add3A_180 = arith.constant 0 : i32
      %add3A_181 = arith.addi %mul3A_179, %add3A_180 : i32
      %add3A_182 = arith.constant 6 : i32
      %add3A_183 = arith.addi %add3A_181, %add3A_182 : i32
      %dma_wait3A_184 = arith.constant 0 : i32
      %dma_wait3A_185 = tpu.memref_slice %arg6[%add3A_183, %dma_wait3A_184] : memref<80x128xi32, #tpu.memory_space<vmem>> -> memref<1x128xi32, #tpu.memory_space<vmem>>
      %dma_wait3A_186 = tpu.memref_squeeze %dma_wait3A_185 : memref<1x128xi32, #tpu.memory_space<vmem>> -> memref<128xi32, #tpu.memory_space<vmem>>
      %dma_wait3A_187 = arith.constant 0 : i32
      %dma_wait3A_188 = arith.constant 0 : i32
      %dma_wait3A_189 = tpu.memref_slice %arg2[%dma_wait3A_187, %dma_wait3A_188] : memref<10240x128xf32, #tpu.memory_space<hbm>> -> memref<10240x128xf32, #tpu.memory_space<hbm>>
      tpu.wait_indirect_dma semaphore(%arg12 : memref<!tpu.dma_semaphore, #tpu.memory_space<semaphore_mem>>) src(%dma_wait3A_189 : memref<10240x128xf32, #tpu.memory_space<hbm>>) dst(%arg9 : memref<128x128xf32, #tpu.memory_space<vmem>>)
      %run_scoped3A_190 = arith.constant 6 : i32
      "tpu.region"() ({
        %run_scoped3A_396 = tpu.sem_alloc : memref<!tpu.dma_semaphore, #tpu.memory_space<semaphore_mem>>
        %dma_start3A_397 = arith.constant 0 : i32
        %dma_start3A_398 = tpu.memref_slice %arg7[%run_scoped3A_190, %dma_start3A_397] : memref<8x128xi32, #tpu.memory_space<vmem>> -> memref<1x128xi32, #tpu.memory_space<vmem>>
        %dma_start3A_399 = tpu.memref_squeeze %dma_start3A_398 : memref<1x128xi32, #tpu.memory_space<vmem>> -> memref<128xi32, #tpu.memory_space<vmem>>
        %dma_start3A_400 = arith.constant 0 : i32
        %dma_start3A_401 = arith.constant 0 : i32
        %dma_start3A_402 = tpu.memref_slice %arg11[%dma_start3A_400, %dma_start3A_401] : memref<10240x128xf32, #tpu.memory_space<vmem_shared>> -> memref<10240x128xf32, #tpu.memory_space<vmem_shared>>
        tpu.enqueue_indirect_dma source(%arg9 : memref<128x128xf32, #tpu.memory_space<vmem>>) target(%dma_start3A_402 : memref<10240x128xf32, #tpu.memory_space<vmem_shared>>) offsets(%dma_start3A_399 : memref<128xi32, #tpu.memory_space<vmem>>) semaphore(%run_scoped3A_396 : memref<!tpu.dma_semaphore, #tpu.memory_space<semaphore_mem>>) {add = true}
        %dma_wait3A_403 = arith.constant 0 : i32
        %dma_wait3A_404 = tpu.memref_slice %arg7[%run_scoped3A_190, %dma_wait3A_403] : memref<8x128xi32, #tpu.memory_space<vmem>> -> memref<1x128xi32, #tpu.memory_space<vmem>>
        %dma_wait3A_405 = tpu.memref_squeeze %dma_wait3A_404 : memref<1x128xi32, #tpu.memory_space<vmem>> -> memref<128xi32, #tpu.memory_space<vmem>>
        %dma_wait3A_406 = arith.constant 0 : i32
        %dma_wait3A_407 = arith.constant 0 : i32
        %dma_wait3A_408 = tpu.memref_slice %arg11[%dma_wait3A_406, %dma_wait3A_407] : memref<10240x128xf32, #tpu.memory_space<vmem_shared>> -> memref<10240x128xf32, #tpu.memory_space<vmem_shared>>
        tpu.wait_indirect_dma semaphore(%run_scoped3A_396 : memref<!tpu.dma_semaphore, #tpu.memory_space<semaphore_mem>>) src(%arg9 : memref<128x128xf32, #tpu.memory_space<vmem>>) dst(%dma_wait3A_408 : memref<10240x128xf32, #tpu.memory_space<vmem_shared>>)
        tpu.yield
      }) : () -> ()
      %add3A_191 = arith.constant 2 : i32
      %add3A_192 = arith.addi %add3A_183, %add3A_191 : i32
      %lt3A_193 = arith.constant 80 : i32
      %lt3A_194 = arith.cmpi slt, %add3A_192, %lt3A_193 : i32
      %convert_element_type3A_195 = arith.extui %lt3A_194 : i1 to i32
      %cond3A_196 = arith.constant 0 : i32
      %cond3A_197 = arith.cmpi ne, %convert_element_type3A_195, %cond3A_196 : i32
      scf.if %cond3A_197 {
        %dma_start3A_396 = arith.constant 0 : i32
        %dma_start3A_397 = tpu.memref_slice %arg6[%add3A_192, %dma_start3A_396] : memref<80x128xi32, #tpu.memory_space<vmem>> -> memref<1x128xi32, #tpu.memory_space<vmem>>
        %dma_start3A_398 = tpu.memref_squeeze %dma_start3A_397 : memref<1x128xi32, #tpu.memory_space<vmem>> -> memref<128xi32, #tpu.memory_space<vmem>>
        %dma_start3A_399 = arith.constant 0 : i32
        %dma_start3A_400 = arith.constant 0 : i32
        %dma_start3A_401 = tpu.memref_slice %arg2[%dma_start3A_399, %dma_start3A_400] : memref<10240x128xf32, #tpu.memory_space<hbm>> -> memref<10240x128xf32, #tpu.memory_space<hbm>>
        tpu.enqueue_indirect_dma source(%dma_start3A_401 : memref<10240x128xf32, #tpu.memory_space<hbm>>) target(%arg9 : memref<128x128xf32, #tpu.memory_space<vmem>>) offsets(%dma_start3A_398 : memref<128xi32, #tpu.memory_space<vmem>>) semaphore(%arg12 : memref<!tpu.dma_semaphore, #tpu.memory_space<semaphore_mem>>)
      } else {
      }
      %mul3A_198 = arith.constant 16 : i32
      %mul3A_199 = arith.muli %scan3A_58, %mul3A_198 : i32
      %add3A_200 = arith.constant 0 : i32
      %add3A_201 = arith.addi %mul3A_199, %add3A_200 : i32
      %add3A_202 = arith.constant 7 : i32
      %add3A_203 = arith.addi %add3A_201, %add3A_202 : i32
      %dma_wait3A_204 = arith.constant 0 : i32
      %dma_wait3A_205 = tpu.memref_slice %arg6[%add3A_203, %dma_wait3A_204] : memref<80x128xi32, #tpu.memory_space<vmem>> -> memref<1x128xi32, #tpu.memory_space<vmem>>
      %dma_wait3A_206 = tpu.memref_squeeze %dma_wait3A_205 : memref<1x128xi32, #tpu.memory_space<vmem>> -> memref<128xi32, #tpu.memory_space<vmem>>
      %dma_wait3A_207 = arith.constant 0 : i32
      %dma_wait3A_208 = arith.constant 0 : i32
      %dma_wait3A_209 = tpu.memref_slice %arg2[%dma_wait3A_207, %dma_wait3A_208] : memref<10240x128xf32, #tpu.memory_space<hbm>> -> memref<10240x128xf32, #tpu.memory_space<hbm>>
      tpu.wait_indirect_dma semaphore(%arg13 : memref<!tpu.dma_semaphore, #tpu.memory_space<semaphore_mem>>) src(%dma_wait3A_209 : memref<10240x128xf32, #tpu.memory_space<hbm>>) dst(%arg10 : memref<128x128xf32, #tpu.memory_space<vmem>>)
      %run_scoped3A_210 = arith.constant 7 : i32
      "tpu.region"() ({
        %run_scoped3A_396 = tpu.sem_alloc : memref<!tpu.dma_semaphore, #tpu.memory_space<semaphore_mem>>
        %dma_start3A_397 = arith.constant 0 : i32
        %dma_start3A_398 = tpu.memref_slice %arg7[%run_scoped3A_210, %dma_start3A_397] : memref<8x128xi32, #tpu.memory_space<vmem>> -> memref<1x128xi32, #tpu.memory_space<vmem>>
        %dma_start3A_399 = tpu.memref_squeeze %dma_start3A_398 : memref<1x128xi32, #tpu.memory_space<vmem>> -> memref<128xi32, #tpu.memory_space<vmem>>
        %dma_start3A_400 = arith.constant 0 : i32
        %dma_start3A_401 = arith.constant 0 : i32
        %dma_start3A_402 = tpu.memref_slice %arg11[%dma_start3A_400, %dma_start3A_401] : memref<10240x128xf32, #tpu.memory_space<vmem_shared>> -> memref<10240x128xf32, #tpu.memory_space<vmem_shared>>
        tpu.enqueue_indirect_dma source(%arg10 : memref<128x128xf32, #tpu.memory_space<vmem>>) target(%dma_start3A_402 : memref<10240x128xf32, #tpu.memory_space<vmem_shared>>) offsets(%dma_start3A_399 : memref<128xi32, #tpu.memory_space<vmem>>) semaphore(%run_scoped3A_396 : memref<!tpu.dma_semaphore, #tpu.memory_space<semaphore_mem>>) {add = true}
        %dma_wait3A_403 = arith.constant 0 : i32
        %dma_wait3A_404 = tpu.memref_slice %arg7[%run_scoped3A_210, %dma_wait3A_403] : memref<8x128xi32, #tpu.memory_space<vmem>> -> memref<1x128xi32, #tpu.memory_space<vmem>>
        %dma_wait3A_405 = tpu.memref_squeeze %dma_wait3A_404 : memref<1x128xi32, #tpu.memory_space<vmem>> -> memref<128xi32, #tpu.memory_space<vmem>>
        %dma_wait3A_406 = arith.constant 0 : i32
        %dma_wait3A_407 = arith.constant 0 : i32
        %dma_wait3A_408 = tpu.memref_slice %arg11[%dma_wait3A_406, %dma_wait3A_407] : memref<10240x128xf32, #tpu.memory_space<vmem_shared>> -> memref<10240x128xf32, #tpu.memory_space<vmem_shared>>
        tpu.wait_indirect_dma semaphore(%run_scoped3A_396 : memref<!tpu.dma_semaphore, #tpu.memory_space<semaphore_mem>>) src(%arg10 : memref<128x128xf32, #tpu.memory_space<vmem>>) dst(%dma_wait3A_408 : memref<10240x128xf32, #tpu.memory_space<vmem_shared>>)
        tpu.yield
      }) : () -> ()
      %add3A_211 = arith.constant 2 : i32
      %add3A_212 = arith.addi %add3A_203, %add3A_211 : i32
      %lt3A_213 = arith.constant 80 : i32
      %lt3A_214 = arith.cmpi slt, %add3A_212, %lt3A_213 : i32
      %convert_element_type3A_215 = arith.extui %lt3A_214 : i1 to i32
      %cond3A_216 = arith.constant 0 : i32
      %cond3A_217 = arith.cmpi ne, %convert_element_type3A_215, %cond3A_216 : i32
      scf.if %cond3A_217 {
        %dma_start3A_396 = arith.constant 0 : i32
        %dma_start3A_397 = tpu.memref_slice %arg6[%add3A_212, %dma_start3A_396] : memref<80x128xi32, #tpu.memory_space<vmem>> -> memref<1x128xi32, #tpu.memory_space<vmem>>
        %dma_start3A_398 = tpu.memref_squeeze %dma_start3A_397 : memref<1x128xi32, #tpu.memory_space<vmem>> -> memref<128xi32, #tpu.memory_space<vmem>>
        %dma_start3A_399 = arith.constant 0 : i32
        %dma_start3A_400 = arith.constant 0 : i32
        %dma_start3A_401 = tpu.memref_slice %arg2[%dma_start3A_399, %dma_start3A_400] : memref<10240x128xf32, #tpu.memory_space<hbm>> -> memref<10240x128xf32, #tpu.memory_space<hbm>>
        tpu.enqueue_indirect_dma source(%dma_start3A_401 : memref<10240x128xf32, #tpu.memory_space<hbm>>) target(%arg10 : memref<128x128xf32, #tpu.memory_space<vmem>>) offsets(%dma_start3A_398 : memref<128xi32, #tpu.memory_space<vmem>>) semaphore(%arg13 : memref<!tpu.dma_semaphore, #tpu.memory_space<semaphore_mem>>)
      } else {
      }
      %dma_wait3A_218 = arith.constant 0 : i32
      %dma_wait3A_219 = arith.constant 0 : i32
      %dma_wait3A_220 = tpu.memref_slice %arg4[%add3A, %dma_wait3A_218, %dma_wait3A_219] : memref<32x80x128xi32, #tpu.memory_space<hbm>> -> memref<1x8x128xi32, #tpu.memory_space<hbm>>
      %dma_wait3A_221 = tpu.memref_squeeze %dma_wait3A_220 : memref<1x8x128xi32, #tpu.memory_space<hbm>> -> memref<8x128xi32, #tpu.memory_space<hbm>>
      %dma_wait3A_222 = arith.constant 0 : i32
      %dma_wait3A_223 = arith.constant 0 : i32
      %dma_wait3A_224 = tpu.memref_slice %arg4[%add3A, %dma_wait3A_222, %dma_wait3A_223] : memref<32x80x128xi32, #tpu.memory_space<hbm>> -> memref<1x8x128xi32, #tpu.memory_space<hbm>>
      %dma_wait3A_225 = tpu.memref_squeeze %dma_wait3A_224 : memref<1x8x128xi32, #tpu.memory_space<hbm>> -> memref<8x128xi32, #tpu.memory_space<hbm>>
      tpu.wait_dma2 semaphore(%arg14 : memref<!tpu.dma_semaphore, #tpu.memory_space<semaphore_mem>>) src(%dma_wait3A_225 : memref<8x128xi32, #tpu.memory_space<hbm>>) dst(%arg8 : memref<8x128xi32, #tpu.memory_space<vmem>>)
      %lt3A_226 = arith.constant 4 : i32
      %lt3A_227 = arith.cmpi slt, %scan3A_58, %lt3A_226 : i32
      %convert_element_type3A_228 = arith.extui %lt3A_227 : i1 to i32
      %cond3A_229 = arith.constant 0 : i32
      %cond3A_230 = arith.cmpi ne, %convert_element_type3A_228, %cond3A_229 : i32
      scf.if %cond3A_230 {
        %mul3A_396 = arith.constant 2 : i32
        %mul3A_397 = arith.muli %mul3A_396, %scan3A_58 : i32
        %add3A_398 = arith.constant 2 : i32
        %add3A_399 = arith.addi %mul3A_397, %add3A_398 : i32
        %mul3A_400 = arith.constant 8 : i32
        %mul3A_401 = arith.muli %add3A_399, %mul3A_400 : i32
        %dma_start3A_402 = arith.constant 0 : i32
        %dma_start3A_403 = tpu.memref_slice %arg4[%add3A, %mul3A_401, %dma_start3A_402] : memref<32x80x128xi32, #tpu.memory_space<hbm>> -> memref<1x8x128xi32, #tpu.memory_space<hbm>>
        %dma_start3A_404 = tpu.memref_squeeze %dma_start3A_403 : memref<1x8x128xi32, #tpu.memory_space<hbm>> -> memref<8x128xi32, #tpu.memory_space<hbm>>
        %dma_start3A_405 = arith.constant 0 : i32
        %dma_start3A_406 = tpu.memref_slice %arg4[%add3A, %mul3A_401, %dma_start3A_405] : memref<32x80x128xi32, #tpu.memory_space<hbm>> -> memref<1x8x128xi32, #tpu.memory_space<hbm>>
        %dma_start3A_407 = tpu.memref_squeeze %dma_start3A_406 : memref<1x8x128xi32, #tpu.memory_space<hbm>> -> memref<8x128xi32, #tpu.memory_space<hbm>>
        tpu.enqueue_dma source(%dma_start3A_407 : memref<8x128xi32, #tpu.memory_space<hbm>>) target(%arg7 : memref<8x128xi32, #tpu.memory_space<vmem>>) target_semaphore(%arg14 : memref<!tpu.dma_semaphore, #tpu.memory_space<semaphore_mem>>)
      } else {
      }
      %mul3A_231 = arith.constant 16 : i32
      %mul3A_232 = arith.muli %scan3A_58, %mul3A_231 : i32
      %add3A_233 = arith.constant 8 : i32
      %add3A_234 = arith.addi %mul3A_232, %add3A_233 : i32
      %add3A_235 = arith.constant 0 : i32
      %add3A_236 = arith.addi %add3A_234, %add3A_235 : i32
      %dma_wait3A_237 = arith.constant 0 : i32
      %dma_wait3A_238 = tpu.memref_slice %arg6[%add3A_236, %dma_wait3A_237] : memref<80x128xi32, #tpu.memory_space<vmem>> -> memref<1x128xi32, #tpu.memory_space<vmem>>
      %dma_wait3A_239 = tpu.memref_squeeze %dma_wait3A_238 : memref<1x128xi32, #tpu.memory_space<vmem>> -> memref<128xi32, #tpu.memory_space<vmem>>
      %dma_wait3A_240 = arith.constant 0 : i32
      %dma_wait3A_241 = arith.constant 0 : i32
      %dma_wait3A_242 = tpu.memref_slice %arg2[%dma_wait3A_240, %dma_wait3A_241] : memref<10240x128xf32, #tpu.memory_space<hbm>> -> memref<10240x128xf32, #tpu.memory_space<hbm>>
      tpu.wait_indirect_dma semaphore(%arg12 : memref<!tpu.dma_semaphore, #tpu.memory_space<semaphore_mem>>) src(%dma_wait3A_242 : memref<10240x128xf32, #tpu.memory_space<hbm>>) dst(%arg9 : memref<128x128xf32, #tpu.memory_space<vmem>>)
      %run_scoped3A_243 = arith.constant 0 : i32
      "tpu.region"() ({
        %run_scoped3A_396 = tpu.sem_alloc : memref<!tpu.dma_semaphore, #tpu.memory_space<semaphore_mem>>
        %dma_start3A_397 = arith.constant 0 : i32
        %dma_start3A_398 = tpu.memref_slice %arg8[%run_scoped3A_243, %dma_start3A_397] : memref<8x128xi32, #tpu.memory_space<vmem>> -> memref<1x128xi32, #tpu.memory_space<vmem>>
        %dma_start3A_399 = tpu.memref_squeeze %dma_start3A_398 : memref<1x128xi32, #tpu.memory_space<vmem>> -> memref<128xi32, #tpu.memory_space<vmem>>
        %dma_start3A_400 = arith.constant 0 : i32
        %dma_start3A_401 = arith.constant 0 : i32
        %dma_start3A_402 = tpu.memref_slice %arg11[%dma_start3A_400, %dma_start3A_401] : memref<10240x128xf32, #tpu.memory_space<vmem_shared>> -> memref<10240x128xf32, #tpu.memory_space<vmem_shared>>
        tpu.enqueue_indirect_dma source(%arg9 : memref<128x128xf32, #tpu.memory_space<vmem>>) target(%dma_start3A_402 : memref<10240x128xf32, #tpu.memory_space<vmem_shared>>) offsets(%dma_start3A_399 : memref<128xi32, #tpu.memory_space<vmem>>) semaphore(%run_scoped3A_396 : memref<!tpu.dma_semaphore, #tpu.memory_space<semaphore_mem>>) {add = true}
        %dma_wait3A_403 = arith.constant 0 : i32
        %dma_wait3A_404 = tpu.memref_slice %arg8[%run_scoped3A_243, %dma_wait3A_403] : memref<8x128xi32, #tpu.memory_space<vmem>> -> memref<1x128xi32, #tpu.memory_space<vmem>>
        %dma_wait3A_405 = tpu.memref_squeeze %dma_wait3A_404 : memref<1x128xi32, #tpu.memory_space<vmem>> -> memref<128xi32, #tpu.memory_space<vmem>>
        %dma_wait3A_406 = arith.constant 0 : i32
        %dma_wait3A_407 = arith.constant 0 : i32
        %dma_wait3A_408 = tpu.memref_slice %arg11[%dma_wait3A_406, %dma_wait3A_407] : memref<10240x128xf32, #tpu.memory_space<vmem_shared>> -> memref<10240x128xf32, #tpu.memory_space<vmem_shared>>
        tpu.wait_indirect_dma semaphore(%run_scoped3A_396 : memref<!tpu.dma_semaphore, #tpu.memory_space<semaphore_mem>>) src(%arg9 : memref<128x128xf32, #tpu.memory_space<vmem>>) dst(%dma_wait3A_408 : memref<10240x128xf32, #tpu.memory_space<vmem_shared>>)
        tpu.yield
      }) : () -> ()
      %add3A_244 = arith.constant 2 : i32
      %add3A_245 = arith.addi %add3A_236, %add3A_244 : i32
      %lt3A_246 = arith.constant 80 : i32
      %lt3A_247 = arith.cmpi slt, %add3A_245, %lt3A_246 : i32
      %convert_element_type3A_248 = arith.extui %lt3A_247 : i1 to i32
      %cond3A_249 = arith.constant 0 : i32
      %cond3A_250 = arith.cmpi ne, %convert_element_type3A_248, %cond3A_249 : i32
      scf.if %cond3A_250 {
        %dma_start3A_396 = arith.constant 0 : i32
        %dma_start3A_397 = tpu.memref_slice %arg6[%add3A_245, %dma_start3A_396] : memref<80x128xi32, #tpu.memory_space<vmem>> -> memref<1x128xi32, #tpu.memory_space<vmem>>
        %dma_start3A_398 = tpu.memref_squeeze %dma_start3A_397 : memref<1x128xi32, #tpu.memory_space<vmem>> -> memref<128xi32, #tpu.memory_space<vmem>>
        %dma_start3A_399 = arith.constant 0 : i32
        %dma_start3A_400 = arith.constant 0 : i32
        %dma_start3A_401 = tpu.memref_slice %arg2[%dma_start3A_399, %dma_start3A_400] : memref<10240x128xf32, #tpu.memory_space<hbm>> -> memref<10240x128xf32, #tpu.memory_space<hbm>>
        tpu.enqueue_indirect_dma source(%dma_start3A_401 : memref<10240x128xf32, #tpu.memory_space<hbm>>) target(%arg9 : memref<128x128xf32, #tpu.memory_space<vmem>>) offsets(%dma_start3A_398 : memref<128xi32, #tpu.memory_space<vmem>>) semaphore(%arg12 : memref<!tpu.dma_semaphore, #tpu.memory_space<semaphore_mem>>)
      } else {
      }
      %mul3A_251 = arith.constant 16 : i32
      %mul3A_252 = arith.muli %scan3A_58, %mul3A_251 : i32
      %add3A_253 = arith.constant 8 : i32
      %add3A_254 = arith.addi %mul3A_252, %add3A_253 : i32
      %add3A_255 = arith.constant 1 : i32
      %add3A_256 = arith.addi %add3A_254, %add3A_255 : i32
      %dma_wait3A_257 = arith.constant 0 : i32
      %dma_wait3A_258 = tpu.memref_slice %arg6[%add3A_256, %dma_wait3A_257] : memref<80x128xi32, #tpu.memory_space<vmem>> -> memref<1x128xi32, #tpu.memory_space<vmem>>
      %dma_wait3A_259 = tpu.memref_squeeze %dma_wait3A_258 : memref<1x128xi32, #tpu.memory_space<vmem>> -> memref<128xi32, #tpu.memory_space<vmem>>
      %dma_wait3A_260 = arith.constant 0 : i32
      %dma_wait3A_261 = arith.constant 0 : i32
      %dma_wait3A_262 = tpu.memref_slice %arg2[%dma_wait3A_260, %dma_wait3A_261] : memref<10240x128xf32, #tpu.memory_space<hbm>> -> memref<10240x128xf32, #tpu.memory_space<hbm>>
      tpu.wait_indirect_dma semaphore(%arg13 : memref<!tpu.dma_semaphore, #tpu.memory_space<semaphore_mem>>) src(%dma_wait3A_262 : memref<10240x128xf32, #tpu.memory_space<hbm>>) dst(%arg10 : memref<128x128xf32, #tpu.memory_space<vmem>>)
      %run_scoped3A_263 = arith.constant 1 : i32
      "tpu.region"() ({
        %run_scoped3A_396 = tpu.sem_alloc : memref<!tpu.dma_semaphore, #tpu.memory_space<semaphore_mem>>
        %dma_start3A_397 = arith.constant 0 : i32
        %dma_start3A_398 = tpu.memref_slice %arg8[%run_scoped3A_263, %dma_start3A_397] : memref<8x128xi32, #tpu.memory_space<vmem>> -> memref<1x128xi32, #tpu.memory_space<vmem>>
        %dma_start3A_399 = tpu.memref_squeeze %dma_start3A_398 : memref<1x128xi32, #tpu.memory_space<vmem>> -> memref<128xi32, #tpu.memory_space<vmem>>
        %dma_start3A_400 = arith.constant 0 : i32
        %dma_start3A_401 = arith.constant 0 : i32
        %dma_start3A_402 = tpu.memref_slice %arg11[%dma_start3A_400, %dma_start3A_401] : memref<10240x128xf32, #tpu.memory_space<vmem_shared>> -> memref<10240x128xf32, #tpu.memory_space<vmem_shared>>
        tpu.enqueue_indirect_dma source(%arg10 : memref<128x128xf32, #tpu.memory_space<vmem>>) target(%dma_start3A_402 : memref<10240x128xf32, #tpu.memory_space<vmem_shared>>) offsets(%dma_start3A_399 : memref<128xi32, #tpu.memory_space<vmem>>) semaphore(%run_scoped3A_396 : memref<!tpu.dma_semaphore, #tpu.memory_space<semaphore_mem>>) {add = true}
        %dma_wait3A_403 = arith.constant 0 : i32
        %dma_wait3A_404 = tpu.memref_slice %arg8[%run_scoped3A_263, %dma_wait3A_403] : memref<8x128xi32, #tpu.memory_space<vmem>> -> memref<1x128xi32, #tpu.memory_space<vmem>>
        %dma_wait3A_405 = tpu.memref_squeeze %dma_wait3A_404 : memref<1x128xi32, #tpu.memory_space<vmem>> -> memref<128xi32, #tpu.memory_space<vmem>>
        %dma_wait3A_406 = arith.constant 0 : i32
        %dma_wait3A_407 = arith.constant 0 : i32
        %dma_wait3A_408 = tpu.memref_slice %arg11[%dma_wait3A_406, %dma_wait3A_407] : memref<10240x128xf32, #tpu.memory_space<vmem_shared>> -> memref<10240x128xf32, #tpu.memory_space<vmem_shared>>
        tpu.wait_indirect_dma semaphore(%run_scoped3A_396 : memref<!tpu.dma_semaphore, #tpu.memory_space<semaphore_mem>>) src(%arg10 : memref<128x128xf32, #tpu.memory_space<vmem>>) dst(%dma_wait3A_408 : memref<10240x128xf32, #tpu.memory_space<vmem_shared>>)
        tpu.yield
      }) : () -> ()
      %add3A_264 = arith.constant 2 : i32
      %add3A_265 = arith.addi %add3A_256, %add3A_264 : i32
      %lt3A_266 = arith.constant 80 : i32
      %lt3A_267 = arith.cmpi slt, %add3A_265, %lt3A_266 : i32
      %convert_element_type3A_268 = arith.extui %lt3A_267 : i1 to i32
      %cond3A_269 = arith.constant 0 : i32
      %cond3A_270 = arith.cmpi ne, %convert_element_type3A_268, %cond3A_269 : i32
      scf.if %cond3A_270 {
        %dma_start3A_396 = arith.constant 0 : i32
        %dma_start3A_397 = tpu.memref_slice %arg6[%add3A_265, %dma_start3A_396] : memref<80x128xi32, #tpu.memory_space<vmem>> -> memref<1x128xi32, #tpu.memory_space<vmem>>
        %dma_start3A_398 = tpu.memref_squeeze %dma_start3A_397 : memref<1x128xi32, #tpu.memory_space<vmem>> -> memref<128xi32, #tpu.memory_space<vmem>>
        %dma_start3A_399 = arith.constant 0 : i32
        %dma_start3A_400 = arith.constant 0 : i32
        %dma_start3A_401 = tpu.memref_slice %arg2[%dma_start3A_399, %dma_start3A_400] : memref<10240x128xf32, #tpu.memory_space<hbm>> -> memref<10240x128xf32, #tpu.memory_space<hbm>>
        tpu.enqueue_indirect_dma source(%dma_start3A_401 : memref<10240x128xf32, #tpu.memory_space<hbm>>) target(%arg10 : memref<128x128xf32, #tpu.memory_space<vmem>>) offsets(%dma_start3A_398 : memref<128xi32, #tpu.memory_space<vmem>>) semaphore(%arg13 : memref<!tpu.dma_semaphore, #tpu.memory_space<semaphore_mem>>)
      } else {
      }
      %mul3A_271 = arith.constant 16 : i32
      %mul3A_272 = arith.muli %scan3A_58, %mul3A_271 : i32
      %add3A_273 = arith.constant 8 : i32
      %add3A_274 = arith.addi %mul3A_272, %add3A_273 : i32
      %add3A_275 = arith.constant 2 : i32
      %add3A_276 = arith.addi %add3A_274, %add3A_275 : i32
      %dma_wait3A_277 = arith.constant 0 : i32
      %dma_wait3A_278 = tpu.memref_slice %arg6[%add3A_276, %dma_wait3A_277] : memref<80x128xi32, #tpu.memory_space<vmem>> -> memref<1x128xi32, #tpu.memory_space<vmem>>
      %dma_wait3A_279 = tpu.memref_squeeze %dma_wait3A_278 : memref<1x128xi32, #tpu.memory_space<vmem>> -> memref<128xi32, #tpu.memory_space<vmem>>
      %dma_wait3A_280 = arith.constant 0 : i32
      %dma_wait3A_281 = arith.constant 0 : i32
      %dma_wait3A_282 = tpu.memref_slice %arg2[%dma_wait3A_280, %dma_wait3A_281] : memref<10240x128xf32, #tpu.memory_space<hbm>> -> memref<10240x128xf32, #tpu.memory_space<hbm>>
      tpu.wait_indirect_dma semaphore(%arg12 : memref<!tpu.dma_semaphore, #tpu.memory_space<semaphore_mem>>) src(%dma_wait3A_282 : memref<10240x128xf32, #tpu.memory_space<hbm>>) dst(%arg9 : memref<128x128xf32, #tpu.memory_space<vmem>>)
      %run_scoped3A_283 = arith.constant 2 : i32
      "tpu.region"() ({
        %run_scoped3A_396 = tpu.sem_alloc : memref<!tpu.dma_semaphore, #tpu.memory_space<semaphore_mem>>
        %dma_start3A_397 = arith.constant 0 : i32
        %dma_start3A_398 = tpu.memref_slice %arg8[%run_scoped3A_283, %dma_start3A_397] : memref<8x128xi32, #tpu.memory_space<vmem>> -> memref<1x128xi32, #tpu.memory_space<vmem>>
        %dma_start3A_399 = tpu.memref_squeeze %dma_start3A_398 : memref<1x128xi32, #tpu.memory_space<vmem>> -> memref<128xi32, #tpu.memory_space<vmem>>
        %dma_start3A_400 = arith.constant 0 : i32
        %dma_start3A_401 = arith.constant 0 : i32
        %dma_start3A_402 = tpu.memref_slice %arg11[%dma_start3A_400, %dma_start3A_401] : memref<10240x128xf32, #tpu.memory_space<vmem_shared>> -> memref<10240x128xf32, #tpu.memory_space<vmem_shared>>
        tpu.enqueue_indirect_dma source(%arg9 : memref<128x128xf32, #tpu.memory_space<vmem>>) target(%dma_start3A_402 : memref<10240x128xf32, #tpu.memory_space<vmem_shared>>) offsets(%dma_start3A_399 : memref<128xi32, #tpu.memory_space<vmem>>) semaphore(%run_scoped3A_396 : memref<!tpu.dma_semaphore, #tpu.memory_space<semaphore_mem>>) {add = true}
        %dma_wait3A_403 = arith.constant 0 : i32
        %dma_wait3A_404 = tpu.memref_slice %arg8[%run_scoped3A_283, %dma_wait3A_403] : memref<8x128xi32, #tpu.memory_space<vmem>> -> memref<1x128xi32, #tpu.memory_space<vmem>>
        %dma_wait3A_405 = tpu.memref_squeeze %dma_wait3A_404 : memref<1x128xi32, #tpu.memory_space<vmem>> -> memref<128xi32, #tpu.memory_space<vmem>>
        %dma_wait3A_406 = arith.constant 0 : i32
        %dma_wait3A_407 = arith.constant 0 : i32
        %dma_wait3A_408 = tpu.memref_slice %arg11[%dma_wait3A_406, %dma_wait3A_407] : memref<10240x128xf32, #tpu.memory_space<vmem_shared>> -> memref<10240x128xf32, #tpu.memory_space<vmem_shared>>
        tpu.wait_indirect_dma semaphore(%run_scoped3A_396 : memref<!tpu.dma_semaphore, #tpu.memory_space<semaphore_mem>>) src(%arg9 : memref<128x128xf32, #tpu.memory_space<vmem>>) dst(%dma_wait3A_408 : memref<10240x128xf32, #tpu.memory_space<vmem_shared>>)
        tpu.yield
      }) : () -> ()
      %add3A_284 = arith.constant 2 : i32
      %add3A_285 = arith.addi %add3A_276, %add3A_284 : i32
      %lt3A_286 = arith.constant 80 : i32
      %lt3A_287 = arith.cmpi slt, %add3A_285, %lt3A_286 : i32
      %convert_element_type3A_288 = arith.extui %lt3A_287 : i1 to i32
      %cond3A_289 = arith.constant 0 : i32
      %cond3A_290 = arith.cmpi ne, %convert_element_type3A_288, %cond3A_289 : i32
      scf.if %cond3A_290 {
        %dma_start3A_396 = arith.constant 0 : i32
        %dma_start3A_397 = tpu.memref_slice %arg6[%add3A_285, %dma_start3A_396] : memref<80x128xi32, #tpu.memory_space<vmem>> -> memref<1x128xi32, #tpu.memory_space<vmem>>
        %dma_start3A_398 = tpu.memref_squeeze %dma_start3A_397 : memref<1x128xi32, #tpu.memory_space<vmem>> -> memref<128xi32, #tpu.memory_space<vmem>>
        %dma_start3A_399 = arith.constant 0 : i32
        %dma_start3A_400 = arith.constant 0 : i32
        %dma_start3A_401 = tpu.memref_slice %arg2[%dma_start3A_399, %dma_start3A_400] : memref<10240x128xf32, #tpu.memory_space<hbm>> -> memref<10240x128xf32, #tpu.memory_space<hbm>>
        tpu.enqueue_indirect_dma source(%dma_start3A_401 : memref<10240x128xf32, #tpu.memory_space<hbm>>) target(%arg9 : memref<128x128xf32, #tpu.memory_space<vmem>>) offsets(%dma_start3A_398 : memref<128xi32, #tpu.memory_space<vmem>>) semaphore(%arg12 : memref<!tpu.dma_semaphore, #tpu.memory_space<semaphore_mem>>)
      } else {
      }
      %mul3A_291 = arith.constant 16 : i32
      %mul3A_292 = arith.muli %scan3A_58, %mul3A_291 : i32
      %add3A_293 = arith.constant 8 : i32
      %add3A_294 = arith.addi %mul3A_292, %add3A_293 : i32
      %add3A_295 = arith.constant 3 : i32
      %add3A_296 = arith.addi %add3A_294, %add3A_295 : i32
      %dma_wait3A_297 = arith.constant 0 : i32
      %dma_wait3A_298 = tpu.memref_slice %arg6[%add3A_296, %dma_wait3A_297] : memref<80x128xi32, #tpu.memory_space<vmem>> -> memref<1x128xi32, #tpu.memory_space<vmem>>
      %dma_wait3A_299 = tpu.memref_squeeze %dma_wait3A_298 : memref<1x128xi32, #tpu.memory_space<vmem>> -> memref<128xi32, #tpu.memory_space<vmem>>
      %dma_wait3A_300 = arith.constant 0 : i32
      %dma_wait3A_301 = arith.constant 0 : i32
      %dma_wait3A_302 = tpu.memref_slice %arg2[%dma_wait3A_300, %dma_wait3A_301] : memref<10240x128xf32, #tpu.memory_space<hbm>> -> memref<10240x128xf32, #tpu.memory_space<hbm>>
      tpu.wait_indirect_dma semaphore(%arg13 : memref<!tpu.dma_semaphore, #tpu.memory_space<semaphore_mem>>) src(%dma_wait3A_302 : memref<10240x128xf32, #tpu.memory_space<hbm>>) dst(%arg10 : memref<128x128xf32, #tpu.memory_space<vmem>>)
      %run_scoped3A_303 = arith.constant 3 : i32
      "tpu.region"() ({
        %run_scoped3A_396 = tpu.sem_alloc : memref<!tpu.dma_semaphore, #tpu.memory_space<semaphore_mem>>
        %dma_start3A_397 = arith.constant 0 : i32
        %dma_start3A_398 = tpu.memref_slice %arg8[%run_scoped3A_303, %dma_start3A_397] : memref<8x128xi32, #tpu.memory_space<vmem>> -> memref<1x128xi32, #tpu.memory_space<vmem>>
        %dma_start3A_399 = tpu.memref_squeeze %dma_start3A_398 : memref<1x128xi32, #tpu.memory_space<vmem>> -> memref<128xi32, #tpu.memory_space<vmem>>
        %dma_start3A_400 = arith.constant 0 : i32
        %dma_start3A_401 = arith.constant 0 : i32
        %dma_start3A_402 = tpu.memref_slice %arg11[%dma_start3A_400, %dma_start3A_401] : memref<10240x128xf32, #tpu.memory_space<vmem_shared>> -> memref<10240x128xf32, #tpu.memory_space<vmem_shared>>
        tpu.enqueue_indirect_dma source(%arg10 : memref<128x128xf32, #tpu.memory_space<vmem>>) target(%dma_start3A_402 : memref<10240x128xf32, #tpu.memory_space<vmem_shared>>) offsets(%dma_start3A_399 : memref<128xi32, #tpu.memory_space<vmem>>) semaphore(%run_scoped3A_396 : memref<!tpu.dma_semaphore, #tpu.memory_space<semaphore_mem>>) {add = true}
        %dma_wait3A_403 = arith.constant 0 : i32
        %dma_wait3A_404 = tpu.memref_slice %arg8[%run_scoped3A_303, %dma_wait3A_403] : memref<8x128xi32, #tpu.memory_space<vmem>> -> memref<1x128xi32, #tpu.memory_space<vmem>>
        %dma_wait3A_405 = tpu.memref_squeeze %dma_wait3A_404 : memref<1x128xi32, #tpu.memory_space<vmem>> -> memref<128xi32, #tpu.memory_space<vmem>>
        %dma_wait3A_406 = arith.constant 0 : i32
        %dma_wait3A_407 = arith.constant 0 : i32
        %dma_wait3A_408 = tpu.memref_slice %arg11[%dma_wait3A_406, %dma_wait3A_407] : memref<10240x128xf32, #tpu.memory_space<vmem_shared>> -> memref<10240x128xf32, #tpu.memory_space<vmem_shared>>
        tpu.wait_indirect_dma semaphore(%run_scoped3A_396 : memref<!tpu.dma_semaphore, #tpu.memory_space<semaphore_mem>>) src(%arg10 : memref<128x128xf32, #tpu.memory_space<vmem>>) dst(%dma_wait3A_408 : memref<10240x128xf32, #tpu.memory_space<vmem_shared>>)
        tpu.yield
      }) : () -> ()
      %add3A_304 = arith.constant 2 : i32
      %add3A_305 = arith.addi %add3A_296, %add3A_304 : i32
      %lt3A_306 = arith.constant 80 : i32
      %lt3A_307 = arith.cmpi slt, %add3A_305, %lt3A_306 : i32
      %convert_element_type3A_308 = arith.extui %lt3A_307 : i1 to i32
      %cond3A_309 = arith.constant 0 : i32
      %cond3A_310 = arith.cmpi ne, %convert_element_type3A_308, %cond3A_309 : i32
      scf.if %cond3A_310 {
        %dma_start3A_396 = arith.constant 0 : i32
        %dma_start3A_397 = tpu.memref_slice %arg6[%add3A_305, %dma_start3A_396] : memref<80x128xi32, #tpu.memory_space<vmem>> -> memref<1x128xi32, #tpu.memory_space<vmem>>
        %dma_start3A_398 = tpu.memref_squeeze %dma_start3A_397 : memref<1x128xi32, #tpu.memory_space<vmem>> -> memref<128xi32, #tpu.memory_space<vmem>>
        %dma_start3A_399 = arith.constant 0 : i32
        %dma_start3A_400 = arith.constant 0 : i32
        %dma_start3A_401 = tpu.memref_slice %arg2[%dma_start3A_399, %dma_start3A_400] : memref<10240x128xf32, #tpu.memory_space<hbm>> -> memref<10240x128xf32, #tpu.memory_space<hbm>>
        tpu.enqueue_indirect_dma source(%dma_start3A_401 : memref<10240x128xf32, #tpu.memory_space<hbm>>) target(%arg10 : memref<128x128xf32, #tpu.memory_space<vmem>>) offsets(%dma_start3A_398 : memref<128xi32, #tpu.memory_space<vmem>>) semaphore(%arg13 : memref<!tpu.dma_semaphore, #tpu.memory_space<semaphore_mem>>)
      } else {
      }
      %mul3A_311 = arith.constant 16 : i32
      %mul3A_312 = arith.muli %scan3A_58, %mul3A_311 : i32
      %add3A_313 = arith.constant 8 : i32
      %add3A_314 = arith.addi %mul3A_312, %add3A_313 : i32
      %add3A_315 = arith.constant 4 : i32
      %add3A_316 = arith.addi %add3A_314, %add3A_315 : i32
      %dma_wait3A_317 = arith.constant 0 : i32
      %dma_wait3A_318 = tpu.memref_slice %arg6[%add3A_316, %dma_wait3A_317] : memref<80x128xi32, #tpu.memory_space<vmem>> -> memref<1x128xi32, #tpu.memory_space<vmem>>
      %dma_wait3A_319 = tpu.memref_squeeze %dma_wait3A_318 : memref<1x128xi32, #tpu.memory_space<vmem>> -> memref<128xi32, #tpu.memory_space<vmem>>
      %dma_wait3A_320 = arith.constant 0 : i32
      %dma_wait3A_321 = arith.constant 0 : i32
      %dma_wait3A_322 = tpu.memref_slice %arg2[%dma_wait3A_320, %dma_wait3A_321] : memref<10240x128xf32, #tpu.memory_space<hbm>> -> memref<10240x128xf32, #tpu.memory_space<hbm>>
      tpu.wait_indirect_dma semaphore(%arg12 : memref<!tpu.dma_semaphore, #tpu.memory_space<semaphore_mem>>) src(%dma_wait3A_322 : memref<10240x128xf32, #tpu.memory_space<hbm>>) dst(%arg9 : memref<128x128xf32, #tpu.memory_space<vmem>>)
      %run_scoped3A_323 = arith.constant 4 : i32
      "tpu.region"() ({
        %run_scoped3A_396 = tpu.sem_alloc : memref<!tpu.dma_semaphore, #tpu.memory_space<semaphore_mem>>
        %dma_start3A_397 = arith.constant 0 : i32
        %dma_start3A_398 = tpu.memref_slice %arg8[%run_scoped3A_323, %dma_start3A_397] : memref<8x128xi32, #tpu.memory_space<vmem>> -> memref<1x128xi32, #tpu.memory_space<vmem>>
        %dma_start3A_399 = tpu.memref_squeeze %dma_start3A_398 : memref<1x128xi32, #tpu.memory_space<vmem>> -> memref<128xi32, #tpu.memory_space<vmem>>
        %dma_start3A_400 = arith.constant 0 : i32
        %dma_start3A_401 = arith.constant 0 : i32
        %dma_start3A_402 = tpu.memref_slice %arg11[%dma_start3A_400, %dma_start3A_401] : memref<10240x128xf32, #tpu.memory_space<vmem_shared>> -> memref<10240x128xf32, #tpu.memory_space<vmem_shared>>
        tpu.enqueue_indirect_dma source(%arg9 : memref<128x128xf32, #tpu.memory_space<vmem>>) target(%dma_start3A_402 : memref<10240x128xf32, #tpu.memory_space<vmem_shared>>) offsets(%dma_start3A_399 : memref<128xi32, #tpu.memory_space<vmem>>) semaphore(%run_scoped3A_396 : memref<!tpu.dma_semaphore, #tpu.memory_space<semaphore_mem>>) {add = true}
        %dma_wait3A_403 = arith.constant 0 : i32
        %dma_wait3A_404 = tpu.memref_slice %arg8[%run_scoped3A_323, %dma_wait3A_403] : memref<8x128xi32, #tpu.memory_space<vmem>> -> memref<1x128xi32, #tpu.memory_space<vmem>>
        %dma_wait3A_405 = tpu.memref_squeeze %dma_wait3A_404 : memref<1x128xi32, #tpu.memory_space<vmem>> -> memref<128xi32, #tpu.memory_space<vmem>>
        %dma_wait3A_406 = arith.constant 0 : i32
        %dma_wait3A_407 = arith.constant 0 : i32
        %dma_wait3A_408 = tpu.memref_slice %arg11[%dma_wait3A_406, %dma_wait3A_407] : memref<10240x128xf32, #tpu.memory_space<vmem_shared>> -> memref<10240x128xf32, #tpu.memory_space<vmem_shared>>
        tpu.wait_indirect_dma semaphore(%run_scoped3A_396 : memref<!tpu.dma_semaphore, #tpu.memory_space<semaphore_mem>>) src(%arg9 : memref<128x128xf32, #tpu.memory_space<vmem>>) dst(%dma_wait3A_408 : memref<10240x128xf32, #tpu.memory_space<vmem_shared>>)
        tpu.yield
      }) : () -> ()
      %add3A_324 = arith.constant 2 : i32
      %add3A_325 = arith.addi %add3A_316, %add3A_324 : i32
      %lt3A_326 = arith.constant 80 : i32
      %lt3A_327 = arith.cmpi slt, %add3A_325, %lt3A_326 : i32
      %convert_element_type3A_328 = arith.extui %lt3A_327 : i1 to i32
      %cond3A_329 = arith.constant 0 : i32
      %cond3A_330 = arith.cmpi ne, %convert_element_type3A_328, %cond3A_329 : i32
      scf.if %cond3A_330 {
        %dma_start3A_396 = arith.constant 0 : i32
        %dma_start3A_397 = tpu.memref_slice %arg6[%add3A_325, %dma_start3A_396] : memref<80x128xi32, #tpu.memory_space<vmem>> -> memref<1x128xi32, #tpu.memory_space<vmem>>
        %dma_start3A_398 = tpu.memref_squeeze %dma_start3A_397 : memref<1x128xi32, #tpu.memory_space<vmem>> -> memref<128xi32, #tpu.memory_space<vmem>>
        %dma_start3A_399 = arith.constant 0 : i32
        %dma_start3A_400 = arith.constant 0 : i32
        %dma_start3A_401 = tpu.memref_slice %arg2[%dma_start3A_399, %dma_start3A_400] : memref<10240x128xf32, #tpu.memory_space<hbm>> -> memref<10240x128xf32, #tpu.memory_space<hbm>>
        tpu.enqueue_indirect_dma source(%dma_start3A_401 : memref<10240x128xf32, #tpu.memory_space<hbm>>) target(%arg9 : memref<128x128xf32, #tpu.memory_space<vmem>>) offsets(%dma_start3A_398 : memref<128xi32, #tpu.memory_space<vmem>>) semaphore(%arg12 : memref<!tpu.dma_semaphore, #tpu.memory_space<semaphore_mem>>)
      } else {
      }
      %mul3A_331 = arith.constant 16 : i32
      %mul3A_332 = arith.muli %scan3A_58, %mul3A_331 : i32
      %add3A_333 = arith.constant 8 : i32
      %add3A_334 = arith.addi %mul3A_332, %add3A_333 : i32
      %add3A_335 = arith.constant 5 : i32
      %add3A_336 = arith.addi %add3A_334, %add3A_335 : i32
      %dma_wait3A_337 = arith.constant 0 : i32
      %dma_wait3A_338 = tpu.memref_slice %arg6[%add3A_336, %dma_wait3A_337] : memref<80x128xi32, #tpu.memory_space<vmem>> -> memref<1x128xi32, #tpu.memory_space<vmem>>
      %dma_wait3A_339 = tpu.memref_squeeze %dma_wait3A_338 : memref<1x128xi32, #tpu.memory_space<vmem>> -> memref<128xi32, #tpu.memory_space<vmem>>
      %dma_wait3A_340 = arith.constant 0 : i32
      %dma_wait3A_341 = arith.constant 0 : i32
      %dma_wait3A_342 = tpu.memref_slice %arg2[%dma_wait3A_340, %dma_wait3A_341] : memref<10240x128xf32, #tpu.memory_space<hbm>> -> memref<10240x128xf32, #tpu.memory_space<hbm>>
      tpu.wait_indirect_dma semaphore(%arg13 : memref<!tpu.dma_semaphore, #tpu.memory_space<semaphore_mem>>) src(%dma_wait3A_342 : memref<10240x128xf32, #tpu.memory_space<hbm>>) dst(%arg10 : memref<128x128xf32, #tpu.memory_space<vmem>>)
      %run_scoped3A_343 = arith.constant 5 : i32
      "tpu.region"() ({
        %run_scoped3A_396 = tpu.sem_alloc : memref<!tpu.dma_semaphore, #tpu.memory_space<semaphore_mem>>
        %dma_start3A_397 = arith.constant 0 : i32
        %dma_start3A_398 = tpu.memref_slice %arg8[%run_scoped3A_343, %dma_start3A_397] : memref<8x128xi32, #tpu.memory_space<vmem>> -> memref<1x128xi32, #tpu.memory_space<vmem>>
        %dma_start3A_399 = tpu.memref_squeeze %dma_start3A_398 : memref<1x128xi32, #tpu.memory_space<vmem>> -> memref<128xi32, #tpu.memory_space<vmem>>
        %dma_start3A_400 = arith.constant 0 : i32
        %dma_start3A_401 = arith.constant 0 : i32
        %dma_start3A_402 = tpu.memref_slice %arg11[%dma_start3A_400, %dma_start3A_401] : memref<10240x128xf32, #tpu.memory_space<vmem_shared>> -> memref<10240x128xf32, #tpu.memory_space<vmem_shared>>
        tpu.enqueue_indirect_dma source(%arg10 : memref<128x128xf32, #tpu.memory_space<vmem>>) target(%dma_start3A_402 : memref<10240x128xf32, #tpu.memory_space<vmem_shared>>) offsets(%dma_start3A_399 : memref<128xi32, #tpu.memory_space<vmem>>) semaphore(%run_scoped3A_396 : memref<!tpu.dma_semaphore, #tpu.memory_space<semaphore_mem>>) {add = true}
        %dma_wait3A_403 = arith.constant 0 : i32
        %dma_wait3A_404 = tpu.memref_slice %arg8[%run_scoped3A_343, %dma_wait3A_403] : memref<8x128xi32, #tpu.memory_space<vmem>> -> memref<1x128xi32, #tpu.memory_space<vmem>>
        %dma_wait3A_405 = tpu.memref_squeeze %dma_wait3A_404 : memref<1x128xi32, #tpu.memory_space<vmem>> -> memref<128xi32, #tpu.memory_space<vmem>>
        %dma_wait3A_406 = arith.constant 0 : i32
        %dma_wait3A_407 = arith.constant 0 : i32
        %dma_wait3A_408 = tpu.memref_slice %arg11[%dma_wait3A_406, %dma_wait3A_407] : memref<10240x128xf32, #tpu.memory_space<vmem_shared>> -> memref<10240x128xf32, #tpu.memory_space<vmem_shared>>
        tpu.wait_indirect_dma semaphore(%run_scoped3A_396 : memref<!tpu.dma_semaphore, #tpu.memory_space<semaphore_mem>>) src(%arg10 : memref<128x128xf32, #tpu.memory_space<vmem>>) dst(%dma_wait3A_408 : memref<10240x128xf32, #tpu.memory_space<vmem_shared>>)
        tpu.yield
      }) : () -> ()
      %add3A_344 = arith.constant 2 : i32
      %add3A_345 = arith.addi %add3A_336, %add3A_344 : i32
      %lt3A_346 = arith.constant 80 : i32
      %lt3A_347 = arith.cmpi slt, %add3A_345, %lt3A_346 : i32
      %convert_element_type3A_348 = arith.extui %lt3A_347 : i1 to i32
      %cond3A_349 = arith.constant 0 : i32
      %cond3A_350 = arith.cmpi ne, %convert_element_type3A_348, %cond3A_349 : i32
      scf.if %cond3A_350 {
        %dma_start3A_396 = arith.constant 0 : i32
        %dma_start3A_397 = tpu.memref_slice %arg6[%add3A_345, %dma_start3A_396] : memref<80x128xi32, #tpu.memory_space<vmem>> -> memref<1x128xi32, #tpu.memory_space<vmem>>
        %dma_start3A_398 = tpu.memref_squeeze %dma_start3A_397 : memref<1x128xi32, #tpu.memory_space<vmem>> -> memref<128xi32, #tpu.memory_space<vmem>>
        %dma_start3A_399 = arith.constant 0 : i32
        %dma_start3A_400 = arith.constant 0 : i32
        %dma_start3A_401 = tpu.memref_slice %arg2[%dma_start3A_399, %dma_start3A_400] : memref<10240x128xf32, #tpu.memory_space<hbm>> -> memref<10240x128xf32, #tpu.memory_space<hbm>>
        tpu.enqueue_indirect_dma source(%dma_start3A_401 : memref<10240x128xf32, #tpu.memory_space<hbm>>) target(%arg10 : memref<128x128xf32, #tpu.memory_space<vmem>>) offsets(%dma_start3A_398 : memref<128xi32, #tpu.memory_space<vmem>>) semaphore(%arg13 : memref<!tpu.dma_semaphore, #tpu.memory_space<semaphore_mem>>)
      } else {
      }
      %mul3A_351 = arith.constant 16 : i32
      %mul3A_352 = arith.muli %scan3A_58, %mul3A_351 : i32
      %add3A_353 = arith.constant 8 : i32
      %add3A_354 = arith.addi %mul3A_352, %add3A_353 : i32
      %add3A_355 = arith.constant 6 : i32
      %add3A_356 = arith.addi %add3A_354, %add3A_355 : i32
      %dma_wait3A_357 = arith.constant 0 : i32
      %dma_wait3A_358 = tpu.memref_slice %arg6[%add3A_356, %dma_wait3A_357] : memref<80x128xi32, #tpu.memory_space<vmem>> -> memref<1x128xi32, #tpu.memory_space<vmem>>
      %dma_wait3A_359 = tpu.memref_squeeze %dma_wait3A_358 : memref<1x128xi32, #tpu.memory_space<vmem>> -> memref<128xi32, #tpu.memory_space<vmem>>
      %dma_wait3A_360 = arith.constant 0 : i32
      %dma_wait3A_361 = arith.constant 0 : i32
      %dma_wait3A_362 = tpu.memref_slice %arg2[%dma_wait3A_360, %dma_wait3A_361] : memref<10240x128xf32, #tpu.memory_space<hbm>> -> memref<10240x128xf32, #tpu.memory_space<hbm>>
      tpu.wait_indirect_dma semaphore(%arg12 : memref<!tpu.dma_semaphore, #tpu.memory_space<semaphore_mem>>) src(%dma_wait3A_362 : memref<10240x128xf32, #tpu.memory_space<hbm>>) dst(%arg9 : memref<128x128xf32, #tpu.memory_space<vmem>>)
      %run_scoped3A_363 = arith.constant 6 : i32
      "tpu.region"() ({
        %run_scoped3A_396 = tpu.sem_alloc : memref<!tpu.dma_semaphore, #tpu.memory_space<semaphore_mem>>
        %dma_start3A_397 = arith.constant 0 : i32
        %dma_start3A_398 = tpu.memref_slice %arg8[%run_scoped3A_363, %dma_start3A_397] : memref<8x128xi32, #tpu.memory_space<vmem>> -> memref<1x128xi32, #tpu.memory_space<vmem>>
        %dma_start3A_399 = tpu.memref_squeeze %dma_start3A_398 : memref<1x128xi32, #tpu.memory_space<vmem>> -> memref<128xi32, #tpu.memory_space<vmem>>
        %dma_start3A_400 = arith.constant 0 : i32
        %dma_start3A_401 = arith.constant 0 : i32
        %dma_start3A_402 = tpu.memref_slice %arg11[%dma_start3A_400, %dma_start3A_401] : memref<10240x128xf32, #tpu.memory_space<vmem_shared>> -> memref<10240x128xf32, #tpu.memory_space<vmem_shared>>
        tpu.enqueue_indirect_dma source(%arg9 : memref<128x128xf32, #tpu.memory_space<vmem>>) target(%dma_start3A_402 : memref<10240x128xf32, #tpu.memory_space<vmem_shared>>) offsets(%dma_start3A_399 : memref<128xi32, #tpu.memory_space<vmem>>) semaphore(%run_scoped3A_396 : memref<!tpu.dma_semaphore, #tpu.memory_space<semaphore_mem>>) {add = true}
        %dma_wait3A_403 = arith.constant 0 : i32
        %dma_wait3A_404 = tpu.memref_slice %arg8[%run_scoped3A_363, %dma_wait3A_403] : memref<8x128xi32, #tpu.memory_space<vmem>> -> memref<1x128xi32, #tpu.memory_space<vmem>>
        %dma_wait3A_405 = tpu.memref_squeeze %dma_wait3A_404 : memref<1x128xi32, #tpu.memory_space<vmem>> -> memref<128xi32, #tpu.memory_space<vmem>>
        %dma_wait3A_406 = arith.constant 0 : i32
        %dma_wait3A_407 = arith.constant 0 : i32
        %dma_wait3A_408 = tpu.memref_slice %arg11[%dma_wait3A_406, %dma_wait3A_407] : memref<10240x128xf32, #tpu.memory_space<vmem_shared>> -> memref<10240x128xf32, #tpu.memory_space<vmem_shared>>
        tpu.wait_indirect_dma semaphore(%run_scoped3A_396 : memref<!tpu.dma_semaphore, #tpu.memory_space<semaphore_mem>>) src(%arg9 : memref<128x128xf32, #tpu.memory_space<vmem>>) dst(%dma_wait3A_408 : memref<10240x128xf32, #tpu.memory_space<vmem_shared>>)
        tpu.yield
      }) : () -> ()
      %add3A_364 = arith.constant 2 : i32
      %add3A_365 = arith.addi %add3A_356, %add3A_364 : i32
      %lt3A_366 = arith.constant 80 : i32
      %lt3A_367 = arith.cmpi slt, %add3A_365, %lt3A_366 : i32
      %convert_element_type3A_368 = arith.extui %lt3A_367 : i1 to i32
      %cond3A_369 = arith.constant 0 : i32
      %cond3A_370 = arith.cmpi ne, %convert_element_type3A_368, %cond3A_369 : i32
      scf.if %cond3A_370 {
        %dma_start3A_396 = arith.constant 0 : i32
        %dma_start3A_397 = tpu.memref_slice %arg6[%add3A_365, %dma_start3A_396] : memref<80x128xi32, #tpu.memory_space<vmem>> -> memref<1x128xi32, #tpu.memory_space<vmem>>
        %dma_start3A_398 = tpu.memref_squeeze %dma_start3A_397 : memref<1x128xi32, #tpu.memory_space<vmem>> -> memref<128xi32, #tpu.memory_space<vmem>>
        %dma_start3A_399 = arith.constant 0 : i32
        %dma_start3A_400 = arith.constant 0 : i32
        %dma_start3A_401 = tpu.memref_slice %arg2[%dma_start3A_399, %dma_start3A_400] : memref<10240x128xf32, #tpu.memory_space<hbm>> -> memref<10240x128xf32, #tpu.memory_space<hbm>>
        tpu.enqueue_indirect_dma source(%dma_start3A_401 : memref<10240x128xf32, #tpu.memory_space<hbm>>) target(%arg9 : memref<128x128xf32, #tpu.memory_space<vmem>>) offsets(%dma_start3A_398 : memref<128xi32, #tpu.memory_space<vmem>>) semaphore(%arg12 : memref<!tpu.dma_semaphore, #tpu.memory_space<semaphore_mem>>)
      } else {
      }
      %mul3A_371 = arith.constant 16 : i32
      %mul3A_372 = arith.muli %scan3A_58, %mul3A_371 : i32
      %add3A_373 = arith.constant 8 : i32
      %add3A_374 = arith.addi %mul3A_372, %add3A_373 : i32
      %add3A_375 = arith.constant 7 : i32
      %add3A_376 = arith.addi %add3A_374, %add3A_375 : i32
      %dma_wait3A_377 = arith.constant 0 : i32
      %dma_wait3A_378 = tpu.memref_slice %arg6[%add3A_376, %dma_wait3A_377] : memref<80x128xi32, #tpu.memory_space<vmem>> -> memref<1x128xi32, #tpu.memory_space<vmem>>
      %dma_wait3A_379 = tpu.memref_squeeze %dma_wait3A_378 : memref<1x128xi32, #tpu.memory_space<vmem>> -> memref<128xi32, #tpu.memory_space<vmem>>
      %dma_wait3A_380 = arith.constant 0 : i32
      %dma_wait3A_381 = arith.constant 0 : i32
      %dma_wait3A_382 = tpu.memref_slice %arg2[%dma_wait3A_380, %dma_wait3A_381] : memref<10240x128xf32, #tpu.memory_space<hbm>> -> memref<10240x128xf32, #tpu.memory_space<hbm>>
      tpu.wait_indirect_dma semaphore(%arg13 : memref<!tpu.dma_semaphore, #tpu.memory_space<semaphore_mem>>) src(%dma_wait3A_382 : memref<10240x128xf32, #tpu.memory_space<hbm>>) dst(%arg10 : memref<128x128xf32, #tpu.memory_space<vmem>>)
      %run_scoped3A_383 = arith.constant 7 : i32
      "tpu.region"() ({
        %run_scoped3A_396 = tpu.sem_alloc : memref<!tpu.dma_semaphore, #tpu.memory_space<semaphore_mem>>
        %dma_start3A_397 = arith.constant 0 : i32
        %dma_start3A_398 = tpu.memref_slice %arg8[%run_scoped3A_383, %dma_start3A_397] : memref<8x128xi32, #tpu.memory_space<vmem>> -> memref<1x128xi32, #tpu.memory_space<vmem>>
        %dma_start3A_399 = tpu.memref_squeeze %dma_start3A_398 : memref<1x128xi32, #tpu.memory_space<vmem>> -> memref<128xi32, #tpu.memory_space<vmem>>
        %dma_start3A_400 = arith.constant 0 : i32
        %dma_start3A_401 = arith.constant 0 : i32
        %dma_start3A_402 = tpu.memref_slice %arg11[%dma_start3A_400, %dma_start3A_401] : memref<10240x128xf32, #tpu.memory_space<vmem_shared>> -> memref<10240x128xf32, #tpu.memory_space<vmem_shared>>
        tpu.enqueue_indirect_dma source(%arg10 : memref<128x128xf32, #tpu.memory_space<vmem>>) target(%dma_start3A_402 : memref<10240x128xf32, #tpu.memory_space<vmem_shared>>) offsets(%dma_start3A_399 : memref<128xi32, #tpu.memory_space<vmem>>) semaphore(%run_scoped3A_396 : memref<!tpu.dma_semaphore, #tpu.memory_space<semaphore_mem>>) {add = true}
        %dma_wait3A_403 = arith.constant 0 : i32
        %dma_wait3A_404 = tpu.memref_slice %arg8[%run_scoped3A_383, %dma_wait3A_403] : memref<8x128xi32, #tpu.memory_space<vmem>> -> memref<1x128xi32, #tpu.memory_space<vmem>>
        %dma_wait3A_405 = tpu.memref_squeeze %dma_wait3A_404 : memref<1x128xi32, #tpu.memory_space<vmem>> -> memref<128xi32, #tpu.memory_space<vmem>>
        %dma_wait3A_406 = arith.constant 0 : i32
        %dma_wait3A_407 = arith.constant 0 : i32
        %dma_wait3A_408 = tpu.memref_slice %arg11[%dma_wait3A_406, %dma_wait3A_407] : memref<10240x128xf32, #tpu.memory_space<vmem_shared>> -> memref<10240x128xf32, #tpu.memory_space<vmem_shared>>
        tpu.wait_indirect_dma semaphore(%run_scoped3A_396 : memref<!tpu.dma_semaphore, #tpu.memory_space<semaphore_mem>>) src(%arg10 : memref<128x128xf32, #tpu.memory_space<vmem>>) dst(%dma_wait3A_408 : memref<10240x128xf32, #tpu.memory_space<vmem_shared>>)
        tpu.yield
      }) : () -> ()
      %add3A_384 = arith.constant 2 : i32
      %add3A_385 = arith.addi %add3A_376, %add3A_384 : i32
      %lt3A_386 = arith.constant 80 : i32
      %lt3A_387 = arith.cmpi slt, %add3A_385, %lt3A_386 : i32
      %convert_element_type3A_388 = arith.extui %lt3A_387 : i1 to i32
      %cond3A_389 = arith.constant 0 : i32
      %cond3A_390 = arith.cmpi ne, %convert_element_type3A_388, %cond3A_389 : i32
      scf.if %cond3A_390 {
        %dma_start3A_396 = arith.constant 0 : i32
        %dma_start3A_397 = tpu.memref_slice %arg6[%add3A_385, %dma_start3A_396] : memref<80x128xi32, #tpu.memory_space<vmem>> -> memref<1x128xi32, #tpu.memory_space<vmem>>
        %dma_start3A_398 = tpu.memref_squeeze %dma_start3A_397 : memref<1x128xi32, #tpu.memory_space<vmem>> -> memref<128xi32, #tpu.memory_space<vmem>>
        %dma_start3A_399 = arith.constant 0 : i32
        %dma_start3A_400 = arith.constant 0 : i32
        %dma_start3A_401 = tpu.memref_slice %arg2[%dma_start3A_399, %dma_start3A_400] : memref<10240x128xf32, #tpu.memory_space<hbm>> -> memref<10240x128xf32, #tpu.memory_space<hbm>>
        tpu.enqueue_indirect_dma source(%dma_start3A_401 : memref<10240x128xf32, #tpu.memory_space<hbm>>) target(%arg10 : memref<128x128xf32, #tpu.memory_space<vmem>>) offsets(%dma_start3A_398 : memref<128xi32, #tpu.memory_space<vmem>>) semaphore(%arg13 : memref<!tpu.dma_semaphore, #tpu.memory_space<semaphore_mem>>)
      } else {
      }
      %lt3A_391 = arith.constant 4 : i32
      %lt3A_392 = arith.cmpi slt, %scan3A_58, %lt3A_391 : i32
      %convert_element_type3A_393 = arith.extui %lt3A_392 : i1 to i32
      %cond3A_394 = arith.constant 0 : i32
      %cond3A_395 = arith.cmpi ne, %convert_element_type3A_393, %cond3A_394 : i32
      scf.if %cond3A_395 {
        %mul3A_396 = arith.constant 2 : i32
        %mul3A_397 = arith.muli %mul3A_396, %scan3A_58 : i32
        %add3A_398 = arith.constant 3 : i32
        %add3A_399 = arith.addi %mul3A_397, %add3A_398 : i32
        %mul3A_400 = arith.constant 8 : i32
        %mul3A_401 = arith.muli %add3A_399, %mul3A_400 : i32
        %dma_start3A_402 = arith.constant 0 : i32
        %dma_start3A_403 = tpu.memref_slice %arg4[%add3A, %mul3A_401, %dma_start3A_402] : memref<32x80x128xi32, #tpu.memory_space<hbm>> -> memref<1x8x128xi32, #tpu.memory_space<hbm>>
        %dma_start3A_404 = tpu.memref_squeeze %dma_start3A_403 : memref<1x8x128xi32, #tpu.memory_space<hbm>> -> memref<8x128xi32, #tpu.memory_space<hbm>>
        %dma_start3A_405 = arith.constant 0 : i32
        %dma_start3A_406 = tpu.memref_slice %arg4[%add3A, %mul3A_401, %dma_start3A_405] : memref<32x80x128xi32, #tpu.memory_space<hbm>> -> memref<1x8x128xi32, #tpu.memory_space<hbm>>
        %dma_start3A_407 = tpu.memref_squeeze %dma_start3A_406 : memref<1x8x128xi32, #tpu.memory_space<hbm>> -> memref<8x128xi32, #tpu.memory_space<hbm>>
        tpu.enqueue_dma source(%dma_start3A_407 : memref<8x128xi32, #tpu.memory_space<hbm>>) target(%arg8 : memref<8x128xi32, #tpu.memory_space<vmem>>) target_semaphore(%arg14 : memref<!tpu.dma_semaphore, #tpu.memory_space<semaphore_mem>>)
      } else {
      }
    }
    %scan3A_52 = arith.constant 5 : i32
    %barrier3A_53 = arith.constant 0 : index
    tpu.barrier barrier_id(%barrier3A_53)
    %mul3A_54 = arith.constant 640 : i32
    %mul3A_55 = arith.muli %arg1, %mul3A_54 : i32
    %mul3A_56 = arith.constant 640 : i32
    %mul3A_57 = arith.muli %arg1, %mul3A_56 : i32
    "tpu.region"() ({
      %run_scoped3A = tpu.sem_alloc : memref<!tpu.dma_semaphore, #tpu.memory_space<semaphore_mem>>
      %dma_start3A_58 = arith.constant 0 : i32
      %dma_start3A_59 = tpu.memref_slice %arg5[%arg0, %mul3A_57, %dma_start3A_58] : memref<2x10240x128xf32, #tpu.memory_space<hbm>> -> memref<1x640x128xf32, #tpu.memory_space<hbm>>
      %dma_start3A_60 = tpu.memref_squeeze %dma_start3A_59 : memref<1x640x128xf32, #tpu.memory_space<hbm>> -> memref<640x128xf32, #tpu.memory_space<hbm>>
      %dma_start3A_61 = arith.constant 0 : i32
      %dma_start3A_62 = tpu.memref_slice %arg11[%mul3A_55, %dma_start3A_61] : memref<10240x128xf32, #tpu.memory_space<vmem_shared>> -> memref<640x128xf32, #tpu.memory_space<vmem_shared>>
      tpu.enqueue_dma source(%dma_start3A_62 : memref<640x128xf32, #tpu.memory_space<vmem_shared>>) target(%dma_start3A_60 : memref<640x128xf32, #tpu.memory_space<hbm>>) target_semaphore(%run_scoped3A : memref<!tpu.dma_semaphore, #tpu.memory_space<semaphore_mem>>)
      %dma_wait3A = arith.constant 0 : i32
      %dma_wait3A_63 = tpu.memref_slice %arg5[%arg0, %mul3A_57, %dma_wait3A] : memref<2x10240x128xf32, #tpu.memory_space<hbm>> -> memref<1x640x128xf32, #tpu.memory_space<hbm>>
      %dma_wait3A_64 = tpu.memref_squeeze %dma_wait3A_63 : memref<1x640x128xf32, #tpu.memory_space<hbm>> -> memref<640x128xf32, #tpu.memory_space<hbm>>
      %dma_wait3A_65 = arith.constant 0 : i32
      %dma_wait3A_66 = tpu.memref_slice %arg11[%mul3A_55, %dma_wait3A_65] : memref<10240x128xf32, #tpu.memory_space<vmem_shared>> -> memref<640x128xf32, #tpu.memory_space<vmem_shared>>
      tpu.wait_dma2 semaphore(%run_scoped3A : memref<!tpu.dma_semaphore, #tpu.memory_space<semaphore_mem>>) src(%dma_wait3A_66 : memref<640x128xf32, #tpu.memory_space<vmem_shared>>) dst(%dma_wait3A_64 : memref<640x128xf32, #tpu.memory_space<hbm>>)
      tpu.yield
    }) : () -> ()
    return
  }
}

module attributes {stable_mosaic.version = 14 : i64} {
  func.func @body(%arg0: i32, %arg1: memref<2x1280x128xf32, #tpu.memory_space<vmem>>, %arg2: memref<128x128xf32, #tpu.memory_space<vmem>>, %arg3: memref<1x128xf32, #tpu.memory_space<vmem>>, %arg4: memref<1280x128xf32, #tpu.memory_space<vmem>>) attributes {dimension_semantics = [#tpu.dimension_semantics<arbitrary>], iteration_bounds = array<i64: 8>, scalar_prefetch = 0 : i64, scratch_operands = 0 : i64, tpu.core_type = #tpu.core_type<tc>, window_params = [{transform_indices = @transform_0, window_bounds = array<i64: 2, 1280, 128>}, {pipeline_mode = #tpu.pipeline_mode<synchronous>, transform_indices = @transform_1, window_bounds = array<i64: 128, 128>}, {pipeline_mode = #tpu.pipeline_mode<synchronous>, transform_indices = @transform_2, window_bounds = array<i64: 1, 128>}, {transform_indices = @transform_3, window_bounds = array<i64: 1280, 128>}]} {
    %get3A = arith.constant 0 : index
    %get3A_0 = arith.constant 0 : index
    %get3A_1 = arith.constant 0 : index
    %get3A_2 = vector.load %arg1[%get3A, %get3A_0, %get3A_1] : memref<2x1280x128xf32, #tpu.memory_space<vmem>>, vector<1x1280x128xf32>
    %get3A_3 = vector.shape_cast %get3A_2 : vector<1x1280x128xf32> to vector<1280x128xf32>
    %get3A_4 = arith.constant 1 : index
    %get3A_5 = arith.constant 0 : index
    %get3A_6 = arith.constant 0 : index
    %get3A_7 = vector.load %arg1[%get3A_4, %get3A_5, %get3A_6] : memref<2x1280x128xf32, #tpu.memory_space<vmem>>, vector<1x1280x128xf32>
    %get3A_8 = vector.shape_cast %get3A_7 : vector<1x1280x128xf32> to vector<1280x128xf32>
    %add3A = arith.addf %get3A_3, %get3A_8 : vector<1280x128xf32>
    %get3A_9 = arith.constant 0 : index
    %get3A_10 = arith.constant 0 : index
    %get3A_11 = vector.load %arg2[%get3A_9, %get3A_10] : memref<128x128xf32, #tpu.memory_space<vmem>>, vector<128x128xf32>
    %dot_general3A = arith.constant dense<0.000000e+00> : vector<1280x128xf32>
    %dot_general3A_12 = tpu.matmul %add3A, %get3A_11, %dot_general3A {dimension_numbers = #tpu.dot_dimension_numbers<[1], [0], [0], [1], [0, 0, 1, 1], [], []>, transpose_lhs_hint = false} : vector<1280x128xf32>, vector<128x128xf32>, vector<1280x128xf32> -> vector<1280x128xf32>
    %get3A_13 = arith.constant 0 : index
    %get3A_14 = arith.constant 0 : index
    %get3A_15 = vector.load %arg3[%get3A_13, %get3A_14] : memref<1x128xf32, #tpu.memory_space<vmem>>, vector<1x128xf32>
    %add3A_16 = vector.broadcast %get3A_15 : vector<1x128xf32> to vector<1280x128xf32>
    %add3A_17 = arith.addf %dot_general3A_12, %add3A_16 : vector<1280x128xf32>
    %max3A = arith.constant 0.000000e+00 : f32
    %max3A_18 = vector.broadcast %max3A : f32 to vector<1280x128xf32>
    %max3A_19 = arith.maximumf %add3A_17, %max3A_18 : vector<1280x128xf32>
    %swap3A = arith.constant 0 : index
    %swap3A_20 = arith.constant 0 : index
    %swap3A_21 = vector.load %arg4[%swap3A, %swap3A_20] : memref<1280x128xf32, #tpu.memory_space<vmem>>, vector<1280x128xf32>
    tpu.vector_store %arg4[%swap3A, %swap3A_20], %max3A_19 {strides = array<i32>} : memref<1280x128xf32, #tpu.memory_space<vmem>>, vector<1280x128xf32>,
    return
  }
  func.func @transform_0(%arg0: i32) -> (i32, i32, i32) {
    %c0_i32 = arith.constant 0 : i32
    %c0_i32_0 = arith.constant 0 : i32
    %c0_i32_1 = arith.constant 0 : i32
    return %c0_i32, %arg0, %c0_i32_0 : i32, i32, i32
  }
  func.func @transform_1(%arg0: i32) -> (i32, i32) {
    %c0_i32 = arith.constant 0 : i32
    %c0_i32_0 = arith.constant 0 : i32
    %c0_i32_1 = arith.constant 0 : i32
    return %c0_i32, %c0_i32_0 : i32, i32
  }
  func.func @transform_2(%arg0: i32) -> (i32, i32) {
    %c0_i32 = arith.constant 0 : i32
    %c0_i32_0 = arith.constant 0 : i32
    %c0_i32_1 = arith.constant 0 : i32
    return %c0_i32, %c0_i32_0 : i32, i32
  }
  func.func @transform_3(%arg0: i32) -> (i32, i32) {
    %c0_i32 = arith.constant 0 : i32
    %c0_i32_0 = arith.constant 0 : i32
    return %arg0, %c0_i32 : i32, i32
  }
}

module attributes {stable_mosaic.version = 14 : i64} {
  func.func @body(%arg0: i32, %arg1: memref<2x1280x128xf32, #tpu.memory_space<vmem>>, %arg2: memref<128x128xf32, #tpu.memory_space<vmem>>, %arg3: memref<1x128xf32, #tpu.memory_space<vmem>>, %arg4: memref<128x128xf32, #tpu.memory_space<vmem>>, %arg5: memref<1x128xf32, #tpu.memory_space<vmem>>, %arg6: memref<1280x128xf32, #tpu.memory_space<vmem>>) attributes {dimension_semantics = [#tpu.dimension_semantics<arbitrary>], iteration_bounds = array<i64: 8>, scalar_prefetch = 0 : i64, scratch_operands = 0 : i64, tpu.core_type = #tpu.core_type<tc>, window_params = [{transform_indices = @transform_0, window_bounds = array<i64: 2, 1280, 128>}, {pipeline_mode = #tpu.pipeline_mode<synchronous>, transform_indices = @transform_1, window_bounds = array<i64: 128, 128>}, {pipeline_mode = #tpu.pipeline_mode<synchronous>, transform_indices = @transform_2, window_bounds = array<i64: 1, 128>}, {pipeline_mode = #tpu.pipeline_mode<synchronous>, transform_indices = @transform_3, window_bounds = array<i64: 128, 128>}, {pipeline_mode = #tpu.pipeline_mode<synchronous>, transform_indices = @transform_4, window_bounds = array<i64: 1, 128>}, {transform_indices = @transform_5, window_bounds = array<i64: 1280, 128>}]} {
    %get3A = arith.constant 0 : index
    %get3A_0 = arith.constant 0 : index
    %get3A_1 = arith.constant 0 : index
    %get3A_2 = vector.load %arg1[%get3A, %get3A_0, %get3A_1] : memref<2x1280x128xf32, #tpu.memory_space<vmem>>, vector<1x1280x128xf32>
    %get3A_3 = vector.shape_cast %get3A_2 : vector<1x1280x128xf32> to vector<1280x128xf32>
    %get3A_4 = arith.constant 1 : index
    %get3A_5 = arith.constant 0 : index
    %get3A_6 = arith.constant 0 : index
    %get3A_7 = vector.load %arg1[%get3A_4, %get3A_5, %get3A_6] : memref<2x1280x128xf32, #tpu.memory_space<vmem>>, vector<1x1280x128xf32>
    %get3A_8 = vector.shape_cast %get3A_7 : vector<1x1280x128xf32> to vector<1280x128xf32>
    %add3A = arith.addf %get3A_3, %get3A_8 : vector<1280x128xf32>
    %get3A_9 = arith.constant 0 : index
    %get3A_10 = arith.constant 0 : index
    %get3A_11 = vector.load %arg2[%get3A_9, %get3A_10] : memref<128x128xf32, #tpu.memory_space<vmem>>, vector<128x128xf32>
    %dot_general3A = arith.constant dense<0.000000e+00> : vector<1280x128xf32>
    %dot_general3A_12 = tpu.matmul %add3A, %get3A_11, %dot_general3A {dimension_numbers = #tpu.dot_dimension_numbers<[1], [0], [0], [1], [0, 0, 1, 1], [], []>, transpose_lhs_hint = false} : vector<1280x128xf32>, vector<128x128xf32>, vector<1280x128xf32> -> vector<1280x128xf32>
    %get3A_13 = arith.constant 0 : index
    %get3A_14 = arith.constant 0 : index
    %get3A_15 = vector.load %arg3[%get3A_13, %get3A_14] : memref<1x128xf32, #tpu.memory_space<vmem>>, vector<1x128xf32>
    %add3A_16 = vector.broadcast %get3A_15 : vector<1x128xf32> to vector<1280x128xf32>
    %add3A_17 = arith.addf %dot_general3A_12, %add3A_16 : vector<1280x128xf32>
    %max3A = arith.constant 0.000000e+00 : f32
    %max3A_18 = vector.broadcast %max3A : f32 to vector<1280x128xf32>
    %max3A_19 = arith.maximumf %add3A_17, %max3A_18 : vector<1280x128xf32>
    %get3A_20 = arith.constant 0 : index
    %get3A_21 = arith.constant 0 : index
    %get3A_22 = vector.load %arg4[%get3A_20, %get3A_21] : memref<128x128xf32, #tpu.memory_space<vmem>>, vector<128x128xf32>
    %dot_general3A_23 = arith.constant dense<0.000000e+00> : vector<1280x128xf32>
    %dot_general3A_24 = tpu.matmul %max3A_19, %get3A_22, %dot_general3A_23 {dimension_numbers = #tpu.dot_dimension_numbers<[1], [0], [0], [1], [0, 0, 1, 1], [], []>, transpose_lhs_hint = false} : vector<1280x128xf32>, vector<128x128xf32>, vector<1280x128xf32> -> vector<1280x128xf32>
    %get3A_25 = arith.constant 0 : index
    %get3A_26 = arith.constant 0 : index
    %get3A_27 = vector.load %arg5[%get3A_25, %get3A_26] : memref<1x128xf32, #tpu.memory_space<vmem>>, vector<1x128xf32>
    %add3A_28 = vector.broadcast %get3A_27 : vector<1x128xf32> to vector<1280x128xf32>
    %add3A_29 = arith.addf %dot_general3A_24, %add3A_28 : vector<1280x128xf32>
    %swap3A = arith.constant 0 : index
    %swap3A_30 = arith.constant 0 : index
    %swap3A_31 = vector.load %arg6[%swap3A, %swap3A_30] : memref<1280x128xf32, #tpu.memory_space<vmem>>, vector<1280x128xf32>
    tpu.vector_store %arg6[%swap3A, %swap3A_30], %add3A_29 {strides = array<i32>} : memref<1280x128xf32, #tpu.memory_space<vmem>>, vector<1280x128xf32>,
    return
  }
  func.func @transform_0(%arg0: i32) -> (i32, i32, i32) {
    %c0_i32 = arith.constant 0 : i32
    %c0_i32_0 = arith.constant 0 : i32
    %c0_i32_1 = arith.constant 0 : i32
    return %c0_i32, %arg0, %c0_i32_0 : i32, i32, i32
  }
  func.func @transform_1(%arg0: i32) -> (i32, i32) {
    %c0_i32 = arith.constant 0 : i32
    %c0_i32_0 = arith.constant 0 : i32
    %c0_i32_1 = arith.constant 0 : i32
    return %c0_i32, %c0_i32_0 : i32, i32
  }
  func.func @transform_2(%arg0: i32) -> (i32, i32) {
    %c0_i32 = arith.constant 0 : i32
    %c0_i32_0 = arith.constant 0 : i32
    %c0_i32_1 = arith.constant 0 : i32
    return %c0_i32, %c0_i32_0 : i32, i32
  }
  func.func @transform_3(%arg0: i32) -> (i32, i32) {
    %c0_i32 = arith.constant 0 : i32
    %c0_i32_0 = arith.constant 0 : i32
    %c0_i32_1 = arith.constant 0 : i32
    return %c0_i32, %c0_i32_0 : i32, i32
  }
  func.func @transform_4(%arg0: i32) -> (i32, i32) {
    %c0_i32 = arith.constant 0 : i32
    %c0_i32_0 = arith.constant 0 : i32
    %c0_i32_1 = arith.constant 0 : i32
    return %c0_i32, %c0_i32_0 : i32, i32
  }
  func.func @transform_5(%arg0: i32) -> (i32, i32) {
    %c0_i32 = arith.constant 0 : i32
    %c0_i32_0 = arith.constant 0 : i32
    return %arg0, %c0_i32 : i32, i32
  }
}

</mosaic_0001>

<sc_bundles>
// kernel: kernel.6.cloned.1.call-start
scs
__scs_entry_jumppad:
0x0: {  	(pc) =	sbr.rel $0x88, $3  }
0x1: {  	(tag) =	ssettag $0x0;
	lr =	simm.s32 $0x1  }
0x2: {  	[smem:$0x3F97] =	sst lr;
	_ =	strace $0xD0000000  }
0x3: {  	_ = 	snop  }
0x4: {  	_ = 	snop  }
0x5: {  	_ = 	snop  }
0x6: {  	_ = 	snop  }
0x7: {  	_ = 	snop  }
__scs_overlays_trampoline_lowered:
0x8: {  	[smem:$0x3FA6] =	sst s0  }
0x9: {  	[smem:$0x3FA7] =	sst s1  }
0xa: {  	[smem:$0x3FA8] =	sst s2  }
0xb: {  	[smem:$0x3FA9] =	sst s3  }
0xc: {  	[smem:$0x3FAA] =	sst s4  }
0xd: {  	[smem:$0x3FAB] =	sst s5  }
0xe: {  	[smem:$0x3FAC] =	sst s6  }
0xf: {  	[smem:$0x3FAD] =	sst s7  }
0x10: {  	[smem:$0x3FAE] =	sst s8  }
0x11: {  	[smem:$0x3FAF] =	sst s9;
	s0 =	simm.s32 @!p0 $0x0  }
0x12: {  	s1 =	sld [smem:$0x3F95];
	s0 =	simm.s32 @p0 $0x1  }
0x13: {  	[smem:$0x3FB0] =	sst s0;
	s0 =	simm.s32 @!p1 $0x0  }
0x14: {  	s2 =	sld [smem:$0x3F94];
	s0 =	simm.s32 @p1 $0x1  }
0x15: {  	[smem:$0x3FB1] =	sst s0;
	s0 =	simm.s32 @!p2 $0x0  }
0x16: {  	s3 =	sld [smem:$0x3FDB];
	s0 =	simm.s32 @p2 $0x1  }
0x17: {  	s4 =	simm.s32 $0x1BF5;
	[smem:$0x3FB3] =	sst s0  }
0x18: {  	s0 =	sld [smem:$0x3F96];
	_ =	swait.ge [sflag:s4], $0x0  }
0x19: {  	s7 =	sld [smem:$0x3F97]  }
0x1a: {  	s8 =	sadd.s32 $0xFFFFE003, lr  }
0x1b: {  	s9 =	sadd.s32 $0xFFFFFEF7, lr;
	s5 =	simm.s32 $0xFFFFFFFF;
	p2 =	slt.u32 s8, $0xFFFFF086  }
0x1c: {  	p1 =	slt.u32 s9, $0xF7A;
	s5 =	simm.s32 @!p2 $0x0  }
0x1d: {  	s5 =	simm.s32 @p1 $0x1;
	p0 =	seq.s32 s7, s2  }
0x1e: {  	s7 =	smul.u32 @!p0 $0xF7A, s2;
	p2 =	seq.s32 @!p0 s5, $0x0  }
0x1f: {  	s9 =	smul.u32 $0xF7A, s1;
	s8 =	simm.s32 @!p0 $0x1BF5;
	p2 =	por !p2, p0  }
0x20: {  	[sflag:s8] =	ssyncset.s32 @!p0 $0xFFFFF086;
	s6 =	sadd.s32 @!p0 s3, s7;
	s7 =	simm.s32 @!p0 $0x108  }
0x21: {  	s3 =	sadd.s32 s3, s9;
	s6 =	sadd.s32 @!p0 $0x88, s6;
	s7 =	simm.s32 @p2 $0x1082  }
0x22: {  	[simem:s7], [sflag:s8] =	dma.local @!p0 [hbm:s6], $0xF7A  }
0x23: {  	s9 =	sor.u32 $0xD0000000, s2;
	s6 =	simm.s32 $0x108;
	_ =	swait.ge @!p0 [sflag:s8], $0x0  }
0x24: {  	s3 =	sadd.s32 $0x88, s3;
	s6 =	simm.s32 @!p1 $0x1082;
	[sflag:s4] =	ssyncset.s32 $0xFFFFF086  }
0x25: {  	[simem:s6], [sflag:s4] =	dma.local [hbm:s3], $0xF7A  }
0x26: {  	[smem:$0x3F97] =	sst s1;
	(tag) =	ssettag s2;
	_ =	strace s9  }
0x27: {  	s1 =	sld [smem:$0x3FA7]  }
0x28: {  	s2 =	sld [smem:$0x3FA8]  }
0x29: {  	s4 =	sld [smem:$0x3FAA]  }
0x2a: {  	p0 =	seq.s32 s5, $0x0;
	s5 =	sld [smem:$0x3FAB]  }
0x2b: {  	s6 =	sld [smem:$0x3FAC]  }
0x2c: {  	s7 =	sld [smem:$0x3FAD]  }
0x2d: {  	s3 =	simm.s32 $0x108;
	s8 =	sld [smem:$0x3FAE]  }
0x2e: {  	s3 =	simm.s32 @!p0 $0x1082;
	s9 =	sld [smem:$0x3FAF]  }
0x2f: {  	lr =	sadd.s32 s0, s3;
	s0 =	sld [smem:$0x3FA6]  }
0x30: {  	s3 =	sld [smem:$0x3FA9]  }
0x31: {  	[smem:$0x3FB2] =	sst s10  }
0x32: {  	s10 =	sld [smem:$0x3FB0];
	_ =	sdelay $0x3  }
0x33: {  	p0 =	seq.s32 s10, $0x1;
	s10 =	sld [smem:$0x3FB2];
	_ =	sdelay $0x3  }
0x34: {  	[smem:$0x3FB2] =	sst s10  }
0x35: {  	s10 =	sld [smem:$0x3FB1];
	_ =	sdelay $0x3  }
0x36: {  	p1 =	seq.s32 s10, $0x1;
	s10 =	sld [smem:$0x3FB2];
	_ =	sdelay $0x3  }
0x37: {  	[smem:$0x3FB2] =	sst s10  }
0x38: {  	s10 =	sld [smem:$0x3FB3]  }
0x39: {  	_ = 	snop;
	(pc) =	sbr.ind lr, $3  }
0x3a: {  	_ = 	snop  }
0x3b: {  	_ = 	snop  }
0x3c: {  	p2 =	seq.s32 s10, $0x1;
	s10 =	sld [smem:$0x3FB2]  }
0x3d: {  	_ =	shalt  }
0x3e: {  	_ =	shalt  }
0x3f: {  	_ =	shalt  }
0x40: {  	_ =	shalt  }
0x41: {  	_ =	shalt  }
0x42: {  	_ =	shalt  }
0x43: {  	_ =	shalt  }
0x44: {  	_ =	shalt  }
0x45: {  	_ =	shalt  }
0x46: {  	_ =	shalt  }
0x47: {  	_ =	shalt  }
0x48: {  	_ =	shalt  }
0x49: {  	_ =	shalt  }
0x4a: {  	_ =	shalt  }
0x4b: {  	_ =	shalt  }
0x4c: {  	_ =	shalt  }
0x4d: {  	_ =	shalt  }
0x4e: {  	_ =	shalt  }
0x4f: {  	_ =	shalt  }
0x50: {  	_ =	shalt  }
0x51: {  	_ =	shalt  }
0x52: {  	_ =	shalt  }
0x53: {  	_ =	shalt  }
0x54: {  	_ =	shalt  }
0x55: {  	_ =	shalt  }
0x56: {  	_ =	shalt  }
0x57: {  	_ =	shalt  }
0x58: {  	_ =	shalt  }
0x59: {  	_ =	shalt  }
0x5a: {  	_ =	shalt  }
0x5b: {  	_ =	shalt  }
0x5c: {  	_ =	shalt  }
0x5d: {  	_ =	shalt  }
0x5e: {  	_ =	shalt  }
0x5f: {  	_ =	shalt  }
0x60: {  	_ =	shalt  }
0x61: {  	_ =	shalt  }
0x62: {  	_ =	shalt  }
0x63: {  	_ =	shalt  }
0x64: {  	_ =	shalt  }
0x65: {  	_ =	shalt  }
0x66: {  	_ =	shalt  }
0x67: {  	_ =	shalt  }
0x68: {  	_ =	shalt  }
0x69: {  	_ =	shalt  }
0x6a: {  	_ =	shalt  }
0x6b: {  	_ =	shalt  }
0x6c: {  	_ =	shalt  }
0x6d: {  	_ =	shalt  }
0x6e: {  	_ =	shalt  }
0x6f: {  	_ =	shalt  }
0x70: {  	_ =	shalt  }
0x71: {  	_ =	shalt  }
0x72: {  	_ =	shalt  }
0x73: {  	_ =	shalt  }
0x74: {  	_ =	shalt  }
0x75: {  	_ =	shalt  }
0x76: {  	_ =	shalt  }
0x77: {  	_ =	shalt  }
0x78: {  	_ =	shalt  }
0x79: {  	_ =	shalt  }
0x7a: {  	_ =	shalt  }
0x7b: {  	_ =	shalt  }
0x7c: {  	_ =	shalt  }
0x7d: {  	_ =	shalt  }
0x7e: {  	_ =	shalt  }
0x7f: {  	_ =	shalt  }
0x80: {  	_ =	shalt  }
0x81: {  	_ =	shalt  }
0x82: {  	_ =	shalt  }
0x83: {  	_ =	shalt  }
0x84: {  	_ =	shalt  }
0x85: {  	_ =	shalt  }
0x86: {  	_ =	shalt  }
0x87: {  	_ =	shalt  }
.Lfunc_end0:
.L_simem_size_0:
called_computation_lowered:
.L_overlay_start_0:
0x88: {  	s2 =	sld [smem:$0x3FD9]  }
0x89: {  	s3 =	sld [smem:$0x3FFE];
	_ =	sdelay $0x1  }
0x8a: {  	s1 =	srdreg.scid  }
0x8b: {  	s0 =	sand.u32 $0x1, s1  }
0x8c: {  	s17 =	sshll.u32 s0, $0xA;
	s2 =	sadd.s32 s3, s2  }
0x8d: {  	s2 =	sadd.s32 s2, s17  }
0x8e: {  	[smem:$0x3FBE] =	sst s2  }
0x8f: {  	_ = 	snop  }
0x90: {  	s2 =	sld [smem:$0x3FC9];
	(tm) =	ssettm $0x1  }
0x91: {  	s18 =	sld [smem:$0x3FFB];
	_ =	sdelay $0x3  }
0x92: {  	_ =	strace s18  }
0x93: {  	s3 =	sld [smem:$0x3FFC];
	_ =	sdelay $0x3  }
0x94: {  	_ =	strace s3  }
0x95: {  	s3 =	sld [smem:$0x3FFD];
	_ =	sdelay $0x3  }
0x96: {  	_ =	strace s3  }
0x97: {  	_ =	strace $0x8FFFFFFF  }
0x98: {  	s19 =	sld [smem:$0x3FDB];
	_ =	sdelay $0x1  }
0x99: {  	s4 =	simm.s32 $_scs_section_size  }
0x9a: {  	s5 =	simm.s32 $_size__tile_overlayer_lowered;
	s6 =	simm.s32 $_tile_overlayer_lowered  }
0x9b: {  	s22 =	simm.s32 $0x1BFF;
	s21 =	sshll.u32 s6, $0x1;
	s3 =	sadd.s32 s4, s19  }
0x9c: {  	s7 =	simm.s32 $0x0;
	s20 =	sshll.u32 s5, $0x1;
	s5 =	sadd.s32 s21, s3  }
0x9d: {  	[timem:s7], [sflag:s22] =	dma.local [hbm:s5], s20  }
0x9e: {  	_ =	swait.ge [sflag:s22], s20  }
0x9f: {  	s4 =	ssub.s32 $0x0, s20;
	[sflag:s22] =	ssyncset.done $0x0  }
0xa0: {  	[sflag:s22] =	ssyncadd.s32 s4;
	_ =	sdelay $0x1  }
0xa1: {  	s23 =	simm.s32 $0x1B8B  }
0xa2: {  	_ =	swait.ge [sflag:s23], $0x1  }
0xa3: {  	[sflag:s23] =	ssyncset.done $0x0  }
0xa4: {  	s25 =	simm.s32 $0x1B8E;
	s24 =	sld [smem:$0x3FFE];
	[sflag:s23] =	ssyncadd.s32 $0xFFFFFFFF  }
0xa5: {  	s26 =	simm.s32 $execute0_lowered;
	[smem:$0x3FD2] =	sst s25  }
0xa6: {  	s5 =	sshll.u32 s26, $0x1;
	_ =	strace $0x80000046;
	[dreg:$0x1] =	wrdreg $0xFFFFFFFF  }
0xa7: {  	s28 =	simm.s32 $_size_execute0_lowered;
	s3 =	sadd.s32 s3, s5;
	[dreg:$0x0] =	wrdreg $0x0  }
0xa8: {  	s5 =	sshll.u32 s28, $0x1;
	[dreg:$0x2] =	wrdreg s3  }
0xa9: {  	[dreg:$0x3] =	wrdreg s5  }
0xaa: {  	[dreg:$0x4] =	wrdreg $0xC0  }
0xab: {  	_ =	task [dreg:s7], $0x5FFFF  }
0xac: {  	[dreg:$0x1] =	wrdreg $0xFFFFFFFF  }
0xad: {  	[dreg:$0x0] =	wrdreg $0x60  }
0xae: {  	[dreg:$0x2] =	wrdreg s2  }
0xaf: {  	[dreg:$0x3] =	wrdreg s24  }
0xb0: {  	[dreg:$0x4] =	wrdreg $0xB0000  }
0xb1: {  	[dreg:$0x5] =	wrdreg $0x9  }
0xb2: {  	_ =	task.clear_ibuf [dreg:s7], $0x6FFFF;
	_ =	strace $0x90000046  }
0xb3: {  	s29 =	simm.s32 $0x9;
	_ =	strace $0x80000048  }
0xb4: {  	_ =	swait.ge [sflag:s29], $0x1  }
0xb5: {  	[sflag:s29] =	ssyncadd.s32 $0xFFFFFFFF  }
0xb6: {  	_ =	strace $0x90000048  }
0xb7: {  	_ =	sfence  }
0xb8: {  	s30 =	sld [smem:$0x0];
	_ =	sdelay $0x2  }
0xb9: {  	s31 =	sshll.u32 s1, $0xD;
	s1 =	sshrl.u32 s1, $0x2  }
0xba: {  	s3 =	sand.u32 $0x4000, s31;
	s1 =	sadd.s32 s1, s30  }
0xbb: {  	s0 =	sor.u32 s3, s0;
	s1 =	sshll.u32 s1, $0x11  }
0xbc: {  	s0 =	sor.u32 s1, s0  }
0xbd: {  	s0 =	sadd.s32 $0x8F2B, s0  }
0xbe: {  	[sflag:s0] =	ssyncadd.remote.s32 $0x1  }
0xbf: {  	_ =	sfence.sel $0xFFFF  }
0xc0: {  	[dreg:$0x0] =	wrdreg $0xFFFFFFFF;
	(pc) =	sbr.abs _section_cstart, $3  }
0xc1: {  	[dreg:$0x1] =	wrdreg $0xFFFFFFFF  }
0xc2: {  	_ =	task.clear_ibuf [dreg:s7], $0x2FFFF;
	_ =	strace $0x9FFFFFFF  }
0xc3: {  	(tm) =	ssettm $0x7FFFFFFF  }
tec
execute0_lowered:
.L_overlay_start_1:
0x0: {  	(tag) =	ssettag $0x1  }
0x1: {  	s2 =	rddreg [dreg:$0x0]  }
0x2: {  	s0 =	rddreg [dreg:$0x1];
	s1 =	srdreg.scid  }
0x3: {  	s3 =	rddreg [dreg:$0x2];
	s4 =	stileid.u32  }
0x4: {  	s8 =	simm.s32 $0x0;
	s30 =	simm.s32 $0x2A00;
	s7 =	smul.u32 $0x14000, s4  }
0x5: {  	s31 =	simm.s32 $0x2A80;
	s13 =	simm.s32 $0x2E80;
	s15 =	smul.u32 $0x50000, s4  }
0x6: {  	s29 =	simm.s32 $0x0;
	s1 =	sand.u32 $0x1, s1;
	s10 =	smul.u32 $0x5000, s4  }
0x7: {  	s5 =	sshll.u32 s4, $0x1;
	[smem:$0x7FF] =	sst s8;
	s6 =	smul.u32 $0x140000, s1  }
0x8: {  	s5 =	sor.u32 s1, s5;
	s16 =	ssub.s32 $0x2, s1;
	s1 =	smul.u32 $0x2800, s1  }
0x9: {  	_ =	strace $0x80000047;
	s5 =	smul.u32 $0x2800, s5;
	s8 =	sshrl.u32 s15, $0x2  }
0xa: {  	s11 =	sshrl.u32 s16, $0x1;
	s15 =	simm.s32 $0x2F80;
	s6 =	sadd.s32 s7, s6  }
0xb: {  	s26 =	sadd.s32 s8, s3;
	s1 =	sadd.s32 s1, s10;
	s7 =	simm.s32 $0x3  }
0xc: {  	s8 =	simm.s32 $0x2C80;
	s10 =	simm.s32 $0x2D80;
	s14 =	sshrl.u32 s5, $0x3  }
0xd: {  	s6 =	sshrl.u32 s6, $0x3;
	s5 =	sadd.s32 $0xA400, s0;
	s17 =	sadd.s32 $0x4000, s26  }
0xe: {  	s18 =	sadd.s32 $0x8000, s26;
	s19 =	sadd.s32 $0xC000, s26;
	[dreg:$0x4] =	wrdreg s26  }
0xf: {  	s20 =	sadd.s32 $0x10000, s26;
	s23 =	sadd.s32 $0xC00, s1;
	[dreg:$0x5] =	wrdreg s17  }
0x10: {  	s28 =	sadd.s32 $0x800, s1;
	s1 =	simm.s32 $0x2B80;
	[dreg:$0x6] =	wrdreg s18  }
0x11: {  	s9 =	sadd.s32 s14, s0;
	s0 =	sadd.s32 s6, s0;
	[dreg:$0x7] =	wrdreg s19  }
0x12: {  	s6 =	ssub.s32 s16, s11;
	[dreg:$0x8] =	wrdreg s20;
	s22 =	sadd.s32 s5, s14  }
0x13: {  	s24 =	sshrl.u32 s23, $0x3;
	[dreg:$0xf] =	wrdreg s28;
	s18 =	simm.s32 $0x3000  }
0x14: {  	s19 =	simm.s32 $0x4;
	s20 =	simm.s32 $0x2800;
	s23 =	simm.s32 $0x7000  }
0x15: {  	s11 =	simm.s32 $0x2E00;
	s21 =	sadd.s32 $0x400, s9;
	[dreg:$0xa] =	wrdreg s22  }
0x16: {  	s14 =	simm.s32 $0x2F00;
	s4 =	sadd.s32 $0x80, s22;
	[dreg:$0x9] =	wrdreg s21  }
.Ltmp0:
0x17: {  	s0 =	sadd.s32 $0x14400, s0;
	[dreg:$0xb] =	wrdreg s4;
	(pc) =	sbr.rel .LBB2_1-.Ltmp0, $4  }
0x18: {  	s25 =	smax.u32 s6, $0x1;
	s22 =	simm.s32 $0x80;
	[dreg:$0xc] =	wrdreg s0  }
0x19: {  	s9 =	simm.s32 $0x2D00;
	s6 =	simm.s32 $0x0;
	[dreg:$0xd] =	wrdreg s25  }
0x1a: {  	s0 =	sadd.s32 s24, s5;
	s21 =	simm.s32 $0x2C00;
	s24 =	simm.s32 $0x1  }
0x1b: {  	v0 =	vimm.f32 $0.0e+00;
	s25 =	simm.s32 $0x2;
	[dreg:$0xe] =	wrdreg s0;
	s0 =	simm.s32 $0x2B00  }
.LBB2_6:
0x1c: {  	_ =	swait.ge [sflag:s25], $0x4000  }
0x1d: {  	[sflag:s25] =	ssyncset.done $0x0  }
0x1e: {  	[sflag:s25] =	ssyncadd.s32 $0xFFFFC000  }
0x1f: {  	[spmem:s3] =	stream.indirect.scatter.add.f32 [tilespmem:s23], [sflag:$0x4], $0x80, s15, s22, $0xb8;
	[tilespmem:$0x1F000] =	vst v63  }
0x20: {  	_ =	swait.ge [sflag:s19], $0x4000  }
0x21: {  	[sflag:s19] =	ssyncset.done $0x0  }
0x22: {  	[sflag:s19] =	ssyncadd.s32 $0xFFFFC000  }
0x23: {  	s4 =	stileid.u32;
	[bflag:$0x0] =	sbarrier.arrive $0xFFFF  }
0x24: {  	s4 =	sshll.u32 s4, $0x6;
	s26 =	rddreg [dreg:$0x4]  }
0x25: {  	s4 =	sor.u32 $0x1C04, s4;
	s12 =	rddreg [dreg:$0xc];
	s6 =	sshrl.u32 s26, $0x3  }
0x26: {  	[hbm:s12], [sflag:s4] =	dma.local [spmem:s6], $0x2800  }
0x27: {  	_ =	swait.ge [sflag:s19], $0x2800  }
0x28: {  	s17 =	rddreg [dreg:$0x10]  }
0x29: {  	s28 =	rddreg [dreg:$0xd];
	s6 =	sadd.s32 $0x1, s17  }
0x2a: {  	p0 =	sne.s32 s6, s28  }
.Ltmp1:
0x2b: {  	_ = 	snop;
	(pc) =	sbr.rel @!p0 .LBB2_7-.Ltmp1, $3  }
0x2c: {  	_ =	sdelay $0x1  }
0x2d: {  	[sflag:s19] =	ssyncset.done $0x0  }
0x2e: {  	[sflag:s19] =	ssyncadd.s32 $0xFFFFD800  }
.LBB2_1:
0x2f: {  	s4 =	simm.s32 $0x0  }
0x30: {  	s28 =	sand.u32 $0xFE00, s4  }
0x31: {  	[dreg:$0x10] =	wrdreg s6;
	s12 =	sand.u32 $0x70, s4;
	s16 =	sshrl.u32 s28, $0x2  }
0x32: {  	s6 =	simm.s32 $0x40;
	s16 =	sor.u32 s12, s16;
	s12 =	simm.s32 $0x0  }
.LBB2_2:
0x33: {  	p0 =	sne.s32 s6, $0xFFC0  }
0x34: {  	[tilespmem:s16+$0x3000] =	vst v0;
	s12 =	sadd.s32 $0x10, s12;
	s16 =	smov.u32 s6;
	s6 =	sadd.s32 $0x40, s6  }
.Ltmp2:
0x35: {  	(pc) =	sbr.rel @p0 .LBB2_2-.Ltmp2, $4  }
0x36: {  	_ = 	snop  }
0x37: {  	s16 =	sand.u32 $0xFE00, s16  }
0x38: {  	s17 =	sand.u32 $0x70, s12;
	s16 =	sshrl.u32 s16, $0x2  }
0x39: {  	s16 =	sor.u32 s17, s16  }
0x3a: {  	[tilespmem:s16+$0x3000] =	vst v0  }
0x3b: {  	[spmem:s26] =	stream.linear.scatter [tilespmem:s18], [sflag:$0x4], $0x4000, $0x38;
	[tilespmem:$0x1F000] =	vst v63  }
0x3c: {  	_ =	swait.ge [sflag:s19], $0x4000  }
0x3d: {  	[sflag:s19] =	ssyncset.done $0x0  }
0x3e: {  	s4 =	rddreg [dreg:$0x5];
	[sflag:s19] =	ssyncadd.s32 $0xFFFFC000  }
0x3f: {  	[spmem:s4] =	stream.linear.scatter [tilespmem:s18], [sflag:$0x4], $0x4000, $0x38;
	[tilespmem:$0x1F000] =	vst v63  }
0x40: {  	_ =	swait.ge [sflag:s19], $0x4000  }
0x41: {  	[sflag:s19] =	ssyncset.done $0x0  }
0x42: {  	s6 =	rddreg [dreg:$0x6];
	[sflag:s19] =	ssyncadd.s32 $0xFFFFC000  }
0x43: {  	[spmem:s6] =	stream.linear.scatter [tilespmem:s18], [sflag:$0x4], $0x4000, $0x38;
	[tilespmem:$0x1F000] =	vst v63  }
0x44: {  	_ =	swait.ge [sflag:s19], $0x4000  }
0x45: {  	[sflag:s19] =	ssyncset.done $0x0  }
0x46: {  	s12 =	rddreg [dreg:$0x7];
	[sflag:s19] =	ssyncadd.s32 $0xFFFFC000  }
0x47: {  	[spmem:s12] =	stream.linear.scatter [tilespmem:s18], [sflag:$0x4], $0x4000, $0x38;
	[tilespmem:$0x1F000] =	vst v63  }
0x48: {  	_ =	swait.ge [sflag:s19], $0x4000  }
0x49: {  	[sflag:s19] =	ssyncset.done $0x0  }
0x4a: {  	s16 =	rddreg [dreg:$0x8];
	[sflag:s19] =	ssyncadd.s32 $0xFFFFC000  }
0x4b: {  	[spmem:s16] =	stream.linear.scatter [tilespmem:s18], [sflag:$0x4], $0x4000, $0x38;
	[tilespmem:$0x1F000] =	vst v63  }
0x4c: {  	_ =	swait.ge [sflag:s19], $0x4000  }
0x4d: {  	[sflag:s19] =	ssyncset.done $0x0  }
0x4e: {  	[sflag:s19] =	ssyncadd.s32 $0xFFFFC000  }
0x4f: {  	[bflag:$0x0] =	sbarrier.arrive $0xFFFF  }
0x50: {  	s12 =	simm.s32 $0x0;
	s17 =	rddreg [dreg:$0x9]  }
0x51: {  	[tilespmem:s12], [sflag:$0x4] =	stream.linear.gather [hbm4b:s17+s12], $0x2800, $0x38;
	[tilespmem:$0x1F000] =	vst v63  }
0x52: {  	_ =	swait.ge [sflag:s19], $0x2800  }
0x53: {  	[sflag:s19] =	ssyncset.done $0x0  }
0x54: {  	s26 =	rddreg [dreg:$0xa];
	[sflag:s19] =	ssyncadd.s32 $0xFFFFD800  }
0x55: {  	[tilespmem:s20], [sflag:$0x4] =	stream.linear.gather [hbm4b:s26+s12], $0x400, $0x38;
	[tilespmem:$0x1F000] =	vst v63  }
0x56: {  	_ =	swait.ge [sflag:s19], $0x400  }
0x57: {  	[sflag:s19] =	ssyncset.done $0x0  }
0x58: {  	s28 =	rddreg [dreg:$0xb];
	[sflag:s19] =	ssyncadd.s32 $0xFFFFFC00  }
0x59: {  	[tilespmem:s21], [sflag:$0x3] =	stream.linear.gather [hbm4b:s28+s12], $0x400, $0x38;
	[tilespmem:$0x1F000] =	vst v63  }
0x5a: {  	s17 =	rddreg [dreg:$0xf]  }
0x5b: {  	[tilespmem:s18], [sflag:$0x1] =	stream.indirect.gather [hbm4b:s2+s22], $0x80, s12, s22, $0xb8;
	[tilespmem:$0x1F000] =	vst v63  }
0x5c: {  	s6 =	rddreg [dreg:$0xe]  }
0x5d: {  	[tilespmem:s23], [sflag:$0x2] =	stream.indirect.gather [hbm4b:s2+s22], $0x80, s22, s22, $0xb8;
	[tilespmem:$0x1F000] =	vst v63  }
.LBB2_4:
0x5e: {  	p0 =	seq.s32 s12, $0x0  }
0x5f: {  	s16 =	simm.s32 @!p0 $0x3  }
0x60: {  	_ =	swait.ge @!p0 [sflag:s16], $0x400  }
0x61: {  	[sflag:s16] =	ssyncset.done @!p0 $0x0  }
0x62: {  	[sflag:s16] =	ssyncadd.s32 @!p0 $0xFFFFFC00  }
0x63: {  	_ =	swait.ge [sflag:s24], $0x4000  }
0x64: {  	[sflag:s24] =	ssyncset.done $0x0  }
0x65: {  	[sflag:s24] =	ssyncadd.s32 $0xFFFFC000  }
0x66: {  	[spmem:s3] =	stream.indirect.scatter.add.f32 [tilespmem:s18], [sflag:$0x4], $0x80, s20, s22, $0xb8;
	[tilespmem:$0x1F000] =	vst v63  }
0x67: {  	_ =	swait.ge [sflag:s19], $0x4000  }
0x68: {  	s16 =	sshra.s32 s12, $0x2;
	[sflag:s19] =	ssyncset.done $0x0  }
0x69: {  	s4 =	sadd.s32 $0x100, s16;
	[sflag:s19] =	ssyncadd.s32 $0xFFFFC000  }
0x6a: {  	[tilespmem:s18], [sflag:$0x1] =	stream.indirect.gather [hbm4b:s2+s22], $0x80, s4, s22, $0xb8;
	[tilespmem:$0x1F000] =	vst v63  }
0x6b: {  	_ =	swait.ge [sflag:s25], $0x4000  }
0x6c: {  	[sflag:s25] =	ssyncset.done $0x0  }
0x6d: {  	s26 =	simm.s32 $0x2880;
	[sflag:s25] =	ssyncadd.s32 $0xFFFFC000  }
0x6e: {  	[spmem:s3] =	stream.indirect.scatter.add.f32 [tilespmem:s23], [sflag:$0x4], $0x80, s26, s22, $0xb8;
	[tilespmem:$0x1F000] =	vst v63  }
0x6f: {  	_ =	swait.ge [sflag:s19], $0x4000  }
0x70: {  	[sflag:s19] =	ssyncset.done $0x0  }
0x71: {  	s28 =	sadd.s32 $0x180, s16;
	[sflag:s19] =	ssyncadd.s32 $0xFFFFC000  }
0x72: {  	[tilespmem:s23], [sflag:$0x2] =	stream.indirect.gather [hbm4b:s2+s22], $0x80, s28, s22, $0xb8;
	[tilespmem:$0x1F000] =	vst v63  }
0x73: {  	_ =	swait.ge [sflag:s24], $0x4000  }
0x74: {  	[sflag:s24] =	ssyncset.done $0x0  }
0x75: {  	s26 =	simm.s32 $0x2900;
	[sflag:s24] =	ssyncadd.s32 $0xFFFFC000  }
0x76: {  	[spmem:s3] =	stream.indirect.scatter.add.f32 [tilespmem:s18], [sflag:$0x4], $0x80, s26, s22, $0xb8;
	[tilespmem:$0x1F000] =	vst v63  }
0x77: {  	_ =	swait.ge [sflag:s19], $0x4000  }
0x78: {  	[sflag:s19] =	ssyncset.done $0x0  }
0x79: {  	s28 =	sadd.s32 $0x200, s16;
	[sflag:s19] =	ssyncadd.s32 $0xFFFFC000  }
0x7a: {  	[tilespmem:s18], [sflag:$0x1] =	stream.indirect.gather [hbm4b:s2+s22], $0x80, s28, s22, $0xb8;
	[tilespmem:$0x1F000] =	vst v63  }
0x7b: {  	_ =	swait.ge [sflag:s25], $0x4000  }
0x7c: {  	[sflag:s25] =	ssyncset.done $0x0  }
0x7d: {  	s26 =	simm.s32 $0x2980;
	[sflag:s25] =	ssyncadd.s32 $0xFFFFC000  }
0x7e: {  	[spmem:s3] =	stream.indirect.scatter.add.f32 [tilespmem:s23], [sflag:$0x4], $0x80, s26, s22, $0xb8;
	[tilespmem:$0x1F000] =	vst v63  }
0x7f: {  	_ =	swait.ge [sflag:s19], $0x4000  }
0x80: {  	[sflag:s19] =	ssyncset.done $0x0  }
0x81: {  	s28 =	sadd.s32 $0x280, s16;
	[sflag:s19] =	ssyncadd.s32 $0xFFFFC000  }
0x82: {  	[tilespmem:s23], [sflag:$0x2] =	stream.indirect.gather [hbm4b:s2+s22], $0x80, s28, s22, $0xb8;
	[tilespmem:$0x1F000] =	vst v63  }
0x83: {  	_ =	swait.ge [sflag:s24], $0x4000  }
0x84: {  	[sflag:s24] =	ssyncset.done $0x0  }
0x85: {  	[sflag:s24] =	ssyncadd.s32 $0xFFFFC000  }
0x86: {  	[spmem:s3] =	stream.indirect.scatter.add.f32 [tilespmem:s18], [sflag:$0x4], $0x80, s30, s22, $0xb8;
	[tilespmem:$0x1F000] =	vst v63  }
0x87: {  	_ =	swait.ge [sflag:s19], $0x4000  }
0x88: {  	[sflag:s19] =	ssyncset.done $0x0  }
0x89: {  	s26 =	sadd.s32 $0x300, s16;
	[sflag:s19] =	ssyncadd.s32 $0xFFFFC000  }
0x8a: {  	[tilespmem:s18], [sflag:$0x1] =	stream.indirect.gather [hbm4b:s2+s22], $0x80, s26, s22, $0xb8;
	[tilespmem:$0x1F000] =	vst v63  }
0x8b: {  	_ =	swait.ge [sflag:s25], $0x4000  }
0x8c: {  	[sflag:s25] =	ssyncset.done $0x0  }
0x8d: {  	[sflag:s25] =	ssyncadd.s32 $0xFFFFC000  }
0x8e: {  	[spmem:s3] =	stream.indirect.scatter.add.f32 [tilespmem:s23], [sflag:$0x4], $0x80, s31, s22, $0xb8;
	[tilespmem:$0x1F000] =	vst v63  }
0x8f: {  	_ =	swait.ge [sflag:s19], $0x4000  }
0x90: {  	[sflag:s19] =	ssyncset.done $0x0  }
0x91: {  	s28 =	sadd.s32 $0x380, s16;
	[sflag:s19] =	ssyncadd.s32 $0xFFFFC000  }
0x92: {  	[tilespmem:s23], [sflag:$0x2] =	stream.indirect.gather [hbm4b:s2+s22], $0x80, s28, s22, $0xb8;
	[tilespmem:$0x1F000] =	vst v63  }
0x93: {  	_ =	swait.ge [sflag:s24], $0x4000  }
0x94: {  	[sflag:s24] =	ssyncset.done $0x0  }
0x95: {  	[sflag:s24] =	ssyncadd.s32 $0xFFFFC000  }
0x96: {  	[spmem:s3] =	stream.indirect.scatter.add.f32 [tilespmem:s18], [sflag:$0x4], $0x80, s0, s22, $0xb8;
	[tilespmem:$0x1F000] =	vst v63  }
0x97: {  	_ =	swait.ge [sflag:s19], $0x4000  }
0x98: {  	[sflag:s19] =	ssyncset.done $0x0  }
0x99: {  	s26 =	sadd.s32 $0x400, s16;
	[sflag:s19] =	ssyncadd.s32 $0xFFFFC000  }
0x9a: {  	[tilespmem:s18], [sflag:$0x1] =	stream.indirect.gather [hbm4b:s2+s22], $0x80, s26, s22, $0xb8;
	[tilespmem:$0x1F000] =	vst v63  }
0x9b: {  	_ =	swait.ge [sflag:s25], $0x4000  }
0x9c: {  	[sflag:s25] =	ssyncset.done $0x0  }
0x9d: {  	[sflag:s25] =	ssyncadd.s32 $0xFFFFC000  }
0x9e: {  	[spmem:s3] =	stream.indirect.scatter.add.f32 [tilespmem:s23], [sflag:$0x4], $0x80, s1, s22, $0xb8;
	[tilespmem:$0x1F000] =	vst v63  }
0x9f: {  	_ =	swait.ge [sflag:s19], $0x4000  }
0xa0: {  	[sflag:s19] =	ssyncset.done $0x0  }
0xa1: {  	p0 =	seq.s32 s12, $0x8000;
	s28 =	sadd.s32 $0x480, s16;
	[sflag:s19] =	ssyncadd.s32 $0xFFFFC000  }
0xa2: {  	[tilespmem:s23], [sflag:$0x2] =	stream.indirect.gather [hbm4b:s2+s22], $0x80, s28, s22, $0xb8;
	[tilespmem:$0x1F000] =	vst v63  }
0xa3: {  	s4 =	sshrl.u32 @!p0 s17, $0x3;
	_ =	swait.ge [sflag:s7], $0x400  }
0xa4: {  	s4 =	sadd.s32 @!p0 s5, s4;
	[sflag:s7] =	ssyncset.done $0x0  }
0xa5: {  	s26 =	simm.s32 @!p0 $0x0;
	s28 =	simm.s32 @!p0 $0x2800;
	[sflag:s7] =	ssyncadd.s32 $0xFFFFFC00  }
0xa6: {  	[tilespmem:s28], [sflag:$0x3] =	stream.linear.gather @!p0 [hbm4b:s4+s26], $0x400, $0x38;
	[tilespmem:$0x1F000] =	vst v63  }
0xa7: {  	_ =	swait.ge [sflag:s24], $0x4000  }
0xa8: {  	[sflag:s24] =	ssyncset.done $0x0  }
0xa9: {  	[sflag:s24] =	ssyncadd.s32 $0xFFFFC000  }
0xaa: {  	[spmem:s3] =	stream.indirect.scatter.add.f32 [tilespmem:s18], [sflag:$0x4], $0x80, s21, s22, $0xb8;
	[tilespmem:$0x1F000] =	vst v63  }
0xab: {  	_ =	swait.ge [sflag:s19], $0x4000  }
0xac: {  	[sflag:s19] =	ssyncset.done $0x0  }
0xad: {  	s26 =	sadd.s32 $0x500, s16;
	[sflag:s19] =	ssyncadd.s32 $0xFFFFC000  }
0xae: {  	[tilespmem:s18], [sflag:$0x1] =	stream.indirect.gather [hbm4b:s2+s22], $0x80, s26, s22, $0xb8;
	[tilespmem:$0x1F000] =	vst v63  }
0xaf: {  	_ =	swait.ge [sflag:s25], $0x4000  }
0xb0: {  	[sflag:s25] =	ssyncset.done $0x0  }
0xb1: {  	[sflag:s25] =	ssyncadd.s32 $0xFFFFC000  }
0xb2: {  	[spmem:s3] =	stream.indirect.scatter.add.f32 [tilespmem:s23], [sflag:$0x4], $0x80, s8, s22, $0xb8;
	[tilespmem:$0x1F000] =	vst v63  }
0xb3: {  	_ =	swait.ge [sflag:s19], $0x4000  }
0xb4: {  	[sflag:s19] =	ssyncset.done $0x0  }
0xb5: {  	s28 =	sadd.s32 $0x580, s16;
	[sflag:s19] =	ssyncadd.s32 $0xFFFFC000  }
0xb6: {  	[tilespmem:s23], [sflag:$0x2] =	stream.indirect.gather [hbm4b:s2+s22], $0x80, s28, s22, $0xb8;
	[tilespmem:$0x1F000] =	vst v63  }
0xb7: {  	_ =	swait.ge [sflag:s24], $0x4000  }
0xb8: {  	[sflag:s24] =	ssyncset.done $0x0  }
0xb9: {  	[sflag:s24] =	ssyncadd.s32 $0xFFFFC000  }
0xba: {  	[spmem:s3] =	stream.indirect.scatter.add.f32 [tilespmem:s18], [sflag:$0x4], $0x80, s9, s22, $0xb8;
	[tilespmem:$0x1F000] =	vst v63  }
0xbb: {  	_ =	swait.ge [sflag:s19], $0x4000  }
0xbc: {  	[sflag:s19] =	ssyncset.done $0x0  }
0xbd: {  	s26 =	sadd.s32 $0x600, s16;
	[sflag:s19] =	ssyncadd.s32 $0xFFFFC000  }
0xbe: {  	[tilespmem:s18], [sflag:$0x1] =	stream.indirect.gather [hbm4b:s2+s22], $0x80, s26, s22, $0xb8;
	[tilespmem:$0x1F000] =	vst v63  }
0xbf: {  	_ =	swait.ge [sflag:s25], $0x4000  }
0xc0: {  	[sflag:s25] =	ssyncset.done $0x0  }
0xc1: {  	[sflag:s25] =	ssyncadd.s32 $0xFFFFC000  }
0xc2: {  	[spmem:s3] =	stream.indirect.scatter.add.f32 [tilespmem:s23], [sflag:$0x4], $0x80, s10, s22, $0xb8;
	[tilespmem:$0x1F000] =	vst v63  }
0xc3: {  	_ =	swait.ge [sflag:s19], $0x4000  }
0xc4: {  	[sflag:s19] =	ssyncset.done $0x0  }
0xc5: {  	s28 =	sadd.s32 $0x680, s16;
	[sflag:s19] =	ssyncadd.s32 $0xFFFFC000  }
0xc6: {  	[tilespmem:s23], [sflag:$0x2] =	stream.indirect.gather [hbm4b:s2+s22], $0x80, s28, s22, $0xb8;
	[tilespmem:$0x1F000] =	vst v63  }
0xc7: {  	_ =	swait.ge [sflag:s24], $0x4000  }
0xc8: {  	[sflag:s24] =	ssyncset.done $0x0  }
0xc9: {  	[sflag:s24] =	ssyncadd.s32 $0xFFFFC000  }
0xca: {  	[spmem:s3] =	stream.indirect.scatter.add.f32 [tilespmem:s18], [sflag:$0x4], $0x80, s11, s22, $0xb8;
	[tilespmem:$0x1F000] =	vst v63  }
0xcb: {  	_ =	swait.ge [sflag:s19], $0x4000  }
0xcc: {  	[sflag:s19] =	ssyncset.done $0x0  }
0xcd: {  	s26 =	sadd.s32 $0x700, s16;
	[sflag:s19] =	ssyncadd.s32 $0xFFFFC000  }
0xce: {  	[tilespmem:s18], [sflag:$0x1] =	stream.indirect.gather [hbm4b:s2+s22], $0x80, s26, s22, $0xb8;
	[tilespmem:$0x1F000] =	vst v63  }
0xcf: {  	_ =	swait.ge [sflag:s25], $0x4000  }
0xd0: {  	[sflag:s25] =	ssyncset.done $0x0  }
0xd1: {  	[sflag:s25] =	ssyncadd.s32 $0xFFFFC000  }
0xd2: {  	[spmem:s3] =	stream.indirect.scatter.add.f32 [tilespmem:s23], [sflag:$0x4], $0x80, s13, s22, $0xb8;
	[tilespmem:$0x1F000] =	vst v63  }
0xd3: {  	_ =	swait.ge [sflag:s19], $0x4000  }
0xd4: {  	[sflag:s19] =	ssyncset.done $0x0  }
0xd5: {  	s28 =	sadd.s32 $0x780, s16;
	[sflag:s19] =	ssyncadd.s32 $0xFFFFC000  }
0xd6: {  	[tilespmem:s23], [sflag:$0x2] =	stream.indirect.gather [hbm4b:s2+s22], $0x80, s28, s22, $0xb8;
	[tilespmem:$0x1F000] =	vst v63  }
0xd7: {  	_ =	swait.ge [sflag:s24], $0x4000  }
0xd8: {  	[sflag:s24] =	ssyncset.done $0x0  }
.Ltmp3:
0xd9: {  	[sflag:s24] =	ssyncadd.s32 $0xFFFFC000;
	(pc) =	sbr.rel @p0 .LBB2_6-.Ltmp3, $4  }
0xda: {  	[spmem:s3] =	stream.indirect.scatter.add.f32 [tilespmem:s18], [sflag:$0x4], $0x80, s14, s22, $0xb8;
	[tilespmem:$0x1F000] =	vst v63  }
0xdb: {  	_ =	swait.ge [sflag:s19], $0x4000  }
0xdc: {  	[sflag:s19] =	ssyncset.done $0x0  }
0xdd: {  	[sflag:s19] =	ssyncadd.s32 $0xFFFFC000  }
0xde: {  	s4 =	sadd.s32 $0x800, s16  }
0xdf: {  	[tilespmem:s18], [sflag:$0x1] =	stream.indirect.gather [hbm4b:s2+s22], $0x80, s4, s22, $0xb8;
	[tilespmem:$0x1F000] =	vst v63  }
0xe0: {  	_ =	swait.ge [sflag:s25], $0x4000  }
0xe1: {  	[sflag:s25] =	ssyncset.done $0x0  }
0xe2: {  	[sflag:s25] =	ssyncadd.s32 $0xFFFFC000  }
0xe3: {  	[spmem:s3] =	stream.indirect.scatter.add.f32 [tilespmem:s23], [sflag:$0x4], $0x80, s15, s22, $0xb8;
	[tilespmem:$0x1F000] =	vst v63  }
0xe4: {  	_ =	swait.ge [sflag:s19], $0x4000  }
0xe5: {  	[sflag:s19] =	ssyncset.done $0x0  }
.Ltmp4:
0xe6: {  	s28 =	sadd.s32 $0x880, s16;
	[sflag:s19] =	ssyncadd.s32 $0xFFFFC000;
	(pc) =	sbr.rel .LBB2_4-.Ltmp4, $4  }
0xe7: {  	[tilespmem:s23], [sflag:$0x2] =	stream.indirect.gather [hbm4b:s2+s22], $0x80, s28, s22, $0xb8;
	[tilespmem:$0x1F000] =	vst v63  }
0xe8: {  	_ = 	snop  }
0xe9: {  	[tilespmem:s21], [sflag:$0x3] =	stream.linear.gather [hbm4b:s6+s29], $0x400, $0x38;
	[tilespmem:$0x1F000] =	vst v63  }
0xea: {  	s17 =	sadd.s32 $0x800, s17;
	s12 =	sadd.s32 $0x2000, s12;
	s6 =	sadd.s32 $0x100, s6  }
.LBB2_7:
0xeb: {  	_ =	sfence.sel $0x180000  }
0xec: {  	[bflag:$0x0] =	sbarrier.arrive $0xFFFF  }
0xed: {  	_ =	strace $0x90000047  }
0xee: {  	s0 =	stileid.u32;
	[bflag:$0x2] =	sbarrier.arrive $0xFFFF  }
0xef: {  	p0 =	sne.s32 s0, $0x0;
	s0 =	rddreg [dreg:$0x3]  }
0xf0: {  	s0 =	sadd.s32 @!p0 $0x100000, s0  }
0xf1: {  	[sflag:s0] =	ssyncadd.tile.s32 @!p0 $0x1;
	_ =	shalt  }
.Lfunc_end2:
_tile_overlayer_lowered:
.L_overlay_start_2:
0xf2: {  	(tag) =	ssettag $0x2  }
0xf3: {  	s0 =	rddreg [dreg:$0x0];
	s2 =	stileid.u32  }
0xf4: {  	s1 =	rddreg [dreg:$0x1];
	p0 =	sne.s32 s2, $0x0  }
0xf5: {  	s3 =	rddreg [dreg:$0x2];
	[bflag:$0x3] =	sbarrier.arrive $0xFFFF;
	s2 =	simm.s32 @!p0 $0x1C04  }
0xf6: {  	[timem:s3], [sflag:s2] =	dma.local @!p0 [hbm:s0], s1  }
0xf7: {  	s0 =	simm.s32 @!p0 $0x4  }
0xf8: {  	_ =	swait.ge @!p0 [sflag:s0], s1  }
0xf9: {  	s1 =	ssub.s32 @!p0 $0x0, s1;
	[sflag:s0] =	ssyncset.done @!p0 $0x0  }
0xfa: {  	[sflag:s0] =	ssyncadd.s32 @!p0 s1  }
0xfb: {  	[bflag:$0x3] =	sbarrier.arrive $0xFFFF  }
0xfc: {  	_ =	shalt  }

// kernel: kernel.9.cloned.1.call-start
scs
__scs_entry_jumppad:
0x0: {  	(pc) =	sbr.rel $0x88, $3  }
0x1: {  	(tag) =	ssettag $0x0;
	lr =	simm.s32 $0x1  }
0x2: {  	[smem:$0x3F97] =	sst lr;
	_ =	strace $0xD0000000  }
0x3: {  	_ = 	snop  }
0x4: {  	_ = 	snop  }
0x5: {  	_ = 	snop  }
0x6: {  	_ = 	snop  }
0x7: {  	_ = 	snop  }
__scs_overlays_trampoline_lowered:
0x8: {  	[smem:$0x3FA6] =	sst s0  }
0x9: {  	[smem:$0x3FA7] =	sst s1  }
0xa: {  	[smem:$0x3FA8] =	sst s2  }
0xb: {  	[smem:$0x3FA9] =	sst s3  }
0xc: {  	[smem:$0x3FAA] =	sst s4  }
0xd: {  	[smem:$0x3FAB] =	sst s5  }
0xe: {  	[smem:$0x3FAC] =	sst s6  }
0xf: {  	[smem:$0x3FAD] =	sst s7  }
0x10: {  	[smem:$0x3FAE] =	sst s8  }
0x11: {  	[smem:$0x3FAF] =	sst s9;
	s0 =	simm.s32 @!p0 $0x0  }
0x12: {  	s1 =	sld [smem:$0x3F95];
	s0 =	simm.s32 @p0 $0x1  }
0x13: {  	[smem:$0x3FB0] =	sst s0;
	s0 =	simm.s32 @!p1 $0x0  }
0x14: {  	s2 =	sld [smem:$0x3F94];
	s0 =	simm.s32 @p1 $0x1  }
0x15: {  	[smem:$0x3FB1] =	sst s0;
	s0 =	simm.s32 @!p2 $0x0  }
0x16: {  	s3 =	sld [smem:$0x3FDB];
	s0 =	simm.s32 @p2 $0x1  }
0x17: {  	s4 =	simm.s32 $0x1BF5;
	[smem:$0x3FB3] =	sst s0  }
0x18: {  	s0 =	sld [smem:$0x3F96];
	_ =	swait.ge [sflag:s4], $0x0  }
0x19: {  	s7 =	sld [smem:$0x3F97]  }
0x1a: {  	s8 =	sadd.s32 $0xFFFFE003, lr  }
0x1b: {  	s9 =	sadd.s32 $0xFFFFFEF7, lr;
	s5 =	simm.s32 $0xFFFFFFFF;
	p2 =	slt.u32 s8, $0xFFFFF086  }
0x1c: {  	p1 =	slt.u32 s9, $0xF7A;
	s5 =	simm.s32 @!p2 $0x0  }
0x1d: {  	s5 =	simm.s32 @p1 $0x1;
	p0 =	seq.s32 s7, s2  }
0x1e: {  	s7 =	smul.u32 @!p0 $0xF7A, s2;
	p2 =	seq.s32 @!p0 s5, $0x0  }
0x1f: {  	s9 =	smul.u32 $0xF7A, s1;
	s8 =	simm.s32 @!p0 $0x1BF5;
	p2 =	por !p2, p0  }
0x20: {  	[sflag:s8] =	ssyncset.s32 @!p0 $0xFFFFF086;
	s6 =	sadd.s32 @!p0 s3, s7;
	s7 =	simm.s32 @!p0 $0x108  }
0x21: {  	s3 =	sadd.s32 s3, s9;
	s6 =	sadd.s32 @!p0 $0x88, s6;
	s7 =	simm.s32 @p2 $0x1082  }
0x22: {  	[simem:s7], [sflag:s8] =	dma.local @!p0 [hbm:s6], $0xF7A  }
0x23: {  	s9 =	sor.u32 $0xD0000000, s2;
	s6 =	simm.s32 $0x108;
	_ =	swait.ge @!p0 [sflag:s8], $0x0  }
0x24: {  	s3 =	sadd.s32 $0x88, s3;
	s6 =	simm.s32 @!p1 $0x1082;
	[sflag:s4] =	ssyncset.s32 $0xFFFFF086  }
0x25: {  	[simem:s6], [sflag:s4] =	dma.local [hbm:s3], $0xF7A  }
0x26: {  	[smem:$0x3F97] =	sst s1;
	(tag) =	ssettag s2;
	_ =	strace s9  }
0x27: {  	s1 =	sld [smem:$0x3FA7]  }
0x28: {  	s2 =	sld [smem:$0x3FA8]  }
0x29: {  	s4 =	sld [smem:$0x3FAA]  }
0x2a: {  	p0 =	seq.s32 s5, $0x0;
	s5 =	sld [smem:$0x3FAB]  }
0x2b: {  	s6 =	sld [smem:$0x3FAC]  }
0x2c: {  	s7 =	sld [smem:$0x3FAD]  }
0x2d: {  	s3 =	simm.s32 $0x108;
	s8 =	sld [smem:$0x3FAE]  }
0x2e: {  	s3 =	simm.s32 @!p0 $0x1082;
	s9 =	sld [smem:$0x3FAF]  }
0x2f: {  	lr =	sadd.s32 s0, s3;
	s0 =	sld [smem:$0x3FA6]  }
0x30: {  	s3 =	sld [smem:$0x3FA9]  }
0x31: {  	[smem:$0x3FB2] =	sst s10  }
0x32: {  	s10 =	sld [smem:$0x3FB0];
	_ =	sdelay $0x3  }
0x33: {  	p0 =	seq.s32 s10, $0x1;
	s10 =	sld [smem:$0x3FB2];
	_ =	sdelay $0x3  }
0x34: {  	[smem:$0x3FB2] =	sst s10  }
0x35: {  	s10 =	sld [smem:$0x3FB1];
	_ =	sdelay $0x3  }
0x36: {  	p1 =	seq.s32 s10, $0x1;
	s10 =	sld [smem:$0x3FB2];
	_ =	sdelay $0x3  }
0x37: {  	[smem:$0x3FB2] =	sst s10  }
0x38: {  	s10 =	sld [smem:$0x3FB3]  }
0x39: {  	_ = 	snop;
	(pc) =	sbr.ind lr, $3  }
0x3a: {  	_ = 	snop  }
0x3b: {  	_ = 	snop  }
0x3c: {  	p2 =	seq.s32 s10, $0x1;
	s10 =	sld [smem:$0x3FB2]  }
0x3d: {  	_ =	shalt  }
0x3e: {  	_ =	shalt  }
0x3f: {  	_ =	shalt  }
0x40: {  	_ =	shalt  }
0x41: {  	_ =	shalt  }
0x42: {  	_ =	shalt  }
0x43: {  	_ =	shalt  }
0x44: {  	_ =	shalt  }
0x45: {  	_ =	shalt  }
0x46: {  	_ =	shalt  }
0x47: {  	_ =	shalt  }
0x48: {  	_ =	shalt  }
0x49: {  	_ =	shalt  }
0x4a: {  	_ =	shalt  }
0x4b: {  	_ =	shalt  }
0x4c: {  	_ =	shalt  }
0x4d: {  	_ =	shalt  }
0x4e: {  	_ =	shalt  }
0x4f: {  	_ =	shalt  }
0x50: {  	_ =	shalt  }
0x51: {  	_ =	shalt  }
0x52: {  	_ =	shalt  }
0x53: {  	_ =	shalt  }
0x54: {  	_ =	shalt  }
0x55: {  	_ =	shalt  }
0x56: {  	_ =	shalt  }
0x57: {  	_ =	shalt  }
0x58: {  	_ =	shalt  }
0x59: {  	_ =	shalt  }
0x5a: {  	_ =	shalt  }
0x5b: {  	_ =	shalt  }
0x5c: {  	_ =	shalt  }
0x5d: {  	_ =	shalt  }
0x5e: {  	_ =	shalt  }
0x5f: {  	_ =	shalt  }
0x60: {  	_ =	shalt  }
0x61: {  	_ =	shalt  }
0x62: {  	_ =	shalt  }
0x63: {  	_ =	shalt  }
0x64: {  	_ =	shalt  }
0x65: {  	_ =	shalt  }
0x66: {  	_ =	shalt  }
0x67: {  	_ =	shalt  }
0x68: {  	_ =	shalt  }
0x69: {  	_ =	shalt  }
0x6a: {  	_ =	shalt  }
0x6b: {  	_ =	shalt  }
0x6c: {  	_ =	shalt  }
0x6d: {  	_ =	shalt  }
0x6e: {  	_ =	shalt  }
0x6f: {  	_ =	shalt  }
0x70: {  	_ =	shalt  }
0x71: {  	_ =	shalt  }
0x72: {  	_ =	shalt  }
0x73: {  	_ =	shalt  }
0x74: {  	_ =	shalt  }
0x75: {  	_ =	shalt  }
0x76: {  	_ =	shalt  }
0x77: {  	_ =	shalt  }
0x78: {  	_ =	shalt  }
0x79: {  	_ =	shalt  }
0x7a: {  	_ =	shalt  }
0x7b: {  	_ =	shalt  }
0x7c: {  	_ =	shalt  }
0x7d: {  	_ =	shalt  }
0x7e: {  	_ =	shalt  }
0x7f: {  	_ =	shalt  }
0x80: {  	_ =	shalt  }
0x81: {  	_ =	shalt  }
0x82: {  	_ =	shalt  }
0x83: {  	_ =	shalt  }
0x84: {  	_ =	shalt  }
0x85: {  	_ =	shalt  }
0x86: {  	_ =	shalt  }
0x87: {  	_ =	shalt  }
.Lfunc_end0:
.L_simem_size_0:
called_computation.1_lowered:
.L_overlay_start_0:
0x88: {  	s2 =	sld [smem:$0x3FD9]  }
0x89: {  	s3 =	sld [smem:$0x3FFE];
	_ =	sdelay $0x1  }
0x8a: {  	s1 =	srdreg.scid  }
0x8b: {  	s0 =	sand.u32 $0x1, s1  }
0x8c: {  	s16 =	sshll.u32 s0, $0xA;
	s2 =	sadd.s32 s3, s2  }
0x8d: {  	s2 =	sadd.s32 s2, s16  }
0x8e: {  	[smem:$0x3FBE] =	sst s2  }
0x8f: {  	_ = 	snop  }
0x90: {  	(tm) =	ssettm $0x1  }
0x91: {  	s17 =	sld [smem:$0x3FFB];
	_ =	sdelay $0x3  }
0x92: {  	_ =	strace s17  }
0x93: {  	s2 =	sld [smem:$0x3FFC];
	_ =	sdelay $0x3  }
0x94: {  	_ =	strace s2  }
0x95: {  	s2 =	sld [smem:$0x3FFD];
	_ =	sdelay $0x3  }
0x96: {  	_ =	strace s2  }
0x97: {  	_ =	strace $0x8FFFFFFF  }
0x98: {  	s18 =	sld [smem:$0x3FDB];
	_ =	sdelay $0x1  }
0x99: {  	s19 =	simm.s32 $_scs_section_size  }
0x9a: {  	s4 =	simm.s32 $_size__tile_overlayer_lowered;
	s5 =	simm.s32 $_tile_overlayer_lowered  }
0x9b: {  	s22 =	simm.s32 $0x1BFF;
	s21 =	sshll.u32 s5, $0x1;
	s2 =	sadd.s32 s19, s18  }
0x9c: {  	s6 =	simm.s32 $0x0;
	s20 =	sshll.u32 s4, $0x1;
	s4 =	sadd.s32 s21, s2  }
0x9d: {  	[timem:s6], [sflag:s22] =	dma.local [hbm:s4], s20  }
0x9e: {  	_ =	swait.ge [sflag:s22], s20  }
0x9f: {  	s3 =	ssub.s32 $0x0, s20;
	[sflag:s22] =	ssyncset.done $0x0  }
0xa0: {  	[sflag:s22] =	ssyncadd.s32 s3;
	_ =	sdelay $0x1  }
0xa1: {  	s23 =	simm.s32 $0x1B8B  }
0xa2: {  	_ =	swait.ge [sflag:s23], $0x1  }
0xa3: {  	[sflag:s23] =	ssyncset.done $0x0  }
0xa4: {  	s25 =	simm.s32 $0x1B8E;
	s24 =	sld [smem:$0x3FFE];
	[sflag:s23] =	ssyncadd.s32 $0xFFFFFFFF  }
0xa5: {  	s26 =	simm.s32 $execute0_lowered;
	[smem:$0x3FD2] =	sst s25  }
0xa6: {  	s4 =	sshll.u32 s26, $0x1;
	_ =	strace $0x80000049;
	[dreg:$0x1] =	wrdreg $0xFFFFFFFF  }
0xa7: {  	s28 =	simm.s32 $_size_execute0_lowered;
	s2 =	sadd.s32 s2, s4;
	[dreg:$0x0] =	wrdreg $0x0  }
0xa8: {  	s4 =	sshll.u32 s28, $0x1;
	[dreg:$0x2] =	wrdreg s2  }
0xa9: {  	[dreg:$0x3] =	wrdreg s4  }
0xaa: {  	[dreg:$0x4] =	wrdreg $0xC0  }
0xab: {  	_ =	task [dreg:s6], $0x5FFFF  }
0xac: {  	[dreg:$0x1] =	wrdreg $0xFFFFFFFF  }
0xad: {  	[dreg:$0x0] =	wrdreg $0x60  }
0xae: {  	[dreg:$0x2] =	wrdreg s24  }
0xaf: {  	[dreg:$0x3] =	wrdreg $0xB0000  }
0xb0: {  	[dreg:$0x4] =	wrdreg $0x9  }
0xb1: {  	_ =	task.clear_ibuf [dreg:s6], $0x5FFFF;
	_ =	strace $0x90000049  }
0xb2: {  	s29 =	simm.s32 $0x9;
	_ =	strace $0x8000004B  }
0xb3: {  	_ =	swait.ge [sflag:s29], $0x1  }
0xb4: {  	[sflag:s29] =	ssyncadd.s32 $0xFFFFFFFF  }
0xb5: {  	_ =	strace $0x9000004B  }
0xb6: {  	_ =	sfence  }
0xb7: {  	s30 =	sld [smem:$0x0];
	_ =	sdelay $0x2  }
0xb8: {  	s31 =	sshll.u32 s1, $0xD;
	s1 =	sshrl.u32 s1, $0x2  }
0xb9: {  	s3 =	sand.u32 $0x4000, s31;
	s1 =	sadd.s32 s1, s30  }
0xba: {  	s0 =	sor.u32 s3, s0;
	s1 =	sshll.u32 s1, $0x11  }
0xbb: {  	s0 =	sor.u32 s1, s0  }
0xbc: {  	s0 =	sadd.s32 $0x8F2B, s0  }
0xbd: {  	[sflag:s0] =	ssyncadd.remote.s32 $0x1  }
0xbe: {  	_ =	sfence.sel $0xFFFF  }
0xbf: {  	[dreg:$0x0] =	wrdreg $0xFFFFFFFF;
	(pc) =	sbr.abs _section_cstart, $3  }
0xc0: {  	[dreg:$0x1] =	wrdreg $0xFFFFFFFF  }
0xc1: {  	_ =	task.clear_ibuf [dreg:s6], $0x2FFFF;
	_ =	strace $0x9FFFFFFF  }
0xc2: {  	(tm) =	ssettm $0x7FFFFFFF  }
0xc3: {  	_ =	shalt  }
tec
execute0_lowered:
.L_overlay_start_1:
0x0: {  	(tag) =	ssettag $0x1  }
0x1: {  	s0 =	rddreg [dreg:$0x0]  }
0x2: {  	s1 =	srdreg.scid;
	s3 =	stileid.u32  }
0x3: {  	s2 =	rddreg [dreg:$0x1];
	s6 =	smul.u32 $0x14000, s3  }
0x4: {  	s7 =	simm.s32 $0x0;
	s30 =	simm.s32 $0x2A00;
	s8 =	smul.u32 $0x50000, s3  }
0x5: {  	s31 =	simm.s32 $0x2A80;
	s1 =	sand.u32 $0x1, s1;
	s10 =	smul.u32 $0x5000, s3  }
0x6: {  	s4 =	sshll.u32 s3, $0x1;
	[smem:$0x7FF] =	sst s7;
	s5 =	smul.u32 $0x140000, s1  }
0x7: {  	s4 =	sor.u32 s1, s4;
	s16 =	ssub.s32 $0x2, s1;
	s1 =	smul.u32 $0x2800, s1  }
0x8: {  	s29 =	simm.s32 $0x0;
	_ =	strace $0x8000004A;
	s13 =	smul.u32 $0x2800, s4  }
0x9: {  	s4 =	sadd.s32 $0x14400, s0;
	s8 =	sshrl.u32 s8, $0x2;
	s11 =	sshrl.u32 s16, $0x1  }
0xa: {  	s5 =	sadd.s32 s6, s5;
	s26 =	sadd.s32 s8, s2;
	s7 =	ssub.s32 s16, s11  }
0xb: {  	s1 =	sadd.s32 s1, s10;
	s8 =	simm.s32 $0x2C80;
	s10 =	simm.s32 $0x2D80  }
0xc: {  	s11 =	simm.s32 $0x2E00;
	s6 =	simm.s32 $0x0;
	s14 =	sshrl.u32 s13, $0x3  }
0xd: {  	s15 =	sshrl.u32 s5, $0x3;
	s5 =	sadd.s32 $0xA400, s0;
	s17 =	sadd.s32 $0x4000, s26  }
0xe: {  	s18 =	sadd.s32 $0x8000, s26;
	s19 =	sadd.s32 $0xC000, s26;
	[dreg:$0x3] =	wrdreg s26  }
0xf: {  	s20 =	sadd.s32 $0x10000, s26;
	s23 =	sadd.s32 $0xC00, s1;
	[dreg:$0x4] =	wrdreg s17  }
0x10: {  	s25 =	smax.u32 s7, $0x1;
	s28 =	sadd.s32 $0x800, s1;
	[dreg:$0x5] =	wrdreg s18  }
0x11: {  	s1 =	simm.s32 $0x2B80;
	s7 =	simm.s32 $0x3;
	[dreg:$0x6] =	wrdreg s19  }
0x12: {  	s13 =	simm.s32 $0x2E80;
	s9 =	sadd.s32 s14, s0;
	[dreg:$0x7] =	wrdreg s20  }
0x13: {  	s0 =	sadd.s32 s15, s0;
	s22 =	sadd.s32 s5, s14;
	[dreg:$0xc] =	wrdreg s25  }
0x14: {  	s24 =	sshrl.u32 s23, $0x3;
	[dreg:$0xe] =	wrdreg s28;
	s18 =	simm.s32 $0x3000  }
0x15: {  	s19 =	simm.s32 $0x4;
	s20 =	simm.s32 $0x2800;
	s23 =	simm.s32 $0x7000  }
0x16: {  	s25 =	simm.s32 $0x2;
	s14 =	simm.s32 $0x2F00;
	s15 =	simm.s32 $0x2F80  }
.Ltmp0:
0x17: {  	s21 =	sadd.s32 $0x400, s9;
	[dreg:$0x9] =	wrdreg s22;
	(pc) =	sbr.rel .LBB2_1-.Ltmp0, $4  }
0x18: {  	s3 =	sadd.s32 $0x80, s22;
	s0 =	sadd.s32 $0x3C400, s0;
	[dreg:$0x8] =	wrdreg s21  }
0x19: {  	s22 =	simm.s32 $0x80;
	s9 =	simm.s32 $0x2D00;
	[dreg:$0xa] =	wrdreg s3  }
0x1a: {  	[dreg:$0xb] =	wrdreg s0;
	s0 =	sadd.s32 s24, s5;
	s21 =	simm.s32 $0x2C00  }
0x1b: {  	v0 =	vimm.f32 $0.0e+00;
	s24 =	simm.s32 $0x1;
	[dreg:$0xd] =	wrdreg s0;
	s0 =	simm.s32 $0x2B00  }
.LBB2_6:
0x1c: {  	_ =	swait.ge [sflag:s25], $0x4000  }
0x1d: {  	[sflag:s25] =	ssyncset.done $0x0  }
0x1e: {  	[sflag:s25] =	ssyncadd.s32 $0xFFFFC000  }
0x1f: {  	[spmem:s2] =	stream.indirect.scatter.add.f32 [tilespmem:s23], [sflag:$0x4], $0x80, s15, s22, $0xb8;
	[tilespmem:$0x1F000] =	vst v63  }
0x20: {  	_ =	swait.ge [sflag:s19], $0x4000  }
0x21: {  	[sflag:s19] =	ssyncset.done $0x0  }
0x22: {  	[sflag:s19] =	ssyncadd.s32 $0xFFFFC000  }
0x23: {  	s3 =	stileid.u32;
	[bflag:$0x0] =	sbarrier.arrive $0xFFFF  }
0x24: {  	s3 =	sshll.u32 s3, $0x6;
	s26 =	rddreg [dreg:$0x3]  }
0x25: {  	s3 =	sor.u32 $0x1C04, s3;
	s12 =	rddreg [dreg:$0xb];
	s6 =	sshrl.u32 s26, $0x3  }
0x26: {  	[hbm:s12], [sflag:s3] =	dma.local [spmem:s6], $0x2800  }
0x27: {  	_ =	swait.ge [sflag:s19], $0x2800  }
0x28: {  	s17 =	rddreg [dreg:$0xf]  }
0x29: {  	s28 =	rddreg [dreg:$0xc];
	s6 =	sadd.s32 $0x1, s17  }
0x2a: {  	p0 =	sne.s32 s6, s28  }
.Ltmp1:
0x2b: {  	_ = 	snop;
	(pc) =	sbr.rel @!p0 .LBB2_7-.Ltmp1, $3  }
0x2c: {  	_ =	sdelay $0x1  }
0x2d: {  	[sflag:s19] =	ssyncset.done $0x0  }
0x2e: {  	[sflag:s19] =	ssyncadd.s32 $0xFFFFD800  }
.LBB2_1:
0x2f: {  	s3 =	simm.s32 $0x0  }
0x30: {  	s28 =	sand.u32 $0xFE00, s3  }
0x31: {  	[dreg:$0xf] =	wrdreg s6;
	s12 =	sand.u32 $0x70, s3;
	s16 =	sshrl.u32 s28, $0x2  }
0x32: {  	s6 =	simm.s32 $0x40;
	s16 =	sor.u32 s12, s16;
	s12 =	simm.s32 $0x0  }
.LBB2_2:
0x33: {  	p0 =	sne.s32 s6, $0xFFC0  }
0x34: {  	[tilespmem:s16+$0x3000] =	vst v0;
	s12 =	sadd.s32 $0x10, s12;
	s16 =	smov.u32 s6;
	s6 =	sadd.s32 $0x40, s6  }
.Ltmp2:
0x35: {  	(pc) =	sbr.rel @p0 .LBB2_2-.Ltmp2, $4  }
0x36: {  	_ = 	snop  }
0x37: {  	s16 =	sand.u32 $0xFE00, s16  }
0x38: {  	s17 =	sand.u32 $0x70, s12;
	s16 =	sshrl.u32 s16, $0x2  }
0x39: {  	s16 =	sor.u32 s17, s16  }
0x3a: {  	[tilespmem:s16+$0x3000] =	vst v0  }
0x3b: {  	[spmem:s26] =	stream.linear.scatter [tilespmem:s18], [sflag:$0x4], $0x4000, $0x38;
	[tilespmem:$0x1F000] =	vst v63  }
0x3c: {  	_ =	swait.ge [sflag:s19], $0x4000  }
0x3d: {  	[sflag:s19] =	ssyncset.done $0x0  }
0x3e: {  	s3 =	rddreg [dreg:$0x4];
	[sflag:s19] =	ssyncadd.s32 $0xFFFFC000  }
0x3f: {  	[spmem:s3] =	stream.linear.scatter [tilespmem:s18], [sflag:$0x4], $0x4000, $0x38;
	[tilespmem:$0x1F000] =	vst v63  }
0x40: {  	_ =	swait.ge [sflag:s19], $0x4000  }
0x41: {  	[sflag:s19] =	ssyncset.done $0x0  }
0x42: {  	s6 =	rddreg [dreg:$0x5];
	[sflag:s19] =	ssyncadd.s32 $0xFFFFC000  }
0x43: {  	[spmem:s6] =	stream.linear.scatter [tilespmem:s18], [sflag:$0x4], $0x4000, $0x38;
	[tilespmem:$0x1F000] =	vst v63  }
0x44: {  	_ =	swait.ge [sflag:s19], $0x4000  }
0x45: {  	[sflag:s19] =	ssyncset.done $0x0  }
0x46: {  	s12 =	rddreg [dreg:$0x6];
	[sflag:s19] =	ssyncadd.s32 $0xFFFFC000  }
0x47: {  	[spmem:s12] =	stream.linear.scatter [tilespmem:s18], [sflag:$0x4], $0x4000, $0x38;
	[tilespmem:$0x1F000] =	vst v63  }
0x48: {  	_ =	swait.ge [sflag:s19], $0x4000  }
0x49: {  	[sflag:s19] =	ssyncset.done $0x0  }
0x4a: {  	s16 =	rddreg [dreg:$0x7];
	[sflag:s19] =	ssyncadd.s32 $0xFFFFC000  }
0x4b: {  	[spmem:s16] =	stream.linear.scatter [tilespmem:s18], [sflag:$0x4], $0x4000, $0x38;
	[tilespmem:$0x1F000] =	vst v63  }
0x4c: {  	_ =	swait.ge [sflag:s19], $0x4000  }
0x4d: {  	[sflag:s19] =	ssyncset.done $0x0  }
0x4e: {  	[sflag:s19] =	ssyncadd.s32 $0xFFFFC000  }
0x4f: {  	[bflag:$0x0] =	sbarrier.arrive $0xFFFF  }
0x50: {  	s12 =	simm.s32 $0x0;
	s17 =	rddreg [dreg:$0x8]  }
0x51: {  	[tilespmem:s12], [sflag:$0x4] =	stream.linear.gather [hbm4b:s17+s12], $0x2800, $0x38;
	[tilespmem:$0x1F000] =	vst v63  }
0x52: {  	_ =	swait.ge [sflag:s19], $0x2800  }
0x53: {  	[sflag:s19] =	ssyncset.done $0x0  }
0x54: {  	s26 =	rddreg [dreg:$0x9];
	[sflag:s19] =	ssyncadd.s32 $0xFFFFD800  }
0x55: {  	[tilespmem:s20], [sflag:$0x4] =	stream.linear.gather [hbm4b:s26+s12], $0x400, $0x38;
	[tilespmem:$0x1F000] =	vst v63  }
0x56: {  	_ =	swait.ge [sflag:s19], $0x400  }
0x57: {  	[sflag:s19] =	ssyncset.done $0x0  }
0x58: {  	s28 =	rddreg [dreg:$0xa];
	[sflag:s19] =	ssyncadd.s32 $0xFFFFFC00  }
0x59: {  	[tilespmem:s21], [sflag:$0x3] =	stream.linear.gather [hbm4b:s28+s12], $0x400, $0x38;
	[tilespmem:$0x1F000] =	vst v63  }
0x5a: {  	s17 =	rddreg [dreg:$0xe]  }
0x5b: {  	[tilespmem:s18], [sflag:$0x1] =	stream.indirect.gather [hbm4b:s4+s22], $0x80, s12, s22, $0xb8;
	[tilespmem:$0x1F000] =	vst v63  }
0x5c: {  	s6 =	rddreg [dreg:$0xd]  }
0x5d: {  	[tilespmem:s23], [sflag:$0x2] =	stream.indirect.gather [hbm4b:s4+s22], $0x80, s22, s22, $0xb8;
	[tilespmem:$0x1F000] =	vst v63  }
.LBB2_4:
0x5e: {  	p0 =	seq.s32 s12, $0x0  }
0x5f: {  	s16 =	simm.s32 @!p0 $0x3  }
0x60: {  	_ =	swait.ge @!p0 [sflag:s16], $0x400  }
0x61: {  	[sflag:s16] =	ssyncset.done @!p0 $0x0  }
0x62: {  	[sflag:s16] =	ssyncadd.s32 @!p0 $0xFFFFFC00  }
0x63: {  	_ =	swait.ge [sflag:s24], $0x4000  }
0x64: {  	[sflag:s24] =	ssyncset.done $0x0  }
0x65: {  	[sflag:s24] =	ssyncadd.s32 $0xFFFFC000  }
0x66: {  	[spmem:s2] =	stream.indirect.scatter.add.f32 [tilespmem:s18], [sflag:$0x4], $0x80, s20, s22, $0xb8;
	[tilespmem:$0x1F000] =	vst v63  }
0x67: {  	_ =	swait.ge [sflag:s19], $0x4000  }
0x68: {  	s16 =	sshra.s32 s12, $0x2;
	[sflag:s19] =	ssyncset.done $0x0  }
0x69: {  	s3 =	sadd.s32 $0x100, s16;
	[sflag:s19] =	ssyncadd.s32 $0xFFFFC000  }
0x6a: {  	[tilespmem:s18], [sflag:$0x1] =	stream.indirect.gather [hbm4b:s4+s22], $0x80, s3, s22, $0xb8;
	[tilespmem:$0x1F000] =	vst v63  }
0x6b: {  	_ =	swait.ge [sflag:s25], $0x4000  }
0x6c: {  	[sflag:s25] =	ssyncset.done $0x0  }
0x6d: {  	s26 =	simm.s32 $0x2880;
	[sflag:s25] =	ssyncadd.s32 $0xFFFFC000  }
0x6e: {  	[spmem:s2] =	stream.indirect.scatter.add.f32 [tilespmem:s23], [sflag:$0x4], $0x80, s26, s22, $0xb8;
	[tilespmem:$0x1F000] =	vst v63  }
0x6f: {  	_ =	swait.ge [sflag:s19], $0x4000  }
0x70: {  	[sflag:s19] =	ssyncset.done $0x0  }
0x71: {  	s28 =	sadd.s32 $0x180, s16;
	[sflag:s19] =	ssyncadd.s32 $0xFFFFC000  }
0x72: {  	[tilespmem:s23], [sflag:$0x2] =	stream.indirect.gather [hbm4b:s4+s22], $0x80, s28, s22, $0xb8;
	[tilespmem:$0x1F000] =	vst v63  }
0x73: {  	_ =	swait.ge [sflag:s24], $0x4000  }
0x74: {  	[sflag:s24] =	ssyncset.done $0x0  }
0x75: {  	s26 =	simm.s32 $0x2900;
	[sflag:s24] =	ssyncadd.s32 $0xFFFFC000  }
0x76: {  	[spmem:s2] =	stream.indirect.scatter.add.f32 [tilespmem:s18], [sflag:$0x4], $0x80, s26, s22, $0xb8;
	[tilespmem:$0x1F000] =	vst v63  }
0x77: {  	_ =	swait.ge [sflag:s19], $0x4000  }
0x78: {  	[sflag:s19] =	ssyncset.done $0x0  }
0x79: {  	s28 =	sadd.s32 $0x200, s16;
	[sflag:s19] =	ssyncadd.s32 $0xFFFFC000  }
0x7a: {  	[tilespmem:s18], [sflag:$0x1] =	stream.indirect.gather [hbm4b:s4+s22], $0x80, s28, s22, $0xb8;
	[tilespmem:$0x1F000] =	vst v63  }
0x7b: {  	_ =	swait.ge [sflag:s25], $0x4000  }
0x7c: {  	[sflag:s25] =	ssyncset.done $0x0  }
0x7d: {  	s26 =	simm.s32 $0x2980;
	[sflag:s25] =	ssyncadd.s32 $0xFFFFC000  }
0x7e: {  	[spmem:s2] =	stream.indirect.scatter.add.f32 [tilespmem:s23], [sflag:$0x4], $0x80, s26, s22, $0xb8;
	[tilespmem:$0x1F000] =	vst v63  }
0x7f: {  	_ =	swait.ge [sflag:s19], $0x4000  }
0x80: {  	[sflag:s19] =	ssyncset.done $0x0  }
0x81: {  	s28 =	sadd.s32 $0x280, s16;
	[sflag:s19] =	ssyncadd.s32 $0xFFFFC000  }
0x82: {  	[tilespmem:s23], [sflag:$0x2] =	stream.indirect.gather [hbm4b:s4+s22], $0x80, s28, s22, $0xb8;
	[tilespmem:$0x1F000] =	vst v63  }
0x83: {  	_ =	swait.ge [sflag:s24], $0x4000  }
0x84: {  	[sflag:s24] =	ssyncset.done $0x0  }
0x85: {  	[sflag:s24] =	ssyncadd.s32 $0xFFFFC000  }
0x86: {  	[spmem:s2] =	stream.indirect.scatter.add.f32 [tilespmem:s18], [sflag:$0x4], $0x80, s30, s22, $0xb8;
	[tilespmem:$0x1F000] =	vst v63  }
0x87: {  	_ =	swait.ge [sflag:s19], $0x4000  }
0x88: {  	[sflag:s19] =	ssyncset.done $0x0  }
0x89: {  	s26 =	sadd.s32 $0x300, s16;
	[sflag:s19] =	ssyncadd.s32 $0xFFFFC000  }
0x8a: {  	[tilespmem:s18], [sflag:$0x1] =	stream.indirect.gather [hbm4b:s4+s22], $0x80, s26, s22, $0xb8;
	[tilespmem:$0x1F000] =	vst v63  }
0x8b: {  	_ =	swait.ge [sflag:s25], $0x4000  }
0x8c: {  	[sflag:s25] =	ssyncset.done $0x0  }
0x8d: {  	[sflag:s25] =	ssyncadd.s32 $0xFFFFC000  }
0x8e: {  	[spmem:s2] =	stream.indirect.scatter.add.f32 [tilespmem:s23], [sflag:$0x4], $0x80, s31, s22, $0xb8;
	[tilespmem:$0x1F000] =	vst v63  }
0x8f: {  	_ =	swait.ge [sflag:s19], $0x4000  }
0x90: {  	[sflag:s19] =	ssyncset.done $0x0  }
0x91: {  	s28 =	sadd.s32 $0x380, s16;
	[sflag:s19] =	ssyncadd.s32 $0xFFFFC000  }
0x92: {  	[tilespmem:s23], [sflag:$0x2] =	stream.indirect.gather [hbm4b:s4+s22], $0x80, s28, s22, $0xb8;
	[tilespmem:$0x1F000] =	vst v63  }
0x93: {  	_ =	swait.ge [sflag:s24], $0x4000  }
0x94: {  	[sflag:s24] =	ssyncset.done $0x0  }
0x95: {  	[sflag:s24] =	ssyncadd.s32 $0xFFFFC000  }
0x96: {  	[spmem:s2] =	stream.indirect.scatter.add.f32 [tilespmem:s18], [sflag:$0x4], $0x80, s0, s22, $0xb8;
	[tilespmem:$0x1F000] =	vst v63  }
0x97: {  	_ =	swait.ge [sflag:s19], $0x4000  }
0x98: {  	[sflag:s19] =	ssyncset.done $0x0  }
0x99: {  	s26 =	sadd.s32 $0x400, s16;
	[sflag:s19] =	ssyncadd.s32 $0xFFFFC000  }
0x9a: {  	[tilespmem:s18], [sflag:$0x1] =	stream.indirect.gather [hbm4b:s4+s22], $0x80, s26, s22, $0xb8;
	[tilespmem:$0x1F000] =	vst v63  }
0x9b: {  	_ =	swait.ge [sflag:s25], $0x4000  }
0x9c: {  	[sflag:s25] =	ssyncset.done $0x0  }
0x9d: {  	[sflag:s25] =	ssyncadd.s32 $0xFFFFC000  }
0x9e: {  	[spmem:s2] =	stream.indirect.scatter.add.f32 [tilespmem:s23], [sflag:$0x4], $0x80, s1, s22, $0xb8;
	[tilespmem:$0x1F000] =	vst v63  }
0x9f: {  	_ =	swait.ge [sflag:s19], $0x4000  }
0xa0: {  	[sflag:s19] =	ssyncset.done $0x0  }
0xa1: {  	p0 =	seq.s32 s12, $0x8000;
	s28 =	sadd.s32 $0x480, s16;
	[sflag:s19] =	ssyncadd.s32 $0xFFFFC000  }
0xa2: {  	[tilespmem:s23], [sflag:$0x2] =	stream.indirect.gather [hbm4b:s4+s22], $0x80, s28, s22, $0xb8;
	[tilespmem:$0x1F000] =	vst v63  }
0xa3: {  	s3 =	sshrl.u32 @!p0 s17, $0x3;
	_ =	swait.ge [sflag:s7], $0x400  }
0xa4: {  	s3 =	sadd.s32 @!p0 s5, s3;
	[sflag:s7] =	ssyncset.done $0x0  }
0xa5: {  	s26 =	simm.s32 @!p0 $0x0;
	s28 =	simm.s32 @!p0 $0x2800;
	[sflag:s7] =	ssyncadd.s32 $0xFFFFFC00  }
0xa6: {  	[tilespmem:s28], [sflag:$0x3] =	stream.linear.gather @!p0 [hbm4b:s3+s26], $0x400, $0x38;
	[tilespmem:$0x1F000] =	vst v63  }
0xa7: {  	_ =	swait.ge [sflag:s24], $0x4000  }
0xa8: {  	[sflag:s24] =	ssyncset.done $0x0  }
0xa9: {  	[sflag:s24] =	ssyncadd.s32 $0xFFFFC000  }
0xaa: {  	[spmem:s2] =	stream.indirect.scatter.add.f32 [tilespmem:s18], [sflag:$0x4], $0x80, s21, s22, $0xb8;
	[tilespmem:$0x1F000] =	vst v63  }
0xab: {  	_ =	swait.ge [sflag:s19], $0x4000  }
0xac: {  	[sflag:s19] =	ssyncset.done $0x0  }
0xad: {  	s26 =	sadd.s32 $0x500, s16;
	[sflag:s19] =	ssyncadd.s32 $0xFFFFC000  }
0xae: {  	[tilespmem:s18], [sflag:$0x1] =	stream.indirect.gather [hbm4b:s4+s22], $0x80, s26, s22, $0xb8;
	[tilespmem:$0x1F000] =	vst v63  }
0xaf: {  	_ =	swait.ge [sflag:s25], $0x4000  }
0xb0: {  	[sflag:s25] =	ssyncset.done $0x0  }
0xb1: {  	[sflag:s25] =	ssyncadd.s32 $0xFFFFC000  }
0xb2: {  	[spmem:s2] =	stream.indirect.scatter.add.f32 [tilespmem:s23], [sflag:$0x4], $0x80, s8, s22, $0xb8;
	[tilespmem:$0x1F000] =	vst v63  }
0xb3: {  	_ =	swait.ge [sflag:s19], $0x4000  }
0xb4: {  	[sflag:s19] =	ssyncset.done $0x0  }
0xb5: {  	s28 =	sadd.s32 $0x580, s16;
	[sflag:s19] =	ssyncadd.s32 $0xFFFFC000  }
0xb6: {  	[tilespmem:s23], [sflag:$0x2] =	stream.indirect.gather [hbm4b:s4+s22], $0x80, s28, s22, $0xb8;
	[tilespmem:$0x1F000] =	vst v63  }
0xb7: {  	_ =	swait.ge [sflag:s24], $0x4000  }
0xb8: {  	[sflag:s24] =	ssyncset.done $0x0  }
0xb9: {  	[sflag:s24] =	ssyncadd.s32 $0xFFFFC000  }
0xba: {  	[spmem:s2] =	stream.indirect.scatter.add.f32 [tilespmem:s18], [sflag:$0x4], $0x80, s9, s22, $0xb8;
	[tilespmem:$0x1F000] =	vst v63  }
0xbb: {  	_ =	swait.ge [sflag:s19], $0x4000  }
0xbc: {  	[sflag:s19] =	ssyncset.done $0x0  }
0xbd: {  	s26 =	sadd.s32 $0x600, s16;
	[sflag:s19] =	ssyncadd.s32 $0xFFFFC000  }
0xbe: {  	[tilespmem:s18], [sflag:$0x1] =	stream.indirect.gather [hbm4b:s4+s22], $0x80, s26, s22, $0xb8;
	[tilespmem:$0x1F000] =	vst v63  }
0xbf: {  	_ =	swait.ge [sflag:s25], $0x4000  }
0xc0: {  	[sflag:s25] =	ssyncset.done $0x0  }
0xc1: {  	[sflag:s25] =	ssyncadd.s32 $0xFFFFC000  }
0xc2: {  	[spmem:s2] =	stream.indirect.scatter.add.f32 [tilespmem:s23], [sflag:$0x4], $0x80, s10, s22, $0xb8;
	[tilespmem:$0x1F000] =	vst v63  }
0xc3: {  	_ =	swait.ge [sflag:s19], $0x4000  }
0xc4: {  	[sflag:s19] =	ssyncset.done $0x0  }
0xc5: {  	s28 =	sadd.s32 $0x680, s16;
	[sflag:s19] =	ssyncadd.s32 $0xFFFFC000  }
0xc6: {  	[tilespmem:s23], [sflag:$0x2] =	stream.indirect.gather [hbm4b:s4+s22], $0x80, s28, s22, $0xb8;
	[tilespmem:$0x1F000] =	vst v63  }
0xc7: {  	_ =	swait.ge [sflag:s24], $0x4000  }
0xc8: {  	[sflag:s24] =	ssyncset.done $0x0  }
0xc9: {  	[sflag:s24] =	ssyncadd.s32 $0xFFFFC000  }
0xca: {  	[spmem:s2] =	stream.indirect.scatter.add.f32 [tilespmem:s18], [sflag:$0x4], $0x80, s11, s22, $0xb8;
	[tilespmem:$0x1F000] =	vst v63  }
0xcb: {  	_ =	swait.ge [sflag:s19], $0x4000  }
0xcc: {  	[sflag:s19] =	ssyncset.done $0x0  }
0xcd: {  	s26 =	sadd.s32 $0x700, s16;
	[sflag:s19] =	ssyncadd.s32 $0xFFFFC000  }
0xce: {  	[tilespmem:s18], [sflag:$0x1] =	stream.indirect.gather [hbm4b:s4+s22], $0x80, s26, s22, $0xb8;
	[tilespmem:$0x1F000] =	vst v63  }
0xcf: {  	_ =	swait.ge [sflag:s25], $0x4000  }
0xd0: {  	[sflag:s25] =	ssyncset.done $0x0  }
0xd1: {  	[sflag:s25] =	ssyncadd.s32 $0xFFFFC000  }
0xd2: {  	[spmem:s2] =	stream.indirect.scatter.add.f32 [tilespmem:s23], [sflag:$0x4], $0x80, s13, s22, $0xb8;
	[tilespmem:$0x1F000] =	vst v63  }
0xd3: {  	_ =	swait.ge [sflag:s19], $0x4000  }
0xd4: {  	[sflag:s19] =	ssyncset.done $0x0  }
0xd5: {  	s28 =	sadd.s32 $0x780, s16;
	[sflag:s19] =	ssyncadd.s32 $0xFFFFC000  }
0xd6: {  	[tilespmem:s23], [sflag:$0x2] =	stream.indirect.gather [hbm4b:s4+s22], $0x80, s28, s22, $0xb8;
	[tilespmem:$0x1F000] =	vst v63  }
0xd7: {  	_ =	swait.ge [sflag:s24], $0x4000  }
0xd8: {  	[sflag:s24] =	ssyncset.done $0x0  }
.Ltmp3:
0xd9: {  	[sflag:s24] =	ssyncadd.s32 $0xFFFFC000;
	(pc) =	sbr.rel @p0 .LBB2_6-.Ltmp3, $4  }
0xda: {  	[spmem:s2] =	stream.indirect.scatter.add.f32 [tilespmem:s18], [sflag:$0x4], $0x80, s14, s22, $0xb8;
	[tilespmem:$0x1F000] =	vst v63  }
0xdb: {  	_ =	swait.ge [sflag:s19], $0x4000  }
0xdc: {  	[sflag:s19] =	ssyncset.done $0x0  }
0xdd: {  	[sflag:s19] =	ssyncadd.s32 $0xFFFFC000  }
0xde: {  	s3 =	sadd.s32 $0x800, s16  }
0xdf: {  	[tilespmem:s18], [sflag:$0x1] =	stream.indirect.gather [hbm4b:s4+s22], $0x80, s3, s22, $0xb8;
	[tilespmem:$0x1F000] =	vst v63  }
0xe0: {  	_ =	swait.ge [sflag:s25], $0x4000  }
0xe1: {  	[sflag:s25] =	ssyncset.done $0x0  }
0xe2: {  	[sflag:s25] =	ssyncadd.s32 $0xFFFFC000  }
0xe3: {  	[spmem:s2] =	stream.indirect.scatter.add.f32 [tilespmem:s23], [sflag:$0x4], $0x80, s15, s22, $0xb8;
	[tilespmem:$0x1F000] =	vst v63  }
0xe4: {  	_ =	swait.ge [sflag:s19], $0x4000  }
0xe5: {  	[sflag:s19] =	ssyncset.done $0x0  }
.Ltmp4:
0xe6: {  	s28 =	sadd.s32 $0x880, s16;
	[sflag:s19] =	ssyncadd.s32 $0xFFFFC000;
	(pc) =	sbr.rel .LBB2_4-.Ltmp4, $4  }
0xe7: {  	[tilespmem:s23], [sflag:$0x2] =	stream.indirect.gather [hbm4b:s4+s22], $0x80, s28, s22, $0xb8;
	[tilespmem:$0x1F000] =	vst v63  }
0xe8: {  	_ = 	snop  }
0xe9: {  	[tilespmem:s21], [sflag:$0x3] =	stream.linear.gather [hbm4b:s6+s29], $0x400, $0x38;
	[tilespmem:$0x1F000] =	vst v63  }
0xea: {  	s17 =	sadd.s32 $0x800, s17;
	s12 =	sadd.s32 $0x2000, s12;
	s6 =	sadd.s32 $0x100, s6  }
.LBB2_7:
0xeb: {  	_ =	sfence.sel $0x180000  }
0xec: {  	[bflag:$0x0] =	sbarrier.arrive $0xFFFF  }
0xed: {  	_ =	strace $0x9000004A  }
0xee: {  	s0 =	stileid.u32;
	[bflag:$0x2] =	sbarrier.arrive $0xFFFF  }
0xef: {  	p0 =	sne.s32 s0, $0x0;
	s0 =	rddreg [dreg:$0x2]  }
0xf0: {  	s0 =	sadd.s32 @!p0 $0x100000, s0  }
0xf1: {  	[sflag:s0] =	ssyncadd.tile.s32 @!p0 $0x1;
	_ =	shalt  }
.Lfunc_end2:
_tile_overlayer_lowered:
.L_overlay_start_2:
0xf2: {  	(tag) =	ssettag $0x2  }
0xf3: {  	s0 =	rddreg [dreg:$0x0];
	s2 =	stileid.u32  }
0xf4: {  	s1 =	rddreg [dreg:$0x1];
	p0 =	sne.s32 s2, $0x0  }
0xf5: {  	s3 =	rddreg [dreg:$0x2];
	[bflag:$0x3] =	sbarrier.arrive $0xFFFF;
	s2 =	simm.s32 @!p0 $0x1C04  }
0xf6: {  	[timem:s3], [sflag:s2] =	dma.local @!p0 [hbm:s0], s1  }
0xf7: {  	s0 =	simm.s32 @!p0 $0x4  }
0xf8: {  	_ =	swait.ge @!p0 [sflag:s0], s1  }
0xf9: {  	s1 =	ssub.s32 @!p0 $0x0, s1;
	[sflag:s0] =	ssyncset.done @!p0 $0x0  }
0xfa: {  	[sflag:s0] =	ssyncadd.s32 @!p0 s1  }
0xfb: {  	[bflag:$0x3] =	sbarrier.arrive $0xFFFF  }
0xfc: {  	_ =	shalt  }

</sc_bundles>
